<compile_context>
chip_gen: v7x
topology: tpu7x:2x2x1
jax: 0.10.2.dev20260603
libtpu: 0.0.44.dev20260713+nightly
codegen_flags: <defaults>
</compile_context>

<pallas_src>
import functools
import math

import jax
import jax.numpy as jnp
from jax import lax
from jax.experimental import pallas as pl
from jax.experimental.pallas import tpu as pltpu
from jax.experimental.pallas import tpu_sc as plsc

_NUM_CORES = 2
_NUM_SUBCORES = 16
_NUM_WORKERS = _NUM_CORES * _NUM_SUBCORES
_LANES = 16


def _emb_body(batch, seq, d_emb, scale,
              x_hbm, table_hbm, pos_hbm, out_hbm,
              idx_v, rows_v, pos_v,
              si, sp, sg0, sg1, sg2, sg3, sg4, sg5, sg6, sg7, sw):
    wid = lax.axis_index("s") * _NUM_CORES + lax.axis_index("c")
    seq_per_w = seq // _NUM_WORKERS
    seq_base = wid * seq_per_w
    n_col_chunks = d_emb // _LANES
    half = seq_per_w // 2
    gather_sems = ((sg0, sg1), (sg2, sg3), (sg4, sg5), (sg6, sg7))

    idx_cps = [
        pltpu.async_copy(x_hbm.at[c, pl.ds(seq_base, seq_per_w)], idx_v.at[c], si)
        for c in range(batch)
    ]
    for cp in idx_cps:
        cp.wait()

    def start_gather(c, h):
        return pltpu.async_copy(
            table_hbm.at[idx_v.at[c, pl.ds(h * half, half)]],
            rows_v.at[c, pl.ds(h * half, half)], gather_sems[c][h])

    gathers = [[None, None] for _ in range(batch)]
    gathers[0][0] = start_gather(0, 0)
    gathers[1][0] = start_gather(1, 0)
    pos_cp = pltpu.async_copy(pos_hbm.at[pl.ds(seq_base, seq_per_w)], pos_v, sp)
    for c, h in ((0, 1), (1, 1), (2, 0), (3, 0), (2, 1), (3, 1)):
        gathers[c][h] = start_gather(c, h)
    pos_cp.wait()

    writebacks = []
    for pair in range(batch // 2):
        c0, c1 = 2 * pair, 2 * pair + 1

        def row(r, carry, _c0=c0, _c1=c1):
            slices = [pl.ds(cc * _LANES, _LANES) for cc in range(n_col_chunks)]
            pos_regs = [pos_v[r, sl] for sl in slices]
            for c in (_c0, _c1):
                for cc, sl in enumerate(slices):
                    rows_v[c, r, sl] = rows_v[c, r, sl] * scale + pos_regs[cc]
            return carry

        for h in range(2):
            gathers[c0][h].wait()
            gathers[c1][h].wait()
            lax.fori_loop(h * half, (h + 1) * half, row, 0)
            for c in (c0, c1):
                writebacks.append(
                    pltpu.async_copy(
                        rows_v.at[c, pl.ds(h * half, half)],
                        out_hbm.at[c, pl.ds(seq_base + h * half, half)], sw))
    for wb in writebacks:
        wb.wait()


def kernel(x, table, pos_encoding):
    batch, seq = x.shape
    _, d_emb = table.shape
    seq_per_w = seq // _NUM_WORKERS
    scale = math.sqrt(d_emb)

    mesh = plsc.VectorSubcoreMesh(core_axis_name="c", subcore_axis_name="s")
    body = functools.partial(_emb_body, batch, seq, d_emb, scale)
    run = pl.kernel(
        body,
        mesh=mesh,
        out_type=jax.ShapeDtypeStruct((batch, seq, d_emb), jnp.float32),
        scratch_types=[
            pltpu.VMEM((batch, seq_per_w), jnp.int32),
            pltpu.VMEM((batch, seq_per_w, d_emb), jnp.float32),
            pltpu.VMEM((seq_per_w, d_emb), jnp.float32),
            pltpu.SemaphoreType.DMA,
            pltpu.SemaphoreType.DMA,
            pltpu.SemaphoreType.DMA,
            pltpu.SemaphoreType.DMA,
            pltpu.SemaphoreType.DMA,
            pltpu.SemaphoreType.DMA,
            pltpu.SemaphoreType.DMA,
            pltpu.SemaphoreType.DMA,
            pltpu.SemaphoreType.DMA,
            pltpu.SemaphoreType.DMA,
            pltpu.SemaphoreType.DMA,
        ],
    )
    return run(x, table, pos_encoding[:seq])

# --- scband reference (transcript-rebuilt; emitter-appended) ---
"""Pipeline reference for scband-positional-embedding-2379411882146 (READ-ONLY COPY).

The authoritative reference and input builder live on the scoring server;
editing this copy changes nothing except your own understanding.
"""

import jax, jax.numpy as jnp
import numpy as np
import math

VOCAB = 100000
D_EMB = 128
SEQ_CAP = 2048
BATCH = 4
SEQ = 2048

def positional_encoding(seq_len, depth):
    d = depth / 2
    positions = np.arange(seq_len)[:, np.newaxis]
    dd = np.arange(d)[np.newaxis, :] / d
    angle_rates = 1 / 10000 ** dd
    angle_rads = positions * angle_rates
    pos_encoding = np.concatenate([np.sin(angle_rads), np.cos(angle_rads)], axis=-1)
    return jnp.asarray(pos_encoding, dtype=jnp.float32)

def setup_inputs(seed: int = 0) -> dict:
    key = jax.random.key(seed)
    k1, k2 = jax.random.split(key)
    x = jax.random.randint(k1, (BATCH, SEQ), 0, VOCAB, dtype=jnp.int32)
    # embedding table, uniform(-0.05, 0.05), padding_idx=0 row zeroed
    table = jax.random.uniform(k2, (VOCAB, D_EMB), minval=-0.05, maxval=0.05, dtype=jnp.float32)
    table = table.at[0].set(0.0)
    pos_encoding = positional_encoding(SEQ_CAP, D_EMB)
    return {"x": x, "table": table, "pos_encoding": pos_encoding}

def reference(x, table, pos_encoding):
    seq_len = x.shape[1]
    d_emb = table.shape[1]
    emb = jnp.take(table, x, axis=0)
    emb = emb * math.sqrt(d_emb)
    return emb + pos_encoding[:seq_len, :][None, :, :]

if __name__ == "__main__":
    import jax
    _d = setup_inputs()
    print(jax.jit(kernel)(*tuple(_d.values())))

</pallas_src>

<mosaic_0001>
#map = affine_map<(d0, d1) -> (0, 0)>
#map1 = affine_map<(d0, d1) -> (0, 0, 0)>
module attributes {stable_mosaic.version = 14 : i64} {
  func.func @_emb_body(%arg0: i32, %arg1: i32, %arg2: memref<4x2048xi32, #tpu.memory_space<hbm>>, %arg3: memref<100000x128xf32, #tpu.memory_space<hbm>>, %arg4: memref<2048x128xf32, #tpu.memory_space<hbm>>, %arg5: memref<4x2048x128xf32, #tpu.memory_space<hbm>>, %arg6: memref<4x64xi32, #tpu.memory_space<vmem>>, %arg7: memref<4x64x128xf32, #tpu.memory_space<vmem>>, %arg8: memref<64x128xf32, #tpu.memory_space<vmem>>, %arg9: memref<!tpu.dma_semaphore, #tpu.memory_space<semaphore_mem>>, %arg10: memref<!tpu.dma_semaphore, #tpu.memory_space<semaphore_mem>>, %arg11: memref<!tpu.dma_semaphore, #tpu.memory_space<semaphore_mem>>, %arg12: memref<!tpu.dma_semaphore, #tpu.memory_space<semaphore_mem>>, %arg13: memref<!tpu.dma_semaphore, #tpu.memory_space<semaphore_mem>>, %arg14: memref<!tpu.dma_semaphore, #tpu.memory_space<semaphore_mem>>, %arg15: memref<!tpu.dma_semaphore, #tpu.memory_space<semaphore_mem>>, %arg16: memref<!tpu.dma_semaphore, #tpu.memory_space<semaphore_mem>>, %arg17: memref<!tpu.dma_semaphore, #tpu.memory_space<semaphore_mem>>, %arg18: memref<!tpu.dma_semaphore, #tpu.memory_space<semaphore_mem>>, %arg19: memref<!tpu.dma_semaphore, #tpu.memory_space<semaphore_mem>>) attributes {dimension_semantics = [#tpu.dimension_semantics<core_parallel>, #tpu.dimension_semantics<subcore_parallel>], iteration_bounds = array<i64: 2, 16>, scalar_prefetch = 0 : i64, scratch_operands = 14 : i64, tpu.core_type = #tpu.core_type<sc_vector_subcore>, window_params = [{transform_indices = #map}, {transform_indices = #map}, {transform_indices = #map}, {transform_indices = #map1}]} {
    %mul3A = arith.constant 2 : i32
    %mul3A_0 = arith.muli %arg1, %mul3A : i32
    %add3A = arith.addi %mul3A_0, %arg0 : i32
    %mul3A_1 = arith.constant 64 : i32
    %mul3A_2 = arith.muli %add3A, %mul3A_1 : i32
    %dma_start3A = arith.constant 0 : i32
    %dma_start3A_3 = arith.constant 0 : i32
    %dma_start3A_4 = arith.constant 0 : i32
    %dma_start3A_5 = tpu.memref_slice %arg6[%dma_start3A_3, %dma_start3A_4] : memref<4x64xi32, #tpu.memory_space<vmem>> -> memref<1x64xi32, #tpu.memory_space<vmem>>
    %dma_start3A_6 = tpu.memref_squeeze %dma_start3A_5 : memref<1x64xi32, #tpu.memory_space<vmem>> -> memref<64xi32, #tpu.memory_space<vmem>>
    %dma_start3A_7 = tpu.memref_slice %arg2[%dma_start3A, %mul3A_2] : memref<4x2048xi32, #tpu.memory_space<hbm>> -> memref<1x64xi32, #tpu.memory_space<hbm>>
    %dma_start3A_8 = tpu.memref_squeeze %dma_start3A_7 : memref<1x64xi32, #tpu.memory_space<hbm>> -> memref<64xi32, #tpu.memory_space<hbm>>
    %dma_start3A_9 = arith.constant 0 : i32
    %dma_start3A_10 = tpu.memref_slice %arg6[%dma_start3A_3, %dma_start3A_9] : memref<4x64xi32, #tpu.memory_space<vmem>> -> memref<1x64xi32, #tpu.memory_space<vmem>>
    %dma_start3A_11 = tpu.memref_squeeze %dma_start3A_10 : memref<1x64xi32, #tpu.memory_space<vmem>> -> memref<64xi32, #tpu.memory_space<vmem>>
    %dma_start3A_12 = tpu.memref_slice %arg2[%dma_start3A, %mul3A_2] : memref<4x2048xi32, #tpu.memory_space<hbm>> -> memref<1x64xi32, #tpu.memory_space<hbm>>
    %dma_start3A_13 = tpu.memref_squeeze %dma_start3A_12 : memref<1x64xi32, #tpu.memory_space<hbm>> -> memref<64xi32, #tpu.memory_space<hbm>>
    tpu.enqueue_dma source(%dma_start3A_13 : memref<64xi32, #tpu.memory_space<hbm>>) target(%dma_start3A_11 : memref<64xi32, #tpu.memory_space<vmem>>) target_semaphore(%arg9 : memref<!tpu.dma_semaphore, #tpu.memory_space<semaphore_mem>>)
    %dma_start3A_14 = arith.constant 1 : i32
    %dma_start3A_15 = arith.constant 1 : i32
    %dma_start3A_16 = arith.constant 0 : i32
    %dma_start3A_17 = tpu.memref_slice %arg6[%dma_start3A_15, %dma_start3A_16] : memref<4x64xi32, #tpu.memory_space<vmem>> -> memref<1x64xi32, #tpu.memory_space<vmem>>
    %dma_start3A_18 = tpu.memref_squeeze %dma_start3A_17 : memref<1x64xi32, #tpu.memory_space<vmem>> -> memref<64xi32, #tpu.memory_space<vmem>>
    %dma_start3A_19 = tpu.memref_slice %arg2[%dma_start3A_14, %mul3A_2] : memref<4x2048xi32, #tpu.memory_space<hbm>> -> memref<1x64xi32, #tpu.memory_space<hbm>>
    %dma_start3A_20 = tpu.memref_squeeze %dma_start3A_19 : memref<1x64xi32, #tpu.memory_space<hbm>> -> memref<64xi32, #tpu.memory_space<hbm>>
    %dma_start3A_21 = arith.constant 0 : i32
    %dma_start3A_22 = tpu.memref_slice %arg6[%dma_start3A_15, %dma_start3A_21] : memref<4x64xi32, #tpu.memory_space<vmem>> -> memref<1x64xi32, #tpu.memory_space<vmem>>
    %dma_start3A_23 = tpu.memref_squeeze %dma_start3A_22 : memref<1x64xi32, #tpu.memory_space<vmem>> -> memref<64xi32, #tpu.memory_space<vmem>>
    %dma_start3A_24 = tpu.memref_slice %arg2[%dma_start3A_14, %mul3A_2] : memref<4x2048xi32, #tpu.memory_space<hbm>> -> memref<1x64xi32, #tpu.memory_space<hbm>>
    %dma_start3A_25 = tpu.memref_squeeze %dma_start3A_24 : memref<1x64xi32, #tpu.memory_space<hbm>> -> memref<64xi32, #tpu.memory_space<hbm>>
    tpu.enqueue_dma source(%dma_start3A_25 : memref<64xi32, #tpu.memory_space<hbm>>) target(%dma_start3A_23 : memref<64xi32, #tpu.memory_space<vmem>>) target_semaphore(%arg9 : memref<!tpu.dma_semaphore, #tpu.memory_space<semaphore_mem>>)
    %dma_start3A_26 = arith.constant 2 : i32
    %dma_start3A_27 = arith.constant 2 : i32
    %dma_start3A_28 = arith.constant 0 : i32
    %dma_start3A_29 = tpu.memref_slice %arg6[%dma_start3A_27, %dma_start3A_28] : memref<4x64xi32, #tpu.memory_space<vmem>> -> memref<1x64xi32, #tpu.memory_space<vmem>>
    %dma_start3A_30 = tpu.memref_squeeze %dma_start3A_29 : memref<1x64xi32, #tpu.memory_space<vmem>> -> memref<64xi32, #tpu.memory_space<vmem>>
    %dma_start3A_31 = tpu.memref_slice %arg2[%dma_start3A_26, %mul3A_2] : memref<4x2048xi32, #tpu.memory_space<hbm>> -> memref<1x64xi32, #tpu.memory_space<hbm>>
    %dma_start3A_32 = tpu.memref_squeeze %dma_start3A_31 : memref<1x64xi32, #tpu.memory_space<hbm>> -> memref<64xi32, #tpu.memory_space<hbm>>
    %dma_start3A_33 = arith.constant 0 : i32
    %dma_start3A_34 = tpu.memref_slice %arg6[%dma_start3A_27, %dma_start3A_33] : memref<4x64xi32, #tpu.memory_space<vmem>> -> memref<1x64xi32, #tpu.memory_space<vmem>>
    %dma_start3A_35 = tpu.memref_squeeze %dma_start3A_34 : memref<1x64xi32, #tpu.memory_space<vmem>> -> memref<64xi32, #tpu.memory_space<vmem>>
    %dma_start3A_36 = tpu.memref_slice %arg2[%dma_start3A_26, %mul3A_2] : memref<4x2048xi32, #tpu.memory_space<hbm>> -> memref<1x64xi32, #tpu.memory_space<hbm>>
    %dma_start3A_37 = tpu.memref_squeeze %dma_start3A_36 : memref<1x64xi32, #tpu.memory_space<hbm>> -> memref<64xi32, #tpu.memory_space<hbm>>
    tpu.enqueue_dma source(%dma_start3A_37 : memref<64xi32, #tpu.memory_space<hbm>>) target(%dma_start3A_35 : memref<64xi32, #tpu.memory_space<vmem>>) target_semaphore(%arg9 : memref<!tpu.dma_semaphore, #tpu.memory_space<semaphore_mem>>)
    %dma_start3A_38 = arith.constant 3 : i32
    %dma_start3A_39 = arith.constant 3 : i32
    %dma_start3A_40 = arith.constant 0 : i32
    %dma_start3A_41 = tpu.memref_slice %arg6[%dma_start3A_39, %dma_start3A_40] : memref<4x64xi32, #tpu.memory_space<vmem>> -> memref<1x64xi32, #tpu.memory_space<vmem>>
    %dma_start3A_42 = tpu.memref_squeeze %dma_start3A_41 : memref<1x64xi32, #tpu.memory_space<vmem>> -> memref<64xi32, #tpu.memory_space<vmem>>
    %dma_start3A_43 = tpu.memref_slice %arg2[%dma_start3A_38, %mul3A_2] : memref<4x2048xi32, #tpu.memory_space<hbm>> -> memref<1x64xi32, #tpu.memory_space<hbm>>
    %dma_start3A_44 = tpu.memref_squeeze %dma_start3A_43 : memref<1x64xi32, #tpu.memory_space<hbm>> -> memref<64xi32, #tpu.memory_space<hbm>>
    %dma_start3A_45 = arith.constant 0 : i32
    %dma_start3A_46 = tpu.memref_slice %arg6[%dma_start3A_39, %dma_start3A_45] : memref<4x64xi32, #tpu.memory_space<vmem>> -> memref<1x64xi32, #tpu.memory_space<vmem>>
    %dma_start3A_47 = tpu.memref_squeeze %dma_start3A_46 : memref<1x64xi32, #tpu.memory_space<vmem>> -> memref<64xi32, #tpu.memory_space<vmem>>
    %dma_start3A_48 = tpu.memref_slice %arg2[%dma_start3A_38, %mul3A_2] : memref<4x2048xi32, #tpu.memory_space<hbm>> -> memref<1x64xi32, #tpu.memory_space<hbm>>
    %dma_start3A_49 = tpu.memref_squeeze %dma_start3A_48 : memref<1x64xi32, #tpu.memory_space<hbm>> -> memref<64xi32, #tpu.memory_space<hbm>>
    tpu.enqueue_dma source(%dma_start3A_49 : memref<64xi32, #tpu.memory_space<hbm>>) target(%dma_start3A_47 : memref<64xi32, #tpu.memory_space<vmem>>) target_semaphore(%arg9 : memref<!tpu.dma_semaphore, #tpu.memory_space<semaphore_mem>>)
    %dma_wait3A = arith.constant 0 : i32
    %dma_wait3A_50 = arith.constant 0 : i32
    %dma_wait3A_51 = arith.constant 0 : i32
    %dma_wait3A_52 = tpu.memref_slice %arg6[%dma_wait3A_50, %dma_wait3A_51] : memref<4x64xi32, #tpu.memory_space<vmem>> -> memref<1x64xi32, #tpu.memory_space<vmem>>
    %dma_wait3A_53 = tpu.memref_squeeze %dma_wait3A_52 : memref<1x64xi32, #tpu.memory_space<vmem>> -> memref<64xi32, #tpu.memory_space<vmem>>
    %dma_wait3A_54 = tpu.memref_slice %arg2[%dma_wait3A, %mul3A_2] : memref<4x2048xi32, #tpu.memory_space<hbm>> -> memref<1x64xi32, #tpu.memory_space<hbm>>
    %dma_wait3A_55 = tpu.memref_squeeze %dma_wait3A_54 : memref<1x64xi32, #tpu.memory_space<hbm>> -> memref<64xi32, #tpu.memory_space<hbm>>
    %dma_wait3A_56 = arith.constant 0 : i32
    %dma_wait3A_57 = tpu.memref_slice %arg6[%dma_wait3A_50, %dma_wait3A_56] : memref<4x64xi32, #tpu.memory_space<vmem>> -> memref<1x64xi32, #tpu.memory_space<vmem>>
    %dma_wait3A_58 = tpu.memref_squeeze %dma_wait3A_57 : memref<1x64xi32, #tpu.memory_space<vmem>> -> memref<64xi32, #tpu.memory_space<vmem>>
    %dma_wait3A_59 = tpu.memref_slice %arg2[%dma_wait3A, %mul3A_2] : memref<4x2048xi32, #tpu.memory_space<hbm>> -> memref<1x64xi32, #tpu.memory_space<hbm>>
    %dma_wait3A_60 = tpu.memref_squeeze %dma_wait3A_59 : memref<1x64xi32, #tpu.memory_space<hbm>> -> memref<64xi32, #tpu.memory_space<hbm>>
    tpu.wait_dma2 semaphore(%arg9 : memref<!tpu.dma_semaphore, #tpu.memory_space<semaphore_mem>>) src(%dma_wait3A_60 : memref<64xi32, #tpu.memory_space<hbm>>) dst(%dma_wait3A_58 : memref<64xi32, #tpu.memory_space<vmem>>)
    %dma_wait3A_61 = arith.constant 1 : i32
    %dma_wait3A_62 = arith.constant 1 : i32
    %dma_wait3A_63 = arith.constant 0 : i32
    %dma_wait3A_64 = tpu.memref_slice %arg6[%dma_wait3A_62, %dma_wait3A_63] : memref<4x64xi32, #tpu.memory_space<vmem>> -> memref<1x64xi32, #tpu.memory_space<vmem>>
    %dma_wait3A_65 = tpu.memref_squeeze %dma_wait3A_64 : memref<1x64xi32, #tpu.memory_space<vmem>> -> memref<64xi32, #tpu.memory_space<vmem>>
    %dma_wait3A_66 = tpu.memref_slice %arg2[%dma_wait3A_61, %mul3A_2] : memref<4x2048xi32, #tpu.memory_space<hbm>> -> memref<1x64xi32, #tpu.memory_space<hbm>>
    %dma_wait3A_67 = tpu.memref_squeeze %dma_wait3A_66 : memref<1x64xi32, #tpu.memory_space<hbm>> -> memref<64xi32, #tpu.memory_space<hbm>>
    %dma_wait3A_68 = arith.constant 0 : i32
    %dma_wait3A_69 = tpu.memref_slice %arg6[%dma_wait3A_62, %dma_wait3A_68] : memref<4x64xi32, #tpu.memory_space<vmem>> -> memref<1x64xi32, #tpu.memory_space<vmem>>
    %dma_wait3A_70 = tpu.memref_squeeze %dma_wait3A_69 : memref<1x64xi32, #tpu.memory_space<vmem>> -> memref<64xi32, #tpu.memory_space<vmem>>
    %dma_wait3A_71 = tpu.memref_slice %arg2[%dma_wait3A_61, %mul3A_2] : memref<4x2048xi32, #tpu.memory_space<hbm>> -> memref<1x64xi32, #tpu.memory_space<hbm>>
    %dma_wait3A_72 = tpu.memref_squeeze %dma_wait3A_71 : memref<1x64xi32, #tpu.memory_space<hbm>> -> memref<64xi32, #tpu.memory_space<hbm>>
    tpu.wait_dma2 semaphore(%arg9 : memref<!tpu.dma_semaphore, #tpu.memory_space<semaphore_mem>>) src(%dma_wait3A_72 : memref<64xi32, #tpu.memory_space<hbm>>) dst(%dma_wait3A_70 : memref<64xi32, #tpu.memory_space<vmem>>)
    %dma_wait3A_73 = arith.constant 2 : i32
    %dma_wait3A_74 = arith.constant 2 : i32
    %dma_wait3A_75 = arith.constant 0 : i32
    %dma_wait3A_76 = tpu.memref_slice %arg6[%dma_wait3A_74, %dma_wait3A_75] : memref<4x64xi32, #tpu.memory_space<vmem>> -> memref<1x64xi32, #tpu.memory_space<vmem>>
    %dma_wait3A_77 = tpu.memref_squeeze %dma_wait3A_76 : memref<1x64xi32, #tpu.memory_space<vmem>> -> memref<64xi32, #tpu.memory_space<vmem>>
    %dma_wait3A_78 = tpu.memref_slice %arg2[%dma_wait3A_73, %mul3A_2] : memref<4x2048xi32, #tpu.memory_space<hbm>> -> memref<1x64xi32, #tpu.memory_space<hbm>>
    %dma_wait3A_79 = tpu.memref_squeeze %dma_wait3A_78 : memref<1x64xi32, #tpu.memory_space<hbm>> -> memref<64xi32, #tpu.memory_space<hbm>>
    %dma_wait3A_80 = arith.constant 0 : i32
    %dma_wait3A_81 = tpu.memref_slice %arg6[%dma_wait3A_74, %dma_wait3A_80] : memref<4x64xi32, #tpu.memory_space<vmem>> -> memref<1x64xi32, #tpu.memory_space<vmem>>
    %dma_wait3A_82 = tpu.memref_squeeze %dma_wait3A_81 : memref<1x64xi32, #tpu.memory_space<vmem>> -> memref<64xi32, #tpu.memory_space<vmem>>
    %dma_wait3A_83 = tpu.memref_slice %arg2[%dma_wait3A_73, %mul3A_2] : memref<4x2048xi32, #tpu.memory_space<hbm>> -> memref<1x64xi32, #tpu.memory_space<hbm>>
    %dma_wait3A_84 = tpu.memref_squeeze %dma_wait3A_83 : memref<1x64xi32, #tpu.memory_space<hbm>> -> memref<64xi32, #tpu.memory_space<hbm>>
    tpu.wait_dma2 semaphore(%arg9 : memref<!tpu.dma_semaphore, #tpu.memory_space<semaphore_mem>>) src(%dma_wait3A_84 : memref<64xi32, #tpu.memory_space<hbm>>) dst(%dma_wait3A_82 : memref<64xi32, #tpu.memory_space<vmem>>)
    %dma_wait3A_85 = arith.constant 3 : i32
    %dma_wait3A_86 = arith.constant 3 : i32
    %dma_wait3A_87 = arith.constant 0 : i32
    %dma_wait3A_88 = tpu.memref_slice %arg6[%dma_wait3A_86, %dma_wait3A_87] : memref<4x64xi32, #tpu.memory_space<vmem>> -> memref<1x64xi32, #tpu.memory_space<vmem>>
    %dma_wait3A_89 = tpu.memref_squeeze %dma_wait3A_88 : memref<1x64xi32, #tpu.memory_space<vmem>> -> memref<64xi32, #tpu.memory_space<vmem>>
    %dma_wait3A_90 = tpu.memref_slice %arg2[%dma_wait3A_85, %mul3A_2] : memref<4x2048xi32, #tpu.memory_space<hbm>> -> memref<1x64xi32, #tpu.memory_space<hbm>>
    %dma_wait3A_91 = tpu.memref_squeeze %dma_wait3A_90 : memref<1x64xi32, #tpu.memory_space<hbm>> -> memref<64xi32, #tpu.memory_space<hbm>>
    %dma_wait3A_92 = arith.constant 0 : i32
    %dma_wait3A_93 = tpu.memref_slice %arg6[%dma_wait3A_86, %dma_wait3A_92] : memref<4x64xi32, #tpu.memory_space<vmem>> -> memref<1x64xi32, #tpu.memory_space<vmem>>
    %dma_wait3A_94 = tpu.memref_squeeze %dma_wait3A_93 : memref<1x64xi32, #tpu.memory_space<vmem>> -> memref<64xi32, #tpu.memory_space<vmem>>
    %dma_wait3A_95 = tpu.memref_slice %arg2[%dma_wait3A_85, %mul3A_2] : memref<4x2048xi32, #tpu.memory_space<hbm>> -> memref<1x64xi32, #tpu.memory_space<hbm>>
    %dma_wait3A_96 = tpu.memref_squeeze %dma_wait3A_95 : memref<1x64xi32, #tpu.memory_space<hbm>> -> memref<64xi32, #tpu.memory_space<hbm>>
    tpu.wait_dma2 semaphore(%arg9 : memref<!tpu.dma_semaphore, #tpu.memory_space<semaphore_mem>>) src(%dma_wait3A_96 : memref<64xi32, #tpu.memory_space<hbm>>) dst(%dma_wait3A_94 : memref<64xi32, #tpu.memory_space<vmem>>)
    %dma_start3A_97 = arith.constant 0 : i32
    %dma_start3A_98 = arith.constant 0 : i32
    %dma_start3A_99 = arith.constant 0 : i32
    %dma_start3A_100 = arith.constant 0 : i32
    %dma_start3A_101 = tpu.memref_slice %arg7[%dma_start3A_98, %dma_start3A_99, %dma_start3A_100] : memref<4x64x128xf32, #tpu.memory_space<vmem>> -> memref<1x32x128xf32, #tpu.memory_space<vmem>>
    %dma_start3A_102 = tpu.memref_squeeze %dma_start3A_101 : memref<1x32x128xf32, #tpu.memory_space<vmem>> -> memref<32x128xf32, #tpu.memory_space<vmem>>
    %dma_start3A_103 = arith.constant 0 : i32
    %dma_start3A_104 = tpu.memref_slice %arg6[%dma_start3A_97, %dma_start3A_103] : memref<4x64xi32, #tpu.memory_space<vmem>> -> memref<1x32xi32, #tpu.memory_space<vmem>>
    %dma_start3A_105 = tpu.memref_squeeze %dma_start3A_104 : memref<1x32xi32, #tpu.memory_space<vmem>> -> memref<32xi32, #tpu.memory_space<vmem>>
    %dma_start3A_106 = arith.constant 0 : i32
    %dma_start3A_107 = arith.constant 0 : i32
    %dma_start3A_108 = tpu.memref_slice %arg3[%dma_start3A_106, %dma_start3A_107] : memref<100000x128xf32, #tpu.memory_space<hbm>> -> memref<100000x128xf32, #tpu.memory_space<hbm>>
    tpu.enqueue_indirect_dma source(%dma_start3A_108 : memref<100000x128xf32, #tpu.memory_space<hbm>>) target(%dma_start3A_102 : memref<32x128xf32, #tpu.memory_space<vmem>>) offsets(%dma_start3A_105 : memref<32xi32, #tpu.memory_space<vmem>>) semaphore(%arg11 : memref<!tpu.dma_semaphore, #tpu.memory_space<semaphore_mem>>)
    %dma_start3A_109 = arith.constant 1 : i32
    %dma_start3A_110 = arith.constant 1 : i32
    %dma_start3A_111 = arith.constant 0 : i32
    %dma_start3A_112 = arith.constant 0 : i32
    %dma_start3A_113 = tpu.memref_slice %arg7[%dma_start3A_110, %dma_start3A_111, %dma_start3A_112] : memref<4x64x128xf32, #tpu.memory_space<vmem>> -> memref<1x32x128xf32, #tpu.memory_space<vmem>>
    %dma_start3A_114 = tpu.memref_squeeze %dma_start3A_113 : memref<1x32x128xf32, #tpu.memory_space<vmem>> -> memref<32x128xf32, #tpu.memory_space<vmem>>
    %dma_start3A_115 = arith.constant 0 : i32
    %dma_start3A_116 = tpu.memref_slice %arg6[%dma_start3A_109, %dma_start3A_115] : memref<4x64xi32, #tpu.memory_space<vmem>> -> memref<1x32xi32, #tpu.memory_space<vmem>>
    %dma_start3A_117 = tpu.memref_squeeze %dma_start3A_116 : memref<1x32xi32, #tpu.memory_space<vmem>> -> memref<32xi32, #tpu.memory_space<vmem>>
    %dma_start3A_118 = arith.constant 0 : i32
    %dma_start3A_119 = arith.constant 0 : i32
    %dma_start3A_120 = tpu.memref_slice %arg3[%dma_start3A_118, %dma_start3A_119] : memref<100000x128xf32, #tpu.memory_space<hbm>> -> memref<100000x128xf32, #tpu.memory_space<hbm>>
    tpu.enqueue_indirect_dma source(%dma_start3A_120 : memref<100000x128xf32, #tpu.memory_space<hbm>>) target(%dma_start3A_114 : memref<32x128xf32, #tpu.memory_space<vmem>>) offsets(%dma_start3A_117 : memref<32xi32, #tpu.memory_space<vmem>>) semaphore(%arg13 : memref<!tpu.dma_semaphore, #tpu.memory_space<semaphore_mem>>)
    %dma_start3A_121 = arith.constant 0 : i32
    %dma_start3A_122 = tpu.memref_slice %arg4[%mul3A_2, %dma_start3A_121] : memref<2048x128xf32, #tpu.memory_space<hbm>> -> memref<64x128xf32, #tpu.memory_space<hbm>>
    %dma_start3A_123 = arith.constant 0 : i32
    %dma_start3A_124 = tpu.memref_slice %arg4[%mul3A_2, %dma_start3A_123] : memref<2048x128xf32, #tpu.memory_space<hbm>> -> memref<64x128xf32, #tpu.memory_space<hbm>>
    tpu.enqueue_dma source(%dma_start3A_124 : memref<64x128xf32, #tpu.memory_space<hbm>>) target(%arg8 : memref<64x128xf32, #tpu.memory_space<vmem>>) target_semaphore(%arg10 : memref<!tpu.dma_semaphore, #tpu.memory_space<semaphore_mem>>)
    %dma_start3A_125 = arith.constant 0 : i32
    %dma_start3A_126 = arith.constant 0 : i32
    %dma_start3A_127 = arith.constant 32 : i32
    %dma_start3A_128 = arith.constant 0 : i32
    %dma_start3A_129 = tpu.memref_slice %arg7[%dma_start3A_126, %dma_start3A_127, %dma_start3A_128] : memref<4x64x128xf32, #tpu.memory_space<vmem>> -> memref<1x32x128xf32, #tpu.memory_space<vmem>>
    %dma_start3A_130 = tpu.memref_squeeze %dma_start3A_129 : memref<1x32x128xf32, #tpu.memory_space<vmem>> -> memref<32x128xf32, #tpu.memory_space<vmem>>
    %dma_start3A_131 = arith.constant 32 : i32
    %dma_start3A_132 = tpu.memref_slice %arg6[%dma_start3A_125, %dma_start3A_131] : memref<4x64xi32, #tpu.memory_space<vmem>> -> memref<1x32xi32, #tpu.memory_space<vmem>>
    %dma_start3A_133 = tpu.memref_squeeze %dma_start3A_132 : memref<1x32xi32, #tpu.memory_space<vmem>> -> memref<32xi32, #tpu.memory_space<vmem>>
    %dma_start3A_134 = arith.constant 0 : i32
    %dma_start3A_135 = arith.constant 0 : i32
    %dma_start3A_136 = tpu.memref_slice %arg3[%dma_start3A_134, %dma_start3A_135] : memref<100000x128xf32, #tpu.memory_space<hbm>> -> memref<100000x128xf32, #tpu.memory_space<hbm>>
    tpu.enqueue_indirect_dma source(%dma_start3A_136 : memref<100000x128xf32, #tpu.memory_space<hbm>>) target(%dma_start3A_130 : memref<32x128xf32, #tpu.memory_space<vmem>>) offsets(%dma_start3A_133 : memref<32xi32, #tpu.memory_space<vmem>>) semaphore(%arg12 : memref<!tpu.dma_semaphore, #tpu.memory_space<semaphore_mem>>)
    %dma_start3A_137 = arith.constant 1 : i32
    %dma_start3A_138 = arith.constant 1 : i32
    %dma_start3A_139 = arith.constant 32 : i32
    %dma_start3A_140 = arith.constant 0 : i32
    %dma_start3A_141 = tpu.memref_slice %arg7[%dma_start3A_138, %dma_start3A_139, %dma_start3A_140] : memref<4x64x128xf32, #tpu.memory_space<vmem>> -> memref<1x32x128xf32, #tpu.memory_space<vmem>>
    %dma_start3A_142 = tpu.memref_squeeze %dma_start3A_141 : memref<1x32x128xf32, #tpu.memory_space<vmem>> -> memref<32x128xf32, #tpu.memory_space<vmem>>
    %dma_start3A_143 = arith.constant 32 : i32
    %dma_start3A_144 = tpu.memref_slice %arg6[%dma_start3A_137, %dma_start3A_143] : memref<4x64xi32, #tpu.memory_space<vmem>> -> memref<1x32xi32, #tpu.memory_space<vmem>>
    %dma_start3A_145 = tpu.memref_squeeze %dma_start3A_144 : memref<1x32xi32, #tpu.memory_space<vmem>> -> memref<32xi32, #tpu.memory_space<vmem>>
    %dma_start3A_146 = arith.constant 0 : i32
    %dma_start3A_147 = arith.constant 0 : i32
    %dma_start3A_148 = tpu.memref_slice %arg3[%dma_start3A_146, %dma_start3A_147] : memref<100000x128xf32, #tpu.memory_space<hbm>> -> memref<100000x128xf32, #tpu.memory_space<hbm>>
    tpu.enqueue_indirect_dma source(%dma_start3A_148 : memref<100000x128xf32, #tpu.memory_space<hbm>>) target(%dma_start3A_142 : memref<32x128xf32, #tpu.memory_space<vmem>>) offsets(%dma_start3A_145 : memref<32xi32, #tpu.memory_space<vmem>>) semaphore(%arg14 : memref<!tpu.dma_semaphore, #tpu.memory_space<semaphore_mem>>)
    %dma_start3A_149 = arith.constant 2 : i32
    %dma_start3A_150 = arith.constant 2 : i32
    %dma_start3A_151 = arith.constant 0 : i32
    %dma_start3A_152 = arith.constant 0 : i32
    %dma_start3A_153 = tpu.memref_slice %arg7[%dma_start3A_150, %dma_start3A_151, %dma_start3A_152] : memref<4x64x128xf32, #tpu.memory_space<vmem>> -> memref<1x32x128xf32, #tpu.memory_space<vmem>>
    %dma_start3A_154 = tpu.memref_squeeze %dma_start3A_153 : memref<1x32x128xf32, #tpu.memory_space<vmem>> -> memref<32x128xf32, #tpu.memory_space<vmem>>
    %dma_start3A_155 = arith.constant 0 : i32
    %dma_start3A_156 = tpu.memref_slice %arg6[%dma_start3A_149, %dma_start3A_155] : memref<4x64xi32, #tpu.memory_space<vmem>> -> memref<1x32xi32, #tpu.memory_space<vmem>>
    %dma_start3A_157 = tpu.memref_squeeze %dma_start3A_156 : memref<1x32xi32, #tpu.memory_space<vmem>> -> memref<32xi32, #tpu.memory_space<vmem>>
    %dma_start3A_158 = arith.constant 0 : i32
    %dma_start3A_159 = arith.constant 0 : i32
    %dma_start3A_160 = tpu.memref_slice %arg3[%dma_start3A_158, %dma_start3A_159] : memref<100000x128xf32, #tpu.memory_space<hbm>> -> memref<100000x128xf32, #tpu.memory_space<hbm>>
    tpu.enqueue_indirect_dma source(%dma_start3A_160 : memref<100000x128xf32, #tpu.memory_space<hbm>>) target(%dma_start3A_154 : memref<32x128xf32, #tpu.memory_space<vmem>>) offsets(%dma_start3A_157 : memref<32xi32, #tpu.memory_space<vmem>>) semaphore(%arg15 : memref<!tpu.dma_semaphore, #tpu.memory_space<semaphore_mem>>)
    %dma_start3A_161 = arith.constant 3 : i32
    %dma_start3A_162 = arith.constant 3 : i32
    %dma_start3A_163 = arith.constant 0 : i32
    %dma_start3A_164 = arith.constant 0 : i32
    %dma_start3A_165 = tpu.memref_slice %arg7[%dma_start3A_162, %dma_start3A_163, %dma_start3A_164] : memref<4x64x128xf32, #tpu.memory_space<vmem>> -> memref<1x32x128xf32, #tpu.memory_space<vmem>>
    %dma_start3A_166 = tpu.memref_squeeze %dma_start3A_165 : memref<1x32x128xf32, #tpu.memory_space<vmem>> -> memref<32x128xf32, #tpu.memory_space<vmem>>
    %dma_start3A_167 = arith.constant 0 : i32
    %dma_start3A_168 = tpu.memref_slice %arg6[%dma_start3A_161, %dma_start3A_167] : memref<4x64xi32, #tpu.memory_space<vmem>> -> memref<1x32xi32, #tpu.memory_space<vmem>>
    %dma_start3A_169 = tpu.memref_squeeze %dma_start3A_168 : memref<1x32xi32, #tpu.memory_space<vmem>> -> memref<32xi32, #tpu.memory_space<vmem>>
    %dma_start3A_170 = arith.constant 0 : i32
    %dma_start3A_171 = arith.constant 0 : i32
    %dma_start3A_172 = tpu.memref_slice %arg3[%dma_start3A_170, %dma_start3A_171] : memref<100000x128xf32, #tpu.memory_space<hbm>> -> memref<100000x128xf32, #tpu.memory_space<hbm>>
    tpu.enqueue_indirect_dma source(%dma_start3A_172 : memref<100000x128xf32, #tpu.memory_space<hbm>>) target(%dma_start3A_166 : memref<32x128xf32, #tpu.memory_space<vmem>>) offsets(%dma_start3A_169 : memref<32xi32, #tpu.memory_space<vmem>>) semaphore(%arg17 : memref<!tpu.dma_semaphore, #tpu.memory_space<semaphore_mem>>)
    %dma_start3A_173 = arith.constant 2 : i32
    %dma_start3A_174 = arith.constant 2 : i32
    %dma_start3A_175 = arith.constant 32 : i32
    %dma_start3A_176 = arith.constant 0 : i32
    %dma_start3A_177 = tpu.memref_slice %arg7[%dma_start3A_174, %dma_start3A_175, %dma_start3A_176] : memref<4x64x128xf32, #tpu.memory_space<vmem>> -> memref<1x32x128xf32, #tpu.memory_space<vmem>>
    %dma_start3A_178 = tpu.memref_squeeze %dma_start3A_177 : memref<1x32x128xf32, #tpu.memory_space<vmem>> -> memref<32x128xf32, #tpu.memory_space<vmem>>
    %dma_start3A_179 = arith.constant 32 : i32
    %dma_start3A_180 = tpu.memref_slice %arg6[%dma_start3A_173, %dma_start3A_179] : memref<4x64xi32, #tpu.memory_space<vmem>> -> memref<1x32xi32, #tpu.memory_space<vmem>>
    %dma_start3A_181 = tpu.memref_squeeze %dma_start3A_180 : memref<1x32xi32, #tpu.memory_space<vmem>> -> memref<32xi32, #tpu.memory_space<vmem>>
    %dma_start3A_182 = arith.constant 0 : i32
    %dma_start3A_183 = arith.constant 0 : i32
    %dma_start3A_184 = tpu.memref_slice %arg3[%dma_start3A_182, %dma_start3A_183] : memref<100000x128xf32, #tpu.memory_space<hbm>> -> memref<100000x128xf32, #tpu.memory_space<hbm>>
    tpu.enqueue_indirect_dma source(%dma_start3A_184 : memref<100000x128xf32, #tpu.memory_space<hbm>>) target(%dma_start3A_178 : memref<32x128xf32, #tpu.memory_space<vmem>>) offsets(%dma_start3A_181 : memref<32xi32, #tpu.memory_space<vmem>>) semaphore(%arg16 : memref<!tpu.dma_semaphore, #tpu.memory_space<semaphore_mem>>)
    %dma_start3A_185 = arith.constant 3 : i32
    %dma_start3A_186 = arith.constant 3 : i32
    %dma_start3A_187 = arith.constant 32 : i32
    %dma_start3A_188 = arith.constant 0 : i32
    %dma_start3A_189 = tpu.memref_slice %arg7[%dma_start3A_186, %dma_start3A_187, %dma_start3A_188] : memref<4x64x128xf32, #tpu.memory_space<vmem>> -> memref<1x32x128xf32, #tpu.memory_space<vmem>>
    %dma_start3A_190 = tpu.memref_squeeze %dma_start3A_189 : memref<1x32x128xf32, #tpu.memory_space<vmem>> -> memref<32x128xf32, #tpu.memory_space<vmem>>
    %dma_start3A_191 = arith.constant 32 : i32
    %dma_start3A_192 = tpu.memref_slice %arg6[%dma_start3A_185, %dma_start3A_191] : memref<4x64xi32, #tpu.memory_space<vmem>> -> memref<1x32xi32, #tpu.memory_space<vmem>>
    %dma_start3A_193 = tpu.memref_squeeze %dma_start3A_192 : memref<1x32xi32, #tpu.memory_space<vmem>> -> memref<32xi32, #tpu.memory_space<vmem>>
    %dma_start3A_194 = arith.constant 0 : i32
    %dma_start3A_195 = arith.constant 0 : i32
    %dma_start3A_196 = tpu.memref_slice %arg3[%dma_start3A_194, %dma_start3A_195] : memref<100000x128xf32, #tpu.memory_space<hbm>> -> memref<100000x128xf32, #tpu.memory_space<hbm>>
    tpu.enqueue_indirect_dma source(%dma_start3A_196 : memref<100000x128xf32, #tpu.memory_space<hbm>>) target(%dma_start3A_190 : memref<32x128xf32, #tpu.memory_space<vmem>>) offsets(%dma_start3A_193 : memref<32xi32, #tpu.memory_space<vmem>>) semaphore(%arg18 : memref<!tpu.dma_semaphore, #tpu.memory_space<semaphore_mem>>)
    %dma_wait3A_197 = arith.constant 0 : i32
    %dma_wait3A_198 = tpu.memref_slice %arg4[%mul3A_2, %dma_wait3A_197] : memref<2048x128xf32, #tpu.memory_space<hbm>> -> memref<64x128xf32, #tpu.memory_space<hbm>>
    %dma_wait3A_199 = arith.constant 0 : i32
    %dma_wait3A_200 = tpu.memref_slice %arg4[%mul3A_2, %dma_wait3A_199] : memref<2048x128xf32, #tpu.memory_space<hbm>> -> memref<64x128xf32, #tpu.memory_space<hbm>>
    tpu.wait_dma2 semaphore(%arg10 : memref<!tpu.dma_semaphore, #tpu.memory_space<semaphore_mem>>) src(%dma_wait3A_200 : memref<64x128xf32, #tpu.memory_space<hbm>>) dst(%arg8 : memref<64x128xf32, #tpu.memory_space<vmem>>)
    %dma_wait3A_201 = arith.constant 0 : i32
    %dma_wait3A_202 = arith.constant 0 : i32
    %dma_wait3A_203 = arith.constant 0 : i32
    %dma_wait3A_204 = arith.constant 0 : i32
    %dma_wait3A_205 = tpu.memref_slice %arg7[%dma_wait3A_202, %dma_wait3A_203, %dma_wait3A_204] : memref<4x64x128xf32, #tpu.memory_space<vmem>> -> memref<1x32x128xf32, #tpu.memory_space<vmem>>
    %dma_wait3A_206 = tpu.memref_squeeze %dma_wait3A_205 : memref<1x32x128xf32, #tpu.memory_space<vmem>> -> memref<32x128xf32, #tpu.memory_space<vmem>>
    %dma_wait3A_207 = arith.constant 0 : i32
    %dma_wait3A_208 = tpu.memref_slice %arg6[%dma_wait3A_201, %dma_wait3A_207] : memref<4x64xi32, #tpu.memory_space<vmem>> -> memref<1x32xi32, #tpu.memory_space<vmem>>
    %dma_wait3A_209 = tpu.memref_squeeze %dma_wait3A_208 : memref<1x32xi32, #tpu.memory_space<vmem>> -> memref<32xi32, #tpu.memory_space<vmem>>
    %dma_wait3A_210 = arith.constant 0 : i32
    %dma_wait3A_211 = arith.constant 0 : i32
    %dma_wait3A_212 = tpu.memref_slice %arg3[%dma_wait3A_210, %dma_wait3A_211] : memref<100000x128xf32, #tpu.memory_space<hbm>> -> memref<100000x128xf32, #tpu.memory_space<hbm>>
    tpu.wait_indirect_dma semaphore(%arg11 : memref<!tpu.dma_semaphore, #tpu.memory_space<semaphore_mem>>) src(%dma_wait3A_212 : memref<100000x128xf32, #tpu.memory_space<hbm>>) dst(%dma_wait3A_206 : memref<32x128xf32, #tpu.memory_space<vmem>>)
    %dma_wait3A_213 = arith.constant 1 : i32
    %dma_wait3A_214 = arith.constant 1 : i32
    %dma_wait3A_215 = arith.constant 0 : i32
    %dma_wait3A_216 = arith.constant 0 : i32
    %dma_wait3A_217 = tpu.memref_slice %arg7[%dma_wait3A_214, %dma_wait3A_215, %dma_wait3A_216] : memref<4x64x128xf32, #tpu.memory_space<vmem>> -> memref<1x32x128xf32, #tpu.memory_space<vmem>>
    %dma_wait3A_218 = tpu.memref_squeeze %dma_wait3A_217 : memref<1x32x128xf32, #tpu.memory_space<vmem>> -> memref<32x128xf32, #tpu.memory_space<vmem>>
    %dma_wait3A_219 = arith.constant 0 : i32
    %dma_wait3A_220 = tpu.memref_slice %arg6[%dma_wait3A_213, %dma_wait3A_219] : memref<4x64xi32, #tpu.memory_space<vmem>> -> memref<1x32xi32, #tpu.memory_space<vmem>>
    %dma_wait3A_221 = tpu.memref_squeeze %dma_wait3A_220 : memref<1x32xi32, #tpu.memory_space<vmem>> -> memref<32xi32, #tpu.memory_space<vmem>>
    %dma_wait3A_222 = arith.constant 0 : i32
    %dma_wait3A_223 = arith.constant 0 : i32
    %dma_wait3A_224 = tpu.memref_slice %arg3[%dma_wait3A_222, %dma_wait3A_223] : memref<100000x128xf32, #tpu.memory_space<hbm>> -> memref<100000x128xf32, #tpu.memory_space<hbm>>
    tpu.wait_indirect_dma semaphore(%arg13 : memref<!tpu.dma_semaphore, #tpu.memory_space<semaphore_mem>>) src(%dma_wait3A_224 : memref<100000x128xf32, #tpu.memory_space<hbm>>) dst(%dma_wait3A_218 : memref<32x128xf32, #tpu.memory_space<vmem>>)
    %scan3A = arith.constant 0 : i32
    %scan3A_225 = arith.constant 0 : i32
    %scan3A_226 = arith.constant 32 : i32
    %scan3A_227 = arith.addi %scan3A_225, %scan3A_226 : i32
    %scan3A_228 = arith.constant 1 : i32
    scf.for %scan3A_592 = %scan3A_225 to %scan3A_227 step %scan3A_228  : i32 {
      %get3A = arith.index_cast %scan3A_592 : i32 to index
      %get3A_593 = arith.constant 0 : index
      %get3A_594 = tpu.vector_load %arg8[%get3A, %get3A_593] {strides = array<i32>} : memref<64x128xf32, #tpu.memory_space<vmem>>, vector<1x16xf32>,
      %get3A_595 = vector.shape_cast %get3A_594 : vector<1x16xf32> to vector<16xf32>
      %get3A_596 = arith.index_cast %scan3A_592 : i32 to index
      %get3A_597 = arith.constant 16 : index
      %get3A_598 = tpu.vector_load %arg8[%get3A_596, %get3A_597] {strides = array<i32>} : memref<64x128xf32, #tpu.memory_space<vmem>>, vector<1x16xf32>,
      %get3A_599 = vector.shape_cast %get3A_598 : vector<1x16xf32> to vector<16xf32>
      %get3A_600 = arith.index_cast %scan3A_592 : i32 to index
      %get3A_601 = arith.constant 32 : index
      %get3A_602 = tpu.vector_load %arg8[%get3A_600, %get3A_601] {strides = array<i32>} : memref<64x128xf32, #tpu.memory_space<vmem>>, vector<1x16xf32>,
      %get3A_603 = vector.shape_cast %get3A_602 : vector<1x16xf32> to vector<16xf32>
      %get3A_604 = arith.index_cast %scan3A_592 : i32 to index
      %get3A_605 = arith.constant 48 : index
      %get3A_606 = tpu.vector_load %arg8[%get3A_604, %get3A_605] {strides = array<i32>} : memref<64x128xf32, #tpu.memory_space<vmem>>, vector<1x16xf32>,
      %get3A_607 = vector.shape_cast %get3A_606 : vector<1x16xf32> to vector<16xf32>
      %get3A_608 = arith.index_cast %scan3A_592 : i32 to index
      %get3A_609 = arith.constant 64 : index
      %get3A_610 = tpu.vector_load %arg8[%get3A_608, %get3A_609] {strides = array<i32>} : memref<64x128xf32, #tpu.memory_space<vmem>>, vector<1x16xf32>,
      %get3A_611 = vector.shape_cast %get3A_610 : vector<1x16xf32> to vector<16xf32>
      %get3A_612 = arith.index_cast %scan3A_592 : i32 to index
      %get3A_613 = arith.constant 80 : index
      %get3A_614 = tpu.vector_load %arg8[%get3A_612, %get3A_613] {strides = array<i32>} : memref<64x128xf32, #tpu.memory_space<vmem>>, vector<1x16xf32>,
      %get3A_615 = vector.shape_cast %get3A_614 : vector<1x16xf32> to vector<16xf32>
      %get3A_616 = arith.index_cast %scan3A_592 : i32 to index
      %get3A_617 = arith.constant 96 : index
      %get3A_618 = tpu.vector_load %arg8[%get3A_616, %get3A_617] {strides = array<i32>} : memref<64x128xf32, #tpu.memory_space<vmem>>, vector<1x16xf32>,
      %get3A_619 = vector.shape_cast %get3A_618 : vector<1x16xf32> to vector<16xf32>
      %get3A_620 = arith.index_cast %scan3A_592 : i32 to index
      %get3A_621 = arith.constant 112 : index
      %get3A_622 = tpu.vector_load %arg8[%get3A_620, %get3A_621] {strides = array<i32>} : memref<64x128xf32, #tpu.memory_space<vmem>>, vector<1x16xf32>,
      %get3A_623 = vector.shape_cast %get3A_622 : vector<1x16xf32> to vector<16xf32>
      %get3A_624 = arith.constant 0 : i32
      %get3A_625 = arith.index_cast %get3A_624 : i32 to index
      %get3A_626 = arith.index_cast %scan3A_592 : i32 to index
      %get3A_627 = arith.constant 0 : index
      %get3A_628 = tpu.vector_load %arg7[%get3A_625, %get3A_626, %get3A_627] {strides = array<i32>} : memref<4x64x128xf32, #tpu.memory_space<vmem>>, vector<1x1x16xf32>,
      %get3A_629 = vector.shape_cast %get3A_628 : vector<1x1x16xf32> to vector<16xf32>
      %mul3A_630 = arith.constant 11.3137083 : f32
      %mul3A_631 = vector.broadcast %mul3A_630 : f32 to vector<16xf32>
      %mul3A_632 = arith.mulf %get3A_629, %mul3A_631 : vector<16xf32>
      %add3A_633 = arith.addf %mul3A_632, %get3A_595 : vector<16xf32>
      %swap3A = arith.constant 0 : i32
      %swap3A_634 = arith.index_cast %swap3A : i32 to index
      %swap3A_635 = arith.index_cast %scan3A_592 : i32 to index
      %swap3A_636 = arith.constant 0 : index
      %swap3A_637 = tpu.vector_load %arg7[%swap3A_634, %swap3A_635, %swap3A_636] {strides = array<i32>} : memref<4x64x128xf32, #tpu.memory_space<vmem>>, vector<1x1x16xf32>,
      %swap3A_638 = vector.shape_cast %swap3A_637 : vector<1x1x16xf32> to vector<16xf32>
      %swap3A_639 = vector.shape_cast %add3A_633 : vector<16xf32> to vector<1x1x16xf32>
      tpu.vector_store %arg7[%swap3A_634, %swap3A_635, %swap3A_636], %swap3A_639 {strides = array<i32>} : memref<4x64x128xf32, #tpu.memory_space<vmem>>, vector<1x1x16xf32>,
      %get3A_640 = arith.constant 0 : i32
      %get3A_641 = arith.index_cast %get3A_640 : i32 to index
      %get3A_642 = arith.index_cast %scan3A_592 : i32 to index
      %get3A_643 = arith.constant 16 : index
      %get3A_644 = tpu.vector_load %arg7[%get3A_641, %get3A_642, %get3A_643] {strides = array<i32>} : memref<4x64x128xf32, #tpu.memory_space<vmem>>, vector<1x1x16xf32>,
      %get3A_645 = vector.shape_cast %get3A_644 : vector<1x1x16xf32> to vector<16xf32>
      %mul3A_646 = arith.constant 11.3137083 : f32
      %mul3A_647 = vector.broadcast %mul3A_646 : f32 to vector<16xf32>
      %mul3A_648 = arith.mulf %get3A_645, %mul3A_647 : vector<16xf32>
      %add3A_649 = arith.addf %mul3A_648, %get3A_599 : vector<16xf32>
      %swap3A_650 = arith.constant 0 : i32
      %swap3A_651 = arith.index_cast %swap3A_650 : i32 to index
      %swap3A_652 = arith.index_cast %scan3A_592 : i32 to index
      %swap3A_653 = arith.constant 16 : index
      %swap3A_654 = tpu.vector_load %arg7[%swap3A_651, %swap3A_652, %swap3A_653] {strides = array<i32>} : memref<4x64x128xf32, #tpu.memory_space<vmem>>, vector<1x1x16xf32>,
      %swap3A_655 = vector.shape_cast %swap3A_654 : vector<1x1x16xf32> to vector<16xf32>
      %swap3A_656 = vector.shape_cast %add3A_649 : vector<16xf32> to vector<1x1x16xf32>
      tpu.vector_store %arg7[%swap3A_651, %swap3A_652, %swap3A_653], %swap3A_656 {strides = array<i32>} : memref<4x64x128xf32, #tpu.memory_space<vmem>>, vector<1x1x16xf32>,
      %get3A_657 = arith.constant 0 : i32
      %get3A_658 = arith.index_cast %get3A_657 : i32 to index
      %get3A_659 = arith.index_cast %scan3A_592 : i32 to index
      %get3A_660 = arith.constant 32 : index
      %get3A_661 = tpu.vector_load %arg7[%get3A_658, %get3A_659, %get3A_660] {strides = array<i32>} : memref<4x64x128xf32, #tpu.memory_space<vmem>>, vector<1x1x16xf32>,
      %get3A_662 = vector.shape_cast %get3A_661 : vector<1x1x16xf32> to vector<16xf32>
      %mul3A_663 = arith.constant 11.3137083 : f32
      %mul3A_664 = vector.broadcast %mul3A_663 : f32 to vector<16xf32>
      %mul3A_665 = arith.mulf %get3A_662, %mul3A_664 : vector<16xf32>
      %add3A_666 = arith.addf %mul3A_665, %get3A_603 : vector<16xf32>
      %swap3A_667 = arith.constant 0 : i32
      %swap3A_668 = arith.index_cast %swap3A_667 : i32 to index
      %swap3A_669 = arith.index_cast %scan3A_592 : i32 to index
      %swap3A_670 = arith.constant 32 : index
      %swap3A_671 = tpu.vector_load %arg7[%swap3A_668, %swap3A_669, %swap3A_670] {strides = array<i32>} : memref<4x64x128xf32, #tpu.memory_space<vmem>>, vector<1x1x16xf32>,
      %swap3A_672 = vector.shape_cast %swap3A_671 : vector<1x1x16xf32> to vector<16xf32>
      %swap3A_673 = vector.shape_cast %add3A_666 : vector<16xf32> to vector<1x1x16xf32>
      tpu.vector_store %arg7[%swap3A_668, %swap3A_669, %swap3A_670], %swap3A_673 {strides = array<i32>} : memref<4x64x128xf32, #tpu.memory_space<vmem>>, vector<1x1x16xf32>,
      %get3A_674 = arith.constant 0 : i32
      %get3A_675 = arith.index_cast %get3A_674 : i32 to index
      %get3A_676 = arith.index_cast %scan3A_592 : i32 to index
      %get3A_677 = arith.constant 48 : index
      %get3A_678 = tpu.vector_load %arg7[%get3A_675, %get3A_676, %get3A_677] {strides = array<i32>} : memref<4x64x128xf32, #tpu.memory_space<vmem>>, vector<1x1x16xf32>,
      %get3A_679 = vector.shape_cast %get3A_678 : vector<1x1x16xf32> to vector<16xf32>
      %mul3A_680 = arith.constant 11.3137083 : f32
      %mul3A_681 = vector.broadcast %mul3A_680 : f32 to vector<16xf32>
      %mul3A_682 = arith.mulf %get3A_679, %mul3A_681 : vector<16xf32>
      %add3A_683 = arith.addf %mul3A_682, %get3A_607 : vector<16xf32>
      %swap3A_684 = arith.constant 0 : i32
      %swap3A_685 = arith.index_cast %swap3A_684 : i32 to index
      %swap3A_686 = arith.index_cast %scan3A_592 : i32 to index
      %swap3A_687 = arith.constant 48 : index
      %swap3A_688 = tpu.vector_load %arg7[%swap3A_685, %swap3A_686, %swap3A_687] {strides = array<i32>} : memref<4x64x128xf32, #tpu.memory_space<vmem>>, vector<1x1x16xf32>,
      %swap3A_689 = vector.shape_cast %swap3A_688 : vector<1x1x16xf32> to vector<16xf32>
      %swap3A_690 = vector.shape_cast %add3A_683 : vector<16xf32> to vector<1x1x16xf32>
      tpu.vector_store %arg7[%swap3A_685, %swap3A_686, %swap3A_687], %swap3A_690 {strides = array<i32>} : memref<4x64x128xf32, #tpu.memory_space<vmem>>, vector<1x1x16xf32>,
      %get3A_691 = arith.constant 0 : i32
      %get3A_692 = arith.index_cast %get3A_691 : i32 to index
      %get3A_693 = arith.index_cast %scan3A_592 : i32 to index
      %get3A_694 = arith.constant 64 : index
      %get3A_695 = tpu.vector_load %arg7[%get3A_692, %get3A_693, %get3A_694] {strides = array<i32>} : memref<4x64x128xf32, #tpu.memory_space<vmem>>, vector<1x1x16xf32>,
      %get3A_696 = vector.shape_cast %get3A_695 : vector<1x1x16xf32> to vector<16xf32>
      %mul3A_697 = arith.constant 11.3137083 : f32
      %mul3A_698 = vector.broadcast %mul3A_697 : f32 to vector<16xf32>
      %mul3A_699 = arith.mulf %get3A_696, %mul3A_698 : vector<16xf32>
      %add3A_700 = arith.addf %mul3A_699, %get3A_611 : vector<16xf32>
      %swap3A_701 = arith.constant 0 : i32
      %swap3A_702 = arith.index_cast %swap3A_701 : i32 to index
      %swap3A_703 = arith.index_cast %scan3A_592 : i32 to index
      %swap3A_704 = arith.constant 64 : index
      %swap3A_705 = tpu.vector_load %arg7[%swap3A_702, %swap3A_703, %swap3A_704] {strides = array<i32>} : memref<4x64x128xf32, #tpu.memory_space<vmem>>, vector<1x1x16xf32>,
      %swap3A_706 = vector.shape_cast %swap3A_705 : vector<1x1x16xf32> to vector<16xf32>
      %swap3A_707 = vector.shape_cast %add3A_700 : vector<16xf32> to vector<1x1x16xf32>
      tpu.vector_store %arg7[%swap3A_702, %swap3A_703, %swap3A_704], %swap3A_707 {strides = array<i32>} : memref<4x64x128xf32, #tpu.memory_space<vmem>>, vector<1x1x16xf32>,
      %get3A_708 = arith.constant 0 : i32
      %get3A_709 = arith.index_cast %get3A_708 : i32 to index
      %get3A_710 = arith.index_cast %scan3A_592 : i32 to index
      %get3A_711 = arith.constant 80 : index
      %get3A_712 = tpu.vector_load %arg7[%get3A_709, %get3A_710, %get3A_711] {strides = array<i32>} : memref<4x64x128xf32, #tpu.memory_space<vmem>>, vector<1x1x16xf32>,
      %get3A_713 = vector.shape_cast %get3A_712 : vector<1x1x16xf32> to vector<16xf32>
      %mul3A_714 = arith.constant 11.3137083 : f32
      %mul3A_715 = vector.broadcast %mul3A_714 : f32 to vector<16xf32>
      %mul3A_716 = arith.mulf %get3A_713, %mul3A_715 : vector<16xf32>
      %add3A_717 = arith.addf %mul3A_716, %get3A_615 : vector<16xf32>
      %swap3A_718 = arith.constant 0 : i32
      %swap3A_719 = arith.index_cast %swap3A_718 : i32 to index
      %swap3A_720 = arith.index_cast %scan3A_592 : i32 to index
      %swap3A_721 = arith.constant 80 : index
      %swap3A_722 = tpu.vector_load %arg7[%swap3A_719, %swap3A_720, %swap3A_721] {strides = array<i32>} : memref<4x64x128xf32, #tpu.memory_space<vmem>>, vector<1x1x16xf32>,
      %swap3A_723 = vector.shape_cast %swap3A_722 : vector<1x1x16xf32> to vector<16xf32>
      %swap3A_724 = vector.shape_cast %add3A_717 : vector<16xf32> to vector<1x1x16xf32>
      tpu.vector_store %arg7[%swap3A_719, %swap3A_720, %swap3A_721], %swap3A_724 {strides = array<i32>} : memref<4x64x128xf32, #tpu.memory_space<vmem>>, vector<1x1x16xf32>,
      %get3A_725 = arith.constant 0 : i32
      %get3A_726 = arith.index_cast %get3A_725 : i32 to index
      %get3A_727 = arith.index_cast %scan3A_592 : i32 to index
      %get3A_728 = arith.constant 96 : index
      %get3A_729 = tpu.vector_load %arg7[%get3A_726, %get3A_727, %get3A_728] {strides = array<i32>} : memref<4x64x128xf32, #tpu.memory_space<vmem>>, vector<1x1x16xf32>,
      %get3A_730 = vector.shape_cast %get3A_729 : vector<1x1x16xf32> to vector<16xf32>
      %mul3A_731 = arith.constant 11.3137083 : f32
      %mul3A_732 = vector.broadcast %mul3A_731 : f32 to vector<16xf32>
      %mul3A_733 = arith.mulf %get3A_730, %mul3A_732 : vector<16xf32>
      %add3A_734 = arith.addf %mul3A_733, %get3A_619 : vector<16xf32>
      %swap3A_735 = arith.constant 0 : i32
      %swap3A_736 = arith.index_cast %swap3A_735 : i32 to index
      %swap3A_737 = arith.index_cast %scan3A_592 : i32 to index
      %swap3A_738 = arith.constant 96 : index
      %swap3A_739 = tpu.vector_load %arg7[%swap3A_736, %swap3A_737, %swap3A_738] {strides = array<i32>} : memref<4x64x128xf32, #tpu.memory_space<vmem>>, vector<1x1x16xf32>,
      %swap3A_740 = vector.shape_cast %swap3A_739 : vector<1x1x16xf32> to vector<16xf32>
      %swap3A_741 = vector.shape_cast %add3A_734 : vector<16xf32> to vector<1x1x16xf32>
      tpu.vector_store %arg7[%swap3A_736, %swap3A_737, %swap3A_738], %swap3A_741 {strides = array<i32>} : memref<4x64x128xf32, #tpu.memory_space<vmem>>, vector<1x1x16xf32>,
      %get3A_742 = arith.constant 0 : i32
      %get3A_743 = arith.index_cast %get3A_742 : i32 to index
      %get3A_744 = arith.index_cast %scan3A_592 : i32 to index
      %get3A_745 = arith.constant 112 : index
      %get3A_746 = tpu.vector_load %arg7[%get3A_743, %get3A_744, %get3A_745] {strides = array<i32>} : memref<4x64x128xf32, #tpu.memory_space<vmem>>, vector<1x1x16xf32>,
      %get3A_747 = vector.shape_cast %get3A_746 : vector<1x1x16xf32> to vector<16xf32>
      %mul3A_748 = arith.constant 11.3137083 : f32
      %mul3A_749 = vector.broadcast %mul3A_748 : f32 to vector<16xf32>
      %mul3A_750 = arith.mulf %get3A_747, %mul3A_749 : vector<16xf32>
      %add3A_751 = arith.addf %mul3A_750, %get3A_623 : vector<16xf32>
      %swap3A_752 = arith.constant 0 : i32
      %swap3A_753 = arith.index_cast %swap3A_752 : i32 to index
      %swap3A_754 = arith.index_cast %scan3A_592 : i32 to index
      %swap3A_755 = arith.constant 112 : index
      %swap3A_756 = tpu.vector_load %arg7[%swap3A_753, %swap3A_754, %swap3A_755] {strides = array<i32>} : memref<4x64x128xf32, #tpu.memory_space<vmem>>, vector<1x1x16xf32>,
      %swap3A_757 = vector.shape_cast %swap3A_756 : vector<1x1x16xf32> to vector<16xf32>
      %swap3A_758 = vector.shape_cast %add3A_751 : vector<16xf32> to vector<1x1x16xf32>
      tpu.vector_store %arg7[%swap3A_753, %swap3A_754, %swap3A_755], %swap3A_758 {strides = array<i32>} : memref<4x64x128xf32, #tpu.memory_space<vmem>>, vector<1x1x16xf32>,
      %get3A_759 = arith.constant 1 : i32
      %get3A_760 = arith.index_cast %get3A_759 : i32 to index
      %get3A_761 = arith.index_cast %scan3A_592 : i32 to index
      %get3A_762 = arith.constant 0 : index
      %get3A_763 = tpu.vector_load %arg7[%get3A_760, %get3A_761, %get3A_762] {strides = array<i32>} : memref<4x64x128xf32, #tpu.memory_space<vmem>>, vector<1x1x16xf32>,
      %get3A_764 = vector.shape_cast %get3A_763 : vector<1x1x16xf32> to vector<16xf32>
      %mul3A_765 = arith.constant 11.3137083 : f32
      %mul3A_766 = vector.broadcast %mul3A_765 : f32 to vector<16xf32>
      %mul3A_767 = arith.mulf %get3A_764, %mul3A_766 : vector<16xf32>
      %add3A_768 = arith.addf %mul3A_767, %get3A_595 : vector<16xf32>
      %swap3A_769 = arith.constant 1 : i32
      %swap3A_770 = arith.index_cast %swap3A_769 : i32 to index
      %swap3A_771 = arith.index_cast %scan3A_592 : i32 to index
      %swap3A_772 = arith.constant 0 : index
      %swap3A_773 = tpu.vector_load %arg7[%swap3A_770, %swap3A_771, %swap3A_772] {strides = array<i32>} : memref<4x64x128xf32, #tpu.memory_space<vmem>>, vector<1x1x16xf32>,
      %swap3A_774 = vector.shape_cast %swap3A_773 : vector<1x1x16xf32> to vector<16xf32>
      %swap3A_775 = vector.shape_cast %add3A_768 : vector<16xf32> to vector<1x1x16xf32>
      tpu.vector_store %arg7[%swap3A_770, %swap3A_771, %swap3A_772], %swap3A_775 {strides = array<i32>} : memref<4x64x128xf32, #tpu.memory_space<vmem>>, vector<1x1x16xf32>,
      %get3A_776 = arith.constant 1 : i32
      %get3A_777 = arith.index_cast %get3A_776 : i32 to index
      %get3A_778 = arith.index_cast %scan3A_592 : i32 to index
      %get3A_779 = arith.constant 16 : index
      %get3A_780 = tpu.vector_load %arg7[%get3A_777, %get3A_778, %get3A_779] {strides = array<i32>} : memref<4x64x128xf32, #tpu.memory_space<vmem>>, vector<1x1x16xf32>,
      %get3A_781 = vector.shape_cast %get3A_780 : vector<1x1x16xf32> to vector<16xf32>
      %mul3A_782 = arith.constant 11.3137083 : f32
      %mul3A_783 = vector.broadcast %mul3A_782 : f32 to vector<16xf32>
      %mul3A_784 = arith.mulf %get3A_781, %mul3A_783 : vector<16xf32>
      %add3A_785 = arith.addf %mul3A_784, %get3A_599 : vector<16xf32>
      %swap3A_786 = arith.constant 1 : i32
      %swap3A_787 = arith.index_cast %swap3A_786 : i32 to index
      %swap3A_788 = arith.index_cast %scan3A_592 : i32 to index
      %swap3A_789 = arith.constant 16 : index
      %swap3A_790 = tpu.vector_load %arg7[%swap3A_787, %swap3A_788, %swap3A_789] {strides = array<i32>} : memref<4x64x128xf32, #tpu.memory_space<vmem>>, vector<1x1x16xf32>,
      %swap3A_791 = vector.shape_cast %swap3A_790 : vector<1x1x16xf32> to vector<16xf32>
      %swap3A_792 = vector.shape_cast %add3A_785 : vector<16xf32> to vector<1x1x16xf32>
      tpu.vector_store %arg7[%swap3A_787, %swap3A_788, %swap3A_789], %swap3A_792 {strides = array<i32>} : memref<4x64x128xf32, #tpu.memory_space<vmem>>, vector<1x1x16xf32>,
      %get3A_793 = arith.constant 1 : i32
      %get3A_794 = arith.index_cast %get3A_793 : i32 to index
      %get3A_795 = arith.index_cast %scan3A_592 : i32 to index
      %get3A_796 = arith.constant 32 : index
      %get3A_797 = tpu.vector_load %arg7[%get3A_794, %get3A_795, %get3A_796] {strides = array<i32>} : memref<4x64x128xf32, #tpu.memory_space<vmem>>, vector<1x1x16xf32>,
      %get3A_798 = vector.shape_cast %get3A_797 : vector<1x1x16xf32> to vector<16xf32>
      %mul3A_799 = arith.constant 11.3137083 : f32
      %mul3A_800 = vector.broadcast %mul3A_799 : f32 to vector<16xf32>
      %mul3A_801 = arith.mulf %get3A_798, %mul3A_800 : vector<16xf32>
      %add3A_802 = arith.addf %mul3A_801, %get3A_603 : vector<16xf32>
      %swap3A_803 = arith.constant 1 : i32
      %swap3A_804 = arith.index_cast %swap3A_803 : i32 to index
      %swap3A_805 = arith.index_cast %scan3A_592 : i32 to index
      %swap3A_806 = arith.constant 32 : index
      %swap3A_807 = tpu.vector_load %arg7[%swap3A_804, %swap3A_805, %swap3A_806] {strides = array<i32>} : memref<4x64x128xf32, #tpu.memory_space<vmem>>, vector<1x1x16xf32>,
      %swap3A_808 = vector.shape_cast %swap3A_807 : vector<1x1x16xf32> to vector<16xf32>
      %swap3A_809 = vector.shape_cast %add3A_802 : vector<16xf32> to vector<1x1x16xf32>
      tpu.vector_store %arg7[%swap3A_804, %swap3A_805, %swap3A_806], %swap3A_809 {strides = array<i32>} : memref<4x64x128xf32, #tpu.memory_space<vmem>>, vector<1x1x16xf32>,
      %get3A_810 = arith.constant 1 : i32
      %get3A_811 = arith.index_cast %get3A_810 : i32 to index
      %get3A_812 = arith.index_cast %scan3A_592 : i32 to index
      %get3A_813 = arith.constant 48 : index
      %get3A_814 = tpu.vector_load %arg7[%get3A_811, %get3A_812, %get3A_813] {strides = array<i32>} : memref<4x64x128xf32, #tpu.memory_space<vmem>>, vector<1x1x16xf32>,
      %get3A_815 = vector.shape_cast %get3A_814 : vector<1x1x16xf32> to vector<16xf32>
      %mul3A_816 = arith.constant 11.3137083 : f32
      %mul3A_817 = vector.broadcast %mul3A_816 : f32 to vector<16xf32>
      %mul3A_818 = arith.mulf %get3A_815, %mul3A_817 : vector<16xf32>
      %add3A_819 = arith.addf %mul3A_818, %get3A_607 : vector<16xf32>
      %swap3A_820 = arith.constant 1 : i32
      %swap3A_821 = arith.index_cast %swap3A_820 : i32 to index
      %swap3A_822 = arith.index_cast %scan3A_592 : i32 to index
      %swap3A_823 = arith.constant 48 : index
      %swap3A_824 = tpu.vector_load %arg7[%swap3A_821, %swap3A_822, %swap3A_823] {strides = array<i32>} : memref<4x64x128xf32, #tpu.memory_space<vmem>>, vector<1x1x16xf32>,
      %swap3A_825 = vector.shape_cast %swap3A_824 : vector<1x1x16xf32> to vector<16xf32>
      %swap3A_826 = vector.shape_cast %add3A_819 : vector<16xf32> to vector<1x1x16xf32>
      tpu.vector_store %arg7[%swap3A_821, %swap3A_822, %swap3A_823], %swap3A_826 {strides = array<i32>} : memref<4x64x128xf32, #tpu.memory_space<vmem>>, vector<1x1x16xf32>,
      %get3A_827 = arith.constant 1 : i32
      %get3A_828 = arith.index_cast %get3A_827 : i32 to index
      %get3A_829 = arith.index_cast %scan3A_592 : i32 to index
      %get3A_830 = arith.constant 64 : index
      %get3A_831 = tpu.vector_load %arg7[%get3A_828, %get3A_829, %get3A_830] {strides = array<i32>} : memref<4x64x128xf32, #tpu.memory_space<vmem>>, vector<1x1x16xf32>,
      %get3A_832 = vector.shape_cast %get3A_831 : vector<1x1x16xf32> to vector<16xf32>
      %mul3A_833 = arith.constant 11.3137083 : f32
      %mul3A_834 = vector.broadcast %mul3A_833 : f32 to vector<16xf32>
      %mul3A_835 = arith.mulf %get3A_832, %mul3A_834 : vector<16xf32>
      %add3A_836 = arith.addf %mul3A_835, %get3A_611 : vector<16xf32>
      %swap3A_837 = arith.constant 1 : i32
      %swap3A_838 = arith.index_cast %swap3A_837 : i32 to index
      %swap3A_839 = arith.index_cast %scan3A_592 : i32 to index
      %swap3A_840 = arith.constant 64 : index
      %swap3A_841 = tpu.vector_load %arg7[%swap3A_838, %swap3A_839, %swap3A_840] {strides = array<i32>} : memref<4x64x128xf32, #tpu.memory_space<vmem>>, vector<1x1x16xf32>,
      %swap3A_842 = vector.shape_cast %swap3A_841 : vector<1x1x16xf32> to vector<16xf32>
      %swap3A_843 = vector.shape_cast %add3A_836 : vector<16xf32> to vector<1x1x16xf32>
      tpu.vector_store %arg7[%swap3A_838, %swap3A_839, %swap3A_840], %swap3A_843 {strides = array<i32>} : memref<4x64x128xf32, #tpu.memory_space<vmem>>, vector<1x1x16xf32>,
      %get3A_844 = arith.constant 1 : i32
      %get3A_845 = arith.index_cast %get3A_844 : i32 to index
      %get3A_846 = arith.index_cast %scan3A_592 : i32 to index
      %get3A_847 = arith.constant 80 : index
      %get3A_848 = tpu.vector_load %arg7[%get3A_845, %get3A_846, %get3A_847] {strides = array<i32>} : memref<4x64x128xf32, #tpu.memory_space<vmem>>, vector<1x1x16xf32>,
      %get3A_849 = vector.shape_cast %get3A_848 : vector<1x1x16xf32> to vector<16xf32>
      %mul3A_850 = arith.constant 11.3137083 : f32
      %mul3A_851 = vector.broadcast %mul3A_850 : f32 to vector<16xf32>
      %mul3A_852 = arith.mulf %get3A_849, %mul3A_851 : vector<16xf32>
      %add3A_853 = arith.addf %mul3A_852, %get3A_615 : vector<16xf32>
      %swap3A_854 = arith.constant 1 : i32
      %swap3A_855 = arith.index_cast %swap3A_854 : i32 to index
      %swap3A_856 = arith.index_cast %scan3A_592 : i32 to index
      %swap3A_857 = arith.constant 80 : index
      %swap3A_858 = tpu.vector_load %arg7[%swap3A_855, %swap3A_856, %swap3A_857] {strides = array<i32>} : memref<4x64x128xf32, #tpu.memory_space<vmem>>, vector<1x1x16xf32>,
      %swap3A_859 = vector.shape_cast %swap3A_858 : vector<1x1x16xf32> to vector<16xf32>
      %swap3A_860 = vector.shape_cast %add3A_853 : vector<16xf32> to vector<1x1x16xf32>
      tpu.vector_store %arg7[%swap3A_855, %swap3A_856, %swap3A_857], %swap3A_860 {strides = array<i32>} : memref<4x64x128xf32, #tpu.memory_space<vmem>>, vector<1x1x16xf32>,
      %get3A_861 = arith.constant 1 : i32
      %get3A_862 = arith.index_cast %get3A_861 : i32 to index
      %get3A_863 = arith.index_cast %scan3A_592 : i32 to index
      %get3A_864 = arith.constant 96 : index
      %get3A_865 = tpu.vector_load %arg7[%get3A_862, %get3A_863, %get3A_864] {strides = array<i32>} : memref<4x64x128xf32, #tpu.memory_space<vmem>>, vector<1x1x16xf32>,
      %get3A_866 = vector.shape_cast %get3A_865 : vector<1x1x16xf32> to vector<16xf32>
      %mul3A_867 = arith.constant 11.3137083 : f32
      %mul3A_868 = vector.broadcast %mul3A_867 : f32 to vector<16xf32>
      %mul3A_869 = arith.mulf %get3A_866, %mul3A_868 : vector<16xf32>
      %add3A_870 = arith.addf %mul3A_869, %get3A_619 : vector<16xf32>
      %swap3A_871 = arith.constant 1 : i32
      %swap3A_872 = arith.index_cast %swap3A_871 : i32 to index
      %swap3A_873 = arith.index_cast %scan3A_592 : i32 to index
      %swap3A_874 = arith.constant 96 : index
      %swap3A_875 = tpu.vector_load %arg7[%swap3A_872, %swap3A_873, %swap3A_874] {strides = array<i32>} : memref<4x64x128xf32, #tpu.memory_space<vmem>>, vector<1x1x16xf32>,
      %swap3A_876 = vector.shape_cast %swap3A_875 : vector<1x1x16xf32> to vector<16xf32>
      %swap3A_877 = vector.shape_cast %add3A_870 : vector<16xf32> to vector<1x1x16xf32>
      tpu.vector_store %arg7[%swap3A_872, %swap3A_873, %swap3A_874], %swap3A_877 {strides = array<i32>} : memref<4x64x128xf32, #tpu.memory_space<vmem>>, vector<1x1x16xf32>,
      %get3A_878 = arith.constant 1 : i32
      %get3A_879 = arith.index_cast %get3A_878 : i32 to index
      %get3A_880 = arith.index_cast %scan3A_592 : i32 to index
      %get3A_881 = arith.constant 112 : index
      %get3A_882 = tpu.vector_load %arg7[%get3A_879, %get3A_880, %get3A_881] {strides = array<i32>} : memref<4x64x128xf32, #tpu.memory_space<vmem>>, vector<1x1x16xf32>,
      %get3A_883 = vector.shape_cast %get3A_882 : vector<1x1x16xf32> to vector<16xf32>
      %mul3A_884 = arith.constant 11.3137083 : f32
      %mul3A_885 = vector.broadcast %mul3A_884 : f32 to vector<16xf32>
      %mul3A_886 = arith.mulf %get3A_883, %mul3A_885 : vector<16xf32>
      %add3A_887 = arith.addf %mul3A_886, %get3A_623 : vector<16xf32>
      %swap3A_888 = arith.constant 1 : i32
      %swap3A_889 = arith.index_cast %swap3A_888 : i32 to index
      %swap3A_890 = arith.index_cast %scan3A_592 : i32 to index
      %swap3A_891 = arith.constant 112 : index
      %swap3A_892 = tpu.vector_load %arg7[%swap3A_889, %swap3A_890, %swap3A_891] {strides = array<i32>} : memref<4x64x128xf32, #tpu.memory_space<vmem>>, vector<1x1x16xf32>,
      %swap3A_893 = vector.shape_cast %swap3A_892 : vector<1x1x16xf32> to vector<16xf32>
      %swap3A_894 = vector.shape_cast %add3A_887 : vector<16xf32> to vector<1x1x16xf32>
      tpu.vector_store %arg7[%swap3A_889, %swap3A_890, %swap3A_891], %swap3A_894 {strides = array<i32>} : memref<4x64x128xf32, #tpu.memory_space<vmem>>, vector<1x1x16xf32>,
    }
    %scan3A_229 = arith.constant 32 : i32
    %add3A_230 = arith.constant 0 : i32
    %add3A_231 = arith.addi %mul3A_2, %add3A_230 : i32
    %dma_start3A_232 = arith.constant 0 : i32
    %dma_start3A_233 = arith.constant 0 : i32
    %dma_start3A_234 = arith.constant 0 : i32
    %dma_start3A_235 = arith.constant 0 : i32
    %dma_start3A_236 = tpu.memref_slice %arg7[%dma_start3A_232, %dma_start3A_234, %dma_start3A_235] : memref<4x64x128xf32, #tpu.memory_space<vmem>> -> memref<1x32x128xf32, #tpu.memory_space<vmem>>
    %dma_start3A_237 = tpu.memref_squeeze %dma_start3A_236 : memref<1x32x128xf32, #tpu.memory_space<vmem>> -> memref<32x128xf32, #tpu.memory_space<vmem>>
    %dma_start3A_238 = arith.constant 0 : i32
    %dma_start3A_239 = tpu.memref_slice %arg5[%dma_start3A_233, %add3A_231, %dma_start3A_238] : memref<4x2048x128xf32, #tpu.memory_space<hbm>> -> memref<1x32x128xf32, #tpu.memory_space<hbm>>
    %dma_start3A_240 = tpu.memref_squeeze %dma_start3A_239 : memref<1x32x128xf32, #tpu.memory_space<hbm>> -> memref<32x128xf32, #tpu.memory_space<hbm>>
    %dma_start3A_241 = arith.constant 0 : i32
    %dma_start3A_242 = tpu.memref_slice %arg5[%dma_start3A_233, %add3A_231, %dma_start3A_241] : memref<4x2048x128xf32, #tpu.memory_space<hbm>> -> memref<1x32x128xf32, #tpu.memory_space<hbm>>
    %dma_start3A_243 = tpu.memref_squeeze %dma_start3A_242 : memref<1x32x128xf32, #tpu.memory_space<hbm>> -> memref<32x128xf32, #tpu.memory_space<hbm>>
    %dma_start3A_244 = arith.constant 0 : i32
    %dma_start3A_245 = arith.constant 0 : i32
    %dma_start3A_246 = tpu.memref_slice %arg7[%dma_start3A_232, %dma_start3A_244, %dma_start3A_245] : memref<4x64x128xf32, #tpu.memory_space<vmem>> -> memref<1x32x128xf32, #tpu.memory_space<vmem>>
    %dma_start3A_247 = tpu.memref_squeeze %dma_start3A_246 : memref<1x32x128xf32, #tpu.memory_space<vmem>> -> memref<32x128xf32, #tpu.memory_space<vmem>>
    tpu.enqueue_dma source(%dma_start3A_247 : memref<32x128xf32, #tpu.memory_space<vmem>>) target(%dma_start3A_243 : memref<32x128xf32, #tpu.memory_space<hbm>>) target_semaphore(%arg19 : memref<!tpu.dma_semaphore, #tpu.memory_space<semaphore_mem>>)
    %add3A_248 = arith.constant 0 : i32
    %add3A_249 = arith.addi %mul3A_2, %add3A_248 : i32
    %dma_start3A_250 = arith.constant 1 : i32
    %dma_start3A_251 = arith.constant 1 : i32
    %dma_start3A_252 = arith.constant 0 : i32
    %dma_start3A_253 = arith.constant 0 : i32
    %dma_start3A_254 = tpu.memref_slice %arg7[%dma_start3A_250, %dma_start3A_252, %dma_start3A_253] : memref<4x64x128xf32, #tpu.memory_space<vmem>> -> memref<1x32x128xf32, #tpu.memory_space<vmem>>
    %dma_start3A_255 = tpu.memref_squeeze %dma_start3A_254 : memref<1x32x128xf32, #tpu.memory_space<vmem>> -> memref<32x128xf32, #tpu.memory_space<vmem>>
    %dma_start3A_256 = arith.constant 0 : i32
    %dma_start3A_257 = tpu.memref_slice %arg5[%dma_start3A_251, %add3A_249, %dma_start3A_256] : memref<4x2048x128xf32, #tpu.memory_space<hbm>> -> memref<1x32x128xf32, #tpu.memory_space<hbm>>
    %dma_start3A_258 = tpu.memref_squeeze %dma_start3A_257 : memref<1x32x128xf32, #tpu.memory_space<hbm>> -> memref<32x128xf32, #tpu.memory_space<hbm>>
    %dma_start3A_259 = arith.constant 0 : i32
    %dma_start3A_260 = tpu.memref_slice %arg5[%dma_start3A_251, %add3A_249, %dma_start3A_259] : memref<4x2048x128xf32, #tpu.memory_space<hbm>> -> memref<1x32x128xf32, #tpu.memory_space<hbm>>
    %dma_start3A_261 = tpu.memref_squeeze %dma_start3A_260 : memref<1x32x128xf32, #tpu.memory_space<hbm>> -> memref<32x128xf32, #tpu.memory_space<hbm>>
    %dma_start3A_262 = arith.constant 0 : i32
    %dma_start3A_263 = arith.constant 0 : i32
    %dma_start3A_264 = tpu.memref_slice %arg7[%dma_start3A_250, %dma_start3A_262, %dma_start3A_263] : memref<4x64x128xf32, #tpu.memory_space<vmem>> -> memref<1x32x128xf32, #tpu.memory_space<vmem>>
    %dma_start3A_265 = tpu.memref_squeeze %dma_start3A_264 : memref<1x32x128xf32, #tpu.memory_space<vmem>> -> memref<32x128xf32, #tpu.memory_space<vmem>>
    tpu.enqueue_dma source(%dma_start3A_265 : memref<32x128xf32, #tpu.memory_space<vmem>>) target(%dma_start3A_261 : memref<32x128xf32, #tpu.memory_space<hbm>>) target_semaphore(%arg19 : memref<!tpu.dma_semaphore, #tpu.memory_space<semaphore_mem>>)
    %dma_wait3A_266 = arith.constant 0 : i32
    %dma_wait3A_267 = arith.constant 0 : i32
    %dma_wait3A_268 = arith.constant 32 : i32
    %dma_wait3A_269 = arith.constant 0 : i32
    %dma_wait3A_270 = tpu.memref_slice %arg7[%dma_wait3A_267, %dma_wait3A_268, %dma_wait3A_269] : memref<4x64x128xf32, #tpu.memory_space<vmem>> -> memref<1x32x128xf32, #tpu.memory_space<vmem>>
    %dma_wait3A_271 = tpu.memref_squeeze %dma_wait3A_270 : memref<1x32x128xf32, #tpu.memory_space<vmem>> -> memref<32x128xf32, #tpu.memory_space<vmem>>
    %dma_wait3A_272 = arith.constant 32 : i32
    %dma_wait3A_273 = tpu.memref_slice %arg6[%dma_wait3A_266, %dma_wait3A_272] : memref<4x64xi32, #tpu.memory_space<vmem>> -> memref<1x32xi32, #tpu.memory_space<vmem>>
    %dma_wait3A_274 = tpu.memref_squeeze %dma_wait3A_273 : memref<1x32xi32, #tpu.memory_space<vmem>> -> memref<32xi32, #tpu.memory_space<vmem>>
    %dma_wait3A_275 = arith.constant 0 : i32
    %dma_wait3A_276 = arith.constant 0 : i32
    %dma_wait3A_277 = tpu.memref_slice %arg3[%dma_wait3A_275, %dma_wait3A_276] : memref<100000x128xf32, #tpu.memory_space<hbm>> -> memref<100000x128xf32, #tpu.memory_space<hbm>>
    tpu.wait_indirect_dma semaphore(%arg12 : memref<!tpu.dma_semaphore, #tpu.memory_space<semaphore_mem>>) src(%dma_wait3A_277 : memref<100000x128xf32, #tpu.memory_space<hbm>>) dst(%dma_wait3A_271 : memref<32x128xf32, #tpu.memory_space<vmem>>)
    %dma_wait3A_278 = arith.constant 1 : i32
    %dma_wait3A_279 = arith.constant 1 : i32
    %dma_wait3A_280 = arith.constant 32 : i32
    %dma_wait3A_281 = arith.constant 0 : i32
    %dma_wait3A_282 = tpu.memref_slice %arg7[%dma_wait3A_279, %dma_wait3A_280, %dma_wait3A_281] : memref<4x64x128xf32, #tpu.memory_space<vmem>> -> memref<1x32x128xf32, #tpu.memory_space<vmem>>
    %dma_wait3A_283 = tpu.memref_squeeze %dma_wait3A_282 : memref<1x32x128xf32, #tpu.memory_space<vmem>> -> memref<32x128xf32, #tpu.memory_space<vmem>>
    %dma_wait3A_284 = arith.constant 32 : i32
    %dma_wait3A_285 = tpu.memref_slice %arg6[%dma_wait3A_278, %dma_wait3A_284] : memref<4x64xi32, #tpu.memory_space<vmem>> -> memref<1x32xi32, #tpu.memory_space<vmem>>
    %dma_wait3A_286 = tpu.memref_squeeze %dma_wait3A_285 : memref<1x32xi32, #tpu.memory_space<vmem>> -> memref<32xi32, #tpu.memory_space<vmem>>
    %dma_wait3A_287 = arith.constant 0 : i32
    %dma_wait3A_288 = arith.constant 0 : i32
    %dma_wait3A_289 = tpu.memref_slice %arg3[%dma_wait3A_287, %dma_wait3A_288] : memref<100000x128xf32, #tpu.memory_space<hbm>> -> memref<100000x128xf32, #tpu.memory_space<hbm>>
    tpu.wait_indirect_dma semaphore(%arg14 : memref<!tpu.dma_semaphore, #tpu.memory_space<semaphore_mem>>) src(%dma_wait3A_289 : memref<100000x128xf32, #tpu.memory_space<hbm>>) dst(%dma_wait3A_283 : memref<32x128xf32, #tpu.memory_space<vmem>>)
    %scan3A_290 = arith.constant 0 : i32
    %scan3A_291 = arith.constant 32 : i32
    %scan3A_292 = arith.constant 32 : i32
    %scan3A_293 = arith.addi %scan3A_291, %scan3A_292 : i32
    %scan3A_294 = arith.constant 1 : i32
    scf.for %scan3A_592 = %scan3A_291 to %scan3A_293 step %scan3A_294  : i32 {
      %get3A = arith.index_cast %scan3A_592 : i32 to index
      %get3A_593 = arith.constant 0 : index
      %get3A_594 = tpu.vector_load %arg8[%get3A, %get3A_593] {strides = array<i32>} : memref<64x128xf32, #tpu.memory_space<vmem>>, vector<1x16xf32>,
      %get3A_595 = vector.shape_cast %get3A_594 : vector<1x16xf32> to vector<16xf32>
      %get3A_596 = arith.index_cast %scan3A_592 : i32 to index
      %get3A_597 = arith.constant 16 : index
      %get3A_598 = tpu.vector_load %arg8[%get3A_596, %get3A_597] {strides = array<i32>} : memref<64x128xf32, #tpu.memory_space<vmem>>, vector<1x16xf32>,
      %get3A_599 = vector.shape_cast %get3A_598 : vector<1x16xf32> to vector<16xf32>
      %get3A_600 = arith.index_cast %scan3A_592 : i32 to index
      %get3A_601 = arith.constant 32 : index
      %get3A_602 = tpu.vector_load %arg8[%get3A_600, %get3A_601] {strides = array<i32>} : memref<64x128xf32, #tpu.memory_space<vmem>>, vector<1x16xf32>,
      %get3A_603 = vector.shape_cast %get3A_602 : vector<1x16xf32> to vector<16xf32>
      %get3A_604 = arith.index_cast %scan3A_592 : i32 to index
      %get3A_605 = arith.constant 48 : index
      %get3A_606 = tpu.vector_load %arg8[%get3A_604, %get3A_605] {strides = array<i32>} : memref<64x128xf32, #tpu.memory_space<vmem>>, vector<1x16xf32>,
      %get3A_607 = vector.shape_cast %get3A_606 : vector<1x16xf32> to vector<16xf32>
      %get3A_608 = arith.index_cast %scan3A_592 : i32 to index
      %get3A_609 = arith.constant 64 : index
      %get3A_610 = tpu.vector_load %arg8[%get3A_608, %get3A_609] {strides = array<i32>} : memref<64x128xf32, #tpu.memory_space<vmem>>, vector<1x16xf32>,
      %get3A_611 = vector.shape_cast %get3A_610 : vector<1x16xf32> to vector<16xf32>
      %get3A_612 = arith.index_cast %scan3A_592 : i32 to index
      %get3A_613 = arith.constant 80 : index
      %get3A_614 = tpu.vector_load %arg8[%get3A_612, %get3A_613] {strides = array<i32>} : memref<64x128xf32, #tpu.memory_space<vmem>>, vector<1x16xf32>,
      %get3A_615 = vector.shape_cast %get3A_614 : vector<1x16xf32> to vector<16xf32>
      %get3A_616 = arith.index_cast %scan3A_592 : i32 to index
      %get3A_617 = arith.constant 96 : index
      %get3A_618 = tpu.vector_load %arg8[%get3A_616, %get3A_617] {strides = array<i32>} : memref<64x128xf32, #tpu.memory_space<vmem>>, vector<1x16xf32>,
      %get3A_619 = vector.shape_cast %get3A_618 : vector<1x16xf32> to vector<16xf32>
      %get3A_620 = arith.index_cast %scan3A_592 : i32 to index
      %get3A_621 = arith.constant 112 : index
      %get3A_622 = tpu.vector_load %arg8[%get3A_620, %get3A_621] {strides = array<i32>} : memref<64x128xf32, #tpu.memory_space<vmem>>, vector<1x16xf32>,
      %get3A_623 = vector.shape_cast %get3A_622 : vector<1x16xf32> to vector<16xf32>
      %get3A_624 = arith.constant 0 : i32
      %get3A_625 = arith.index_cast %get3A_624 : i32 to index
      %get3A_626 = arith.index_cast %scan3A_592 : i32 to index
      %get3A_627 = arith.constant 0 : index
      %get3A_628 = tpu.vector_load %arg7[%get3A_625, %get3A_626, %get3A_627] {strides = array<i32>} : memref<4x64x128xf32, #tpu.memory_space<vmem>>, vector<1x1x16xf32>,
      %get3A_629 = vector.shape_cast %get3A_628 : vector<1x1x16xf32> to vector<16xf32>
      %mul3A_630 = arith.constant 11.3137083 : f32
      %mul3A_631 = vector.broadcast %mul3A_630 : f32 to vector<16xf32>
      %mul3A_632 = arith.mulf %get3A_629, %mul3A_631 : vector<16xf32>
      %add3A_633 = arith.addf %mul3A_632, %get3A_595 : vector<16xf32>
      %swap3A = arith.constant 0 : i32
      %swap3A_634 = arith.index_cast %swap3A : i32 to index
      %swap3A_635 = arith.index_cast %scan3A_592 : i32 to index
      %swap3A_636 = arith.constant 0 : index
      %swap3A_637 = tpu.vector_load %arg7[%swap3A_634, %swap3A_635, %swap3A_636] {strides = array<i32>} : memref<4x64x128xf32, #tpu.memory_space<vmem>>, vector<1x1x16xf32>,
      %swap3A_638 = vector.shape_cast %swap3A_637 : vector<1x1x16xf32> to vector<16xf32>
      %swap3A_639 = vector.shape_cast %add3A_633 : vector<16xf32> to vector<1x1x16xf32>
      tpu.vector_store %arg7[%swap3A_634, %swap3A_635, %swap3A_636], %swap3A_639 {strides = array<i32>} : memref<4x64x128xf32, #tpu.memory_space<vmem>>, vector<1x1x16xf32>,
      %get3A_640 = arith.constant 0 : i32
      %get3A_641 = arith.index_cast %get3A_640 : i32 to index
      %get3A_642 = arith.index_cast %scan3A_592 : i32 to index
      %get3A_643 = arith.constant 16 : index
      %get3A_644 = tpu.vector_load %arg7[%get3A_641, %get3A_642, %get3A_643] {strides = array<i32>} : memref<4x64x128xf32, #tpu.memory_space<vmem>>, vector<1x1x16xf32>,
      %get3A_645 = vector.shape_cast %get3A_644 : vector<1x1x16xf32> to vector<16xf32>
      %mul3A_646 = arith.constant 11.3137083 : f32
      %mul3A_647 = vector.broadcast %mul3A_646 : f32 to vector<16xf32>
      %mul3A_648 = arith.mulf %get3A_645, %mul3A_647 : vector<16xf32>
      %add3A_649 = arith.addf %mul3A_648, %get3A_599 : vector<16xf32>
      %swap3A_650 = arith.constant 0 : i32
      %swap3A_651 = arith.index_cast %swap3A_650 : i32 to index
      %swap3A_652 = arith.index_cast %scan3A_592 : i32 to index
      %swap3A_653 = arith.constant 16 : index
      %swap3A_654 = tpu.vector_load %arg7[%swap3A_651, %swap3A_652, %swap3A_653] {strides = array<i32>} : memref<4x64x128xf32, #tpu.memory_space<vmem>>, vector<1x1x16xf32>,
      %swap3A_655 = vector.shape_cast %swap3A_654 : vector<1x1x16xf32> to vector<16xf32>
      %swap3A_656 = vector.shape_cast %add3A_649 : vector<16xf32> to vector<1x1x16xf32>
      tpu.vector_store %arg7[%swap3A_651, %swap3A_652, %swap3A_653], %swap3A_656 {strides = array<i32>} : memref<4x64x128xf32, #tpu.memory_space<vmem>>, vector<1x1x16xf32>,
      %get3A_657 = arith.constant 0 : i32
      %get3A_658 = arith.index_cast %get3A_657 : i32 to index
      %get3A_659 = arith.index_cast %scan3A_592 : i32 to index
      %get3A_660 = arith.constant 32 : index
      %get3A_661 = tpu.vector_load %arg7[%get3A_658, %get3A_659, %get3A_660] {strides = array<i32>} : memref<4x64x128xf32, #tpu.memory_space<vmem>>, vector<1x1x16xf32>,
      %get3A_662 = vector.shape_cast %get3A_661 : vector<1x1x16xf32> to vector<16xf32>
      %mul3A_663 = arith.constant 11.3137083 : f32
      %mul3A_664 = vector.broadcast %mul3A_663 : f32 to vector<16xf32>
      %mul3A_665 = arith.mulf %get3A_662, %mul3A_664 : vector<16xf32>
      %add3A_666 = arith.addf %mul3A_665, %get3A_603 : vector<16xf32>
      %swap3A_667 = arith.constant 0 : i32
      %swap3A_668 = arith.index_cast %swap3A_667 : i32 to index
      %swap3A_669 = arith.index_cast %scan3A_592 : i32 to index
      %swap3A_670 = arith.constant 32 : index
      %swap3A_671 = tpu.vector_load %arg7[%swap3A_668, %swap3A_669, %swap3A_670] {strides = array<i32>} : memref<4x64x128xf32, #tpu.memory_space<vmem>>, vector<1x1x16xf32>,
      %swap3A_672 = vector.shape_cast %swap3A_671 : vector<1x1x16xf32> to vector<16xf32>
      %swap3A_673 = vector.shape_cast %add3A_666 : vector<16xf32> to vector<1x1x16xf32>
      tpu.vector_store %arg7[%swap3A_668, %swap3A_669, %swap3A_670], %swap3A_673 {strides = array<i32>} : memref<4x64x128xf32, #tpu.memory_space<vmem>>, vector<1x1x16xf32>,
      %get3A_674 = arith.constant 0 : i32
      %get3A_675 = arith.index_cast %get3A_674 : i32 to index
      %get3A_676 = arith.index_cast %scan3A_592 : i32 to index
      %get3A_677 = arith.constant 48 : index
      %get3A_678 = tpu.vector_load %arg7[%get3A_675, %get3A_676, %get3A_677] {strides = array<i32>} : memref<4x64x128xf32, #tpu.memory_space<vmem>>, vector<1x1x16xf32>,
      %get3A_679 = vector.shape_cast %get3A_678 : vector<1x1x16xf32> to vector<16xf32>
      %mul3A_680 = arith.constant 11.3137083 : f32
      %mul3A_681 = vector.broadcast %mul3A_680 : f32 to vector<16xf32>
      %mul3A_682 = arith.mulf %get3A_679, %mul3A_681 : vector<16xf32>
      %add3A_683 = arith.addf %mul3A_682, %get3A_607 : vector<16xf32>
      %swap3A_684 = arith.constant 0 : i32
      %swap3A_685 = arith.index_cast %swap3A_684 : i32 to index
      %swap3A_686 = arith.index_cast %scan3A_592 : i32 to index
      %swap3A_687 = arith.constant 48 : index
      %swap3A_688 = tpu.vector_load %arg7[%swap3A_685, %swap3A_686, %swap3A_687] {strides = array<i32>} : memref<4x64x128xf32, #tpu.memory_space<vmem>>, vector<1x1x16xf32>,
      %swap3A_689 = vector.shape_cast %swap3A_688 : vector<1x1x16xf32> to vector<16xf32>
      %swap3A_690 = vector.shape_cast %add3A_683 : vector<16xf32> to vector<1x1x16xf32>
      tpu.vector_store %arg7[%swap3A_685, %swap3A_686, %swap3A_687], %swap3A_690 {strides = array<i32>} : memref<4x64x128xf32, #tpu.memory_space<vmem>>, vector<1x1x16xf32>,
      %get3A_691 = arith.constant 0 : i32
      %get3A_692 = arith.index_cast %get3A_691 : i32 to index
      %get3A_693 = arith.index_cast %scan3A_592 : i32 to index
      %get3A_694 = arith.constant 64 : index
      %get3A_695 = tpu.vector_load %arg7[%get3A_692, %get3A_693, %get3A_694] {strides = array<i32>} : memref<4x64x128xf32, #tpu.memory_space<vmem>>, vector<1x1x16xf32>,
      %get3A_696 = vector.shape_cast %get3A_695 : vector<1x1x16xf32> to vector<16xf32>
      %mul3A_697 = arith.constant 11.3137083 : f32
      %mul3A_698 = vector.broadcast %mul3A_697 : f32 to vector<16xf32>
      %mul3A_699 = arith.mulf %get3A_696, %mul3A_698 : vector<16xf32>
      %add3A_700 = arith.addf %mul3A_699, %get3A_611 : vector<16xf32>
      %swap3A_701 = arith.constant 0 : i32
      %swap3A_702 = arith.index_cast %swap3A_701 : i32 to index
      %swap3A_703 = arith.index_cast %scan3A_592 : i32 to index
      %swap3A_704 = arith.constant 64 : index
      %swap3A_705 = tpu.vector_load %arg7[%swap3A_702, %swap3A_703, %swap3A_704] {strides = array<i32>} : memref<4x64x128xf32, #tpu.memory_space<vmem>>, vector<1x1x16xf32>,
      %swap3A_706 = vector.shape_cast %swap3A_705 : vector<1x1x16xf32> to vector<16xf32>
      %swap3A_707 = vector.shape_cast %add3A_700 : vector<16xf32> to vector<1x1x16xf32>
      tpu.vector_store %arg7[%swap3A_702, %swap3A_703, %swap3A_704], %swap3A_707 {strides = array<i32>} : memref<4x64x128xf32, #tpu.memory_space<vmem>>, vector<1x1x16xf32>,
      %get3A_708 = arith.constant 0 : i32
      %get3A_709 = arith.index_cast %get3A_708 : i32 to index
      %get3A_710 = arith.index_cast %scan3A_592 : i32 to index
      %get3A_711 = arith.constant 80 : index
      %get3A_712 = tpu.vector_load %arg7[%get3A_709, %get3A_710, %get3A_711] {strides = array<i32>} : memref<4x64x128xf32, #tpu.memory_space<vmem>>, vector<1x1x16xf32>,
      %get3A_713 = vector.shape_cast %get3A_712 : vector<1x1x16xf32> to vector<16xf32>
      %mul3A_714 = arith.constant 11.3137083 : f32
      %mul3A_715 = vector.broadcast %mul3A_714 : f32 to vector<16xf32>
      %mul3A_716 = arith.mulf %get3A_713, %mul3A_715 : vector<16xf32>
      %add3A_717 = arith.addf %mul3A_716, %get3A_615 : vector<16xf32>
      %swap3A_718 = arith.constant 0 : i32
      %swap3A_719 = arith.index_cast %swap3A_718 : i32 to index
      %swap3A_720 = arith.index_cast %scan3A_592 : i32 to index
      %swap3A_721 = arith.constant 80 : index
      %swap3A_722 = tpu.vector_load %arg7[%swap3A_719, %swap3A_720, %swap3A_721] {strides = array<i32>} : memref<4x64x128xf32, #tpu.memory_space<vmem>>, vector<1x1x16xf32>,
      %swap3A_723 = vector.shape_cast %swap3A_722 : vector<1x1x16xf32> to vector<16xf32>
      %swap3A_724 = vector.shape_cast %add3A_717 : vector<16xf32> to vector<1x1x16xf32>
      tpu.vector_store %arg7[%swap3A_719, %swap3A_720, %swap3A_721], %swap3A_724 {strides = array<i32>} : memref<4x64x128xf32, #tpu.memory_space<vmem>>, vector<1x1x16xf32>,
      %get3A_725 = arith.constant 0 : i32
      %get3A_726 = arith.index_cast %get3A_725 : i32 to index
      %get3A_727 = arith.index_cast %scan3A_592 : i32 to index
      %get3A_728 = arith.constant 96 : index
      %get3A_729 = tpu.vector_load %arg7[%get3A_726, %get3A_727, %get3A_728] {strides = array<i32>} : memref<4x64x128xf32, #tpu.memory_space<vmem>>, vector<1x1x16xf32>,
      %get3A_730 = vector.shape_cast %get3A_729 : vector<1x1x16xf32> to vector<16xf32>
      %mul3A_731 = arith.constant 11.3137083 : f32
      %mul3A_732 = vector.broadcast %mul3A_731 : f32 to vector<16xf32>
      %mul3A_733 = arith.mulf %get3A_730, %mul3A_732 : vector<16xf32>
      %add3A_734 = arith.addf %mul3A_733, %get3A_619 : vector<16xf32>
      %swap3A_735 = arith.constant 0 : i32
      %swap3A_736 = arith.index_cast %swap3A_735 : i32 to index
      %swap3A_737 = arith.index_cast %scan3A_592 : i32 to index
      %swap3A_738 = arith.constant 96 : index
      %swap3A_739 = tpu.vector_load %arg7[%swap3A_736, %swap3A_737, %swap3A_738] {strides = array<i32>} : memref<4x64x128xf32, #tpu.memory_space<vmem>>, vector<1x1x16xf32>,
      %swap3A_740 = vector.shape_cast %swap3A_739 : vector<1x1x16xf32> to vector<16xf32>
      %swap3A_741 = vector.shape_cast %add3A_734 : vector<16xf32> to vector<1x1x16xf32>
      tpu.vector_store %arg7[%swap3A_736, %swap3A_737, %swap3A_738], %swap3A_741 {strides = array<i32>} : memref<4x64x128xf32, #tpu.memory_space<vmem>>, vector<1x1x16xf32>,
      %get3A_742 = arith.constant 0 : i32
      %get3A_743 = arith.index_cast %get3A_742 : i32 to index
      %get3A_744 = arith.index_cast %scan3A_592 : i32 to index
      %get3A_745 = arith.constant 112 : index
      %get3A_746 = tpu.vector_load %arg7[%get3A_743, %get3A_744, %get3A_745] {strides = array<i32>} : memref<4x64x128xf32, #tpu.memory_space<vmem>>, vector<1x1x16xf32>,
      %get3A_747 = vector.shape_cast %get3A_746 : vector<1x1x16xf32> to vector<16xf32>
      %mul3A_748 = arith.constant 11.3137083 : f32
      %mul3A_749 = vector.broadcast %mul3A_748 : f32 to vector<16xf32>
      %mul3A_750 = arith.mulf %get3A_747, %mul3A_749 : vector<16xf32>
      %add3A_751 = arith.addf %mul3A_750, %get3A_623 : vector<16xf32>
      %swap3A_752 = arith.constant 0 : i32
      %swap3A_753 = arith.index_cast %swap3A_752 : i32 to index
      %swap3A_754 = arith.index_cast %scan3A_592 : i32 to index
      %swap3A_755 = arith.constant 112 : index
      %swap3A_756 = tpu.vector_load %arg7[%swap3A_753, %swap3A_754, %swap3A_755] {strides = array<i32>} : memref<4x64x128xf32, #tpu.memory_space<vmem>>, vector<1x1x16xf32>,
      %swap3A_757 = vector.shape_cast %swap3A_756 : vector<1x1x16xf32> to vector<16xf32>
      %swap3A_758 = vector.shape_cast %add3A_751 : vector<16xf32> to vector<1x1x16xf32>
      tpu.vector_store %arg7[%swap3A_753, %swap3A_754, %swap3A_755], %swap3A_758 {strides = array<i32>} : memref<4x64x128xf32, #tpu.memory_space<vmem>>, vector<1x1x16xf32>,
      %get3A_759 = arith.constant 1 : i32
      %get3A_760 = arith.index_cast %get3A_759 : i32 to index
      %get3A_761 = arith.index_cast %scan3A_592 : i32 to index
      %get3A_762 = arith.constant 0 : index
      %get3A_763 = tpu.vector_load %arg7[%get3A_760, %get3A_761, %get3A_762] {strides = array<i32>} : memref<4x64x128xf32, #tpu.memory_space<vmem>>, vector<1x1x16xf32>,
      %get3A_764 = vector.shape_cast %get3A_763 : vector<1x1x16xf32> to vector<16xf32>
      %mul3A_765 = arith.constant 11.3137083 : f32
      %mul3A_766 = vector.broadcast %mul3A_765 : f32 to vector<16xf32>
      %mul3A_767 = arith.mulf %get3A_764, %mul3A_766 : vector<16xf32>
      %add3A_768 = arith.addf %mul3A_767, %get3A_595 : vector<16xf32>
      %swap3A_769 = arith.constant 1 : i32
      %swap3A_770 = arith.index_cast %swap3A_769 : i32 to index
      %swap3A_771 = arith.index_cast %scan3A_592 : i32 to index
      %swap3A_772 = arith.constant 0 : index
      %swap3A_773 = tpu.vector_load %arg7[%swap3A_770, %swap3A_771, %swap3A_772] {strides = array<i32>} : memref<4x64x128xf32, #tpu.memory_space<vmem>>, vector<1x1x16xf32>,
      %swap3A_774 = vector.shape_cast %swap3A_773 : vector<1x1x16xf32> to vector<16xf32>
      %swap3A_775 = vector.shape_cast %add3A_768 : vector<16xf32> to vector<1x1x16xf32>
      tpu.vector_store %arg7[%swap3A_770, %swap3A_771, %swap3A_772], %swap3A_775 {strides = array<i32>} : memref<4x64x128xf32, #tpu.memory_space<vmem>>, vector<1x1x16xf32>,
      %get3A_776 = arith.constant 1 : i32
      %get3A_777 = arith.index_cast %get3A_776 : i32 to index
      %get3A_778 = arith.index_cast %scan3A_592 : i32 to index
      %get3A_779 = arith.constant 16 : index
      %get3A_780 = tpu.vector_load %arg7[%get3A_777, %get3A_778, %get3A_779] {strides = array<i32>} : memref<4x64x128xf32, #tpu.memory_space<vmem>>, vector<1x1x16xf32>,
      %get3A_781 = vector.shape_cast %get3A_780 : vector<1x1x16xf32> to vector<16xf32>
      %mul3A_782 = arith.constant 11.3137083 : f32
      %mul3A_783 = vector.broadcast %mul3A_782 : f32 to vector<16xf32>
      %mul3A_784 = arith.mulf %get3A_781, %mul3A_783 : vector<16xf32>
      %add3A_785 = arith.addf %mul3A_784, %get3A_599 : vector<16xf32>
      %swap3A_786 = arith.constant 1 : i32
      %swap3A_787 = arith.index_cast %swap3A_786 : i32 to index
      %swap3A_788 = arith.index_cast %scan3A_592 : i32 to index
      %swap3A_789 = arith.constant 16 : index
      %swap3A_790 = tpu.vector_load %arg7[%swap3A_787, %swap3A_788, %swap3A_789] {strides = array<i32>} : memref<4x64x128xf32, #tpu.memory_space<vmem>>, vector<1x1x16xf32>,
      %swap3A_791 = vector.shape_cast %swap3A_790 : vector<1x1x16xf32> to vector<16xf32>
      %swap3A_792 = vector.shape_cast %add3A_785 : vector<16xf32> to vector<1x1x16xf32>
      tpu.vector_store %arg7[%swap3A_787, %swap3A_788, %swap3A_789], %swap3A_792 {strides = array<i32>} : memref<4x64x128xf32, #tpu.memory_space<vmem>>, vector<1x1x16xf32>,
      %get3A_793 = arith.constant 1 : i32
      %get3A_794 = arith.index_cast %get3A_793 : i32 to index
      %get3A_795 = arith.index_cast %scan3A_592 : i32 to index
      %get3A_796 = arith.constant 32 : index
      %get3A_797 = tpu.vector_load %arg7[%get3A_794, %get3A_795, %get3A_796] {strides = array<i32>} : memref<4x64x128xf32, #tpu.memory_space<vmem>>, vector<1x1x16xf32>,
      %get3A_798 = vector.shape_cast %get3A_797 : vector<1x1x16xf32> to vector<16xf32>
      %mul3A_799 = arith.constant 11.3137083 : f32
      %mul3A_800 = vector.broadcast %mul3A_799 : f32 to vector<16xf32>
      %mul3A_801 = arith.mulf %get3A_798, %mul3A_800 : vector<16xf32>
      %add3A_802 = arith.addf %mul3A_801, %get3A_603 : vector<16xf32>
      %swap3A_803 = arith.constant 1 : i32
      %swap3A_804 = arith.index_cast %swap3A_803 : i32 to index
      %swap3A_805 = arith.index_cast %scan3A_592 : i32 to index
      %swap3A_806 = arith.constant 32 : index
      %swap3A_807 = tpu.vector_load %arg7[%swap3A_804, %swap3A_805, %swap3A_806] {strides = array<i32>} : memref<4x64x128xf32, #tpu.memory_space<vmem>>, vector<1x1x16xf32>,
      %swap3A_808 = vector.shape_cast %swap3A_807 : vector<1x1x16xf32> to vector<16xf32>
      %swap3A_809 = vector.shape_cast %add3A_802 : vector<16xf32> to vector<1x1x16xf32>
      tpu.vector_store %arg7[%swap3A_804, %swap3A_805, %swap3A_806], %swap3A_809 {strides = array<i32>} : memref<4x64x128xf32, #tpu.memory_space<vmem>>, vector<1x1x16xf32>,
      %get3A_810 = arith.constant 1 : i32
      %get3A_811 = arith.index_cast %get3A_810 : i32 to index
      %get3A_812 = arith.index_cast %scan3A_592 : i32 to index
      %get3A_813 = arith.constant 48 : index
      %get3A_814 = tpu.vector_load %arg7[%get3A_811, %get3A_812, %get3A_813] {strides = array<i32>} : memref<4x64x128xf32, #tpu.memory_space<vmem>>, vector<1x1x16xf32>,
      %get3A_815 = vector.shape_cast %get3A_814 : vector<1x1x16xf32> to vector<16xf32>
      %mul3A_816 = arith.constant 11.3137083 : f32
      %mul3A_817 = vector.broadcast %mul3A_816 : f32 to vector<16xf32>
      %mul3A_818 = arith.mulf %get3A_815, %mul3A_817 : vector<16xf32>
      %add3A_819 = arith.addf %mul3A_818, %get3A_607 : vector<16xf32>
      %swap3A_820 = arith.constant 1 : i32
      %swap3A_821 = arith.index_cast %swap3A_820 : i32 to index
      %swap3A_822 = arith.index_cast %scan3A_592 : i32 to index
      %swap3A_823 = arith.constant 48 : index
      %swap3A_824 = tpu.vector_load %arg7[%swap3A_821, %swap3A_822, %swap3A_823] {strides = array<i32>} : memref<4x64x128xf32, #tpu.memory_space<vmem>>, vector<1x1x16xf32>,
      %swap3A_825 = vector.shape_cast %swap3A_824 : vector<1x1x16xf32> to vector<16xf32>
      %swap3A_826 = vector.shape_cast %add3A_819 : vector<16xf32> to vector<1x1x16xf32>
      tpu.vector_store %arg7[%swap3A_821, %swap3A_822, %swap3A_823], %swap3A_826 {strides = array<i32>} : memref<4x64x128xf32, #tpu.memory_space<vmem>>, vector<1x1x16xf32>,
      %get3A_827 = arith.constant 1 : i32
      %get3A_828 = arith.index_cast %get3A_827 : i32 to index
      %get3A_829 = arith.index_cast %scan3A_592 : i32 to index
      %get3A_830 = arith.constant 64 : index
      %get3A_831 = tpu.vector_load %arg7[%get3A_828, %get3A_829, %get3A_830] {strides = array<i32>} : memref<4x64x128xf32, #tpu.memory_space<vmem>>, vector<1x1x16xf32>,
      %get3A_832 = vector.shape_cast %get3A_831 : vector<1x1x16xf32> to vector<16xf32>
      %mul3A_833 = arith.constant 11.3137083 : f32
      %mul3A_834 = vector.broadcast %mul3A_833 : f32 to vector<16xf32>
      %mul3A_835 = arith.mulf %get3A_832, %mul3A_834 : vector<16xf32>
      %add3A_836 = arith.addf %mul3A_835, %get3A_611 : vector<16xf32>
      %swap3A_837 = arith.constant 1 : i32
      %swap3A_838 = arith.index_cast %swap3A_837 : i32 to index
      %swap3A_839 = arith.index_cast %scan3A_592 : i32 to index
      %swap3A_840 = arith.constant 64 : index
      %swap3A_841 = tpu.vector_load %arg7[%swap3A_838, %swap3A_839, %swap3A_840] {strides = array<i32>} : memref<4x64x128xf32, #tpu.memory_space<vmem>>, vector<1x1x16xf32>,
      %swap3A_842 = vector.shape_cast %swap3A_841 : vector<1x1x16xf32> to vector<16xf32>
      %swap3A_843 = vector.shape_cast %add3A_836 : vector<16xf32> to vector<1x1x16xf32>
      tpu.vector_store %arg7[%swap3A_838, %swap3A_839, %swap3A_840], %swap3A_843 {strides = array<i32>} : memref<4x64x128xf32, #tpu.memory_space<vmem>>, vector<1x1x16xf32>,
      %get3A_844 = arith.constant 1 : i32
      %get3A_845 = arith.index_cast %get3A_844 : i32 to index
      %get3A_846 = arith.index_cast %scan3A_592 : i32 to index
      %get3A_847 = arith.constant 80 : index
      %get3A_848 = tpu.vector_load %arg7[%get3A_845, %get3A_846, %get3A_847] {strides = array<i32>} : memref<4x64x128xf32, #tpu.memory_space<vmem>>, vector<1x1x16xf32>,
      %get3A_849 = vector.shape_cast %get3A_848 : vector<1x1x16xf32> to vector<16xf32>
      %mul3A_850 = arith.constant 11.3137083 : f32
      %mul3A_851 = vector.broadcast %mul3A_850 : f32 to vector<16xf32>
      %mul3A_852 = arith.mulf %get3A_849, %mul3A_851 : vector<16xf32>
      %add3A_853 = arith.addf %mul3A_852, %get3A_615 : vector<16xf32>
      %swap3A_854 = arith.constant 1 : i32
      %swap3A_855 = arith.index_cast %swap3A_854 : i32 to index
      %swap3A_856 = arith.index_cast %scan3A_592 : i32 to index
      %swap3A_857 = arith.constant 80 : index
      %swap3A_858 = tpu.vector_load %arg7[%swap3A_855, %swap3A_856, %swap3A_857] {strides = array<i32>} : memref<4x64x128xf32, #tpu.memory_space<vmem>>, vector<1x1x16xf32>,
      %swap3A_859 = vector.shape_cast %swap3A_858 : vector<1x1x16xf32> to vector<16xf32>
      %swap3A_860 = vector.shape_cast %add3A_853 : vector<16xf32> to vector<1x1x16xf32>
      tpu.vector_store %arg7[%swap3A_855, %swap3A_856, %swap3A_857], %swap3A_860 {strides = array<i32>} : memref<4x64x128xf32, #tpu.memory_space<vmem>>, vector<1x1x16xf32>,
      %get3A_861 = arith.constant 1 : i32
      %get3A_862 = arith.index_cast %get3A_861 : i32 to index
      %get3A_863 = arith.index_cast %scan3A_592 : i32 to index
      %get3A_864 = arith.constant 96 : index
      %get3A_865 = tpu.vector_load %arg7[%get3A_862, %get3A_863, %get3A_864] {strides = array<i32>} : memref<4x64x128xf32, #tpu.memory_space<vmem>>, vector<1x1x16xf32>,
      %get3A_866 = vector.shape_cast %get3A_865 : vector<1x1x16xf32> to vector<16xf32>
      %mul3A_867 = arith.constant 11.3137083 : f32
      %mul3A_868 = vector.broadcast %mul3A_867 : f32 to vector<16xf32>
      %mul3A_869 = arith.mulf %get3A_866, %mul3A_868 : vector<16xf32>
      %add3A_870 = arith.addf %mul3A_869, %get3A_619 : vector<16xf32>
      %swap3A_871 = arith.constant 1 : i32
      %swap3A_872 = arith.index_cast %swap3A_871 : i32 to index
      %swap3A_873 = arith.index_cast %scan3A_592 : i32 to index
      %swap3A_874 = arith.constant 96 : index
      %swap3A_875 = tpu.vector_load %arg7[%swap3A_872, %swap3A_873, %swap3A_874] {strides = array<i32>} : memref<4x64x128xf32, #tpu.memory_space<vmem>>, vector<1x1x16xf32>,
      %swap3A_876 = vector.shape_cast %swap3A_875 : vector<1x1x16xf32> to vector<16xf32>
      %swap3A_877 = vector.shape_cast %add3A_870 : vector<16xf32> to vector<1x1x16xf32>
      tpu.vector_store %arg7[%swap3A_872, %swap3A_873, %swap3A_874], %swap3A_877 {strides = array<i32>} : memref<4x64x128xf32, #tpu.memory_space<vmem>>, vector<1x1x16xf32>,
      %get3A_878 = arith.constant 1 : i32
      %get3A_879 = arith.index_cast %get3A_878 : i32 to index
      %get3A_880 = arith.index_cast %scan3A_592 : i32 to index
      %get3A_881 = arith.constant 112 : index
      %get3A_882 = tpu.vector_load %arg7[%get3A_879, %get3A_880, %get3A_881] {strides = array<i32>} : memref<4x64x128xf32, #tpu.memory_space<vmem>>, vector<1x1x16xf32>,
      %get3A_883 = vector.shape_cast %get3A_882 : vector<1x1x16xf32> to vector<16xf32>
      %mul3A_884 = arith.constant 11.3137083 : f32
      %mul3A_885 = vector.broadcast %mul3A_884 : f32 to vector<16xf32>
      %mul3A_886 = arith.mulf %get3A_883, %mul3A_885 : vector<16xf32>
      %add3A_887 = arith.addf %mul3A_886, %get3A_623 : vector<16xf32>
      %swap3A_888 = arith.constant 1 : i32
      %swap3A_889 = arith.index_cast %swap3A_888 : i32 to index
      %swap3A_890 = arith.index_cast %scan3A_592 : i32 to index
      %swap3A_891 = arith.constant 112 : index
      %swap3A_892 = tpu.vector_load %arg7[%swap3A_889, %swap3A_890, %swap3A_891] {strides = array<i32>} : memref<4x64x128xf32, #tpu.memory_space<vmem>>, vector<1x1x16xf32>,
      %swap3A_893 = vector.shape_cast %swap3A_892 : vector<1x1x16xf32> to vector<16xf32>
      %swap3A_894 = vector.shape_cast %add3A_887 : vector<16xf32> to vector<1x1x16xf32>
      tpu.vector_store %arg7[%swap3A_889, %swap3A_890, %swap3A_891], %swap3A_894 {strides = array<i32>} : memref<4x64x128xf32, #tpu.memory_space<vmem>>, vector<1x1x16xf32>,
    }
    %scan3A_295 = arith.constant 32 : i32
    %add3A_296 = arith.constant 32 : i32
    %add3A_297 = arith.addi %mul3A_2, %add3A_296 : i32
    %dma_start3A_298 = arith.constant 0 : i32
    %dma_start3A_299 = arith.constant 0 : i32
    %dma_start3A_300 = arith.constant 32 : i32
    %dma_start3A_301 = arith.constant 0 : i32
    %dma_start3A_302 = tpu.memref_slice %arg7[%dma_start3A_298, %dma_start3A_300, %dma_start3A_301] : memref<4x64x128xf32, #tpu.memory_space<vmem>> -> memref<1x32x128xf32, #tpu.memory_space<vmem>>
    %dma_start3A_303 = tpu.memref_squeeze %dma_start3A_302 : memref<1x32x128xf32, #tpu.memory_space<vmem>> -> memref<32x128xf32, #tpu.memory_space<vmem>>
    %dma_start3A_304 = arith.constant 0 : i32
    %dma_start3A_305 = tpu.memref_slice %arg5[%dma_start3A_299, %add3A_297, %dma_start3A_304] : memref<4x2048x128xf32, #tpu.memory_space<hbm>> -> memref<1x32x128xf32, #tpu.memory_space<hbm>>
    %dma_start3A_306 = tpu.memref_squeeze %dma_start3A_305 : memref<1x32x128xf32, #tpu.memory_space<hbm>> -> memref<32x128xf32, #tpu.memory_space<hbm>>
    %dma_start3A_307 = arith.constant 0 : i32
    %dma_start3A_308 = tpu.memref_slice %arg5[%dma_start3A_299, %add3A_297, %dma_start3A_307] : memref<4x2048x128xf32, #tpu.memory_space<hbm>> -> memref<1x32x128xf32, #tpu.memory_space<hbm>>
    %dma_start3A_309 = tpu.memref_squeeze %dma_start3A_308 : memref<1x32x128xf32, #tpu.memory_space<hbm>> -> memref<32x128xf32, #tpu.memory_space<hbm>>
    %dma_start3A_310 = arith.constant 32 : i32
    %dma_start3A_311 = arith.constant 0 : i32
    %dma_start3A_312 = tpu.memref_slice %arg7[%dma_start3A_298, %dma_start3A_310, %dma_start3A_311] : memref<4x64x128xf32, #tpu.memory_space<vmem>> -> memref<1x32x128xf32, #tpu.memory_space<vmem>>
    %dma_start3A_313 = tpu.memref_squeeze %dma_start3A_312 : memref<1x32x128xf32, #tpu.memory_space<vmem>> -> memref<32x128xf32, #tpu.memory_space<vmem>>
    tpu.enqueue_dma source(%dma_start3A_313 : memref<32x128xf32, #tpu.memory_space<vmem>>) target(%dma_start3A_309 : memref<32x128xf32, #tpu.memory_space<hbm>>) target_semaphore(%arg19 : memref<!tpu.dma_semaphore, #tpu.memory_space<semaphore_mem>>)
    %add3A_314 = arith.constant 32 : i32
    %add3A_315 = arith.addi %mul3A_2, %add3A_314 : i32
    %dma_start3A_316 = arith.constant 1 : i32
    %dma_start3A_317 = arith.constant 1 : i32
    %dma_start3A_318 = arith.constant 32 : i32
    %dma_start3A_319 = arith.constant 0 : i32
    %dma_start3A_320 = tpu.memref_slice %arg7[%dma_start3A_316, %dma_start3A_318, %dma_start3A_319] : memref<4x64x128xf32, #tpu.memory_space<vmem>> -> memref<1x32x128xf32, #tpu.memory_space<vmem>>
    %dma_start3A_321 = tpu.memref_squeeze %dma_start3A_320 : memref<1x32x128xf32, #tpu.memory_space<vmem>> -> memref<32x128xf32, #tpu.memory_space<vmem>>
    %dma_start3A_322 = arith.constant 0 : i32
    %dma_start3A_323 = tpu.memref_slice %arg5[%dma_start3A_317, %add3A_315, %dma_start3A_322] : memref<4x2048x128xf32, #tpu.memory_space<hbm>> -> memref<1x32x128xf32, #tpu.memory_space<hbm>>
    %dma_start3A_324 = tpu.memref_squeeze %dma_start3A_323 : memref<1x32x128xf32, #tpu.memory_space<hbm>> -> memref<32x128xf32, #tpu.memory_space<hbm>>
    %dma_start3A_325 = arith.constant 0 : i32
    %dma_start3A_326 = tpu.memref_slice %arg5[%dma_start3A_317, %add3A_315, %dma_start3A_325] : memref<4x2048x128xf32, #tpu.memory_space<hbm>> -> memref<1x32x128xf32, #tpu.memory_space<hbm>>
    %dma_start3A_327 = tpu.memref_squeeze %dma_start3A_326 : memref<1x32x128xf32, #tpu.memory_space<hbm>> -> memref<32x128xf32, #tpu.memory_space<hbm>>
    %dma_start3A_328 = arith.constant 32 : i32
    %dma_start3A_329 = arith.constant 0 : i32
    %dma_start3A_330 = tpu.memref_slice %arg7[%dma_start3A_316, %dma_start3A_328, %dma_start3A_329] : memref<4x64x128xf32, #tpu.memory_space<vmem>> -> memref<1x32x128xf32, #tpu.memory_space<vmem>>
    %dma_start3A_331 = tpu.memref_squeeze %dma_start3A_330 : memref<1x32x128xf32, #tpu.memory_space<vmem>> -> memref<32x128xf32, #tpu.memory_space<vmem>>
    tpu.enqueue_dma source(%dma_start3A_331 : memref<32x128xf32, #tpu.memory_space<vmem>>) target(%dma_start3A_327 : memref<32x128xf32, #tpu.memory_space<hbm>>) target_semaphore(%arg19 : memref<!tpu.dma_semaphore, #tpu.memory_space<semaphore_mem>>)
    %dma_wait3A_332 = arith.constant 2 : i32
    %dma_wait3A_333 = arith.constant 2 : i32
    %dma_wait3A_334 = arith.constant 0 : i32
    %dma_wait3A_335 = arith.constant 0 : i32
    %dma_wait3A_336 = tpu.memref_slice %arg7[%dma_wait3A_333, %dma_wait3A_334, %dma_wait3A_335] : memref<4x64x128xf32, #tpu.memory_space<vmem>> -> memref<1x32x128xf32, #tpu.memory_space<vmem>>
    %dma_wait3A_337 = tpu.memref_squeeze %dma_wait3A_336 : memref<1x32x128xf32, #tpu.memory_space<vmem>> -> memref<32x128xf32, #tpu.memory_space<vmem>>
    %dma_wait3A_338 = arith.constant 0 : i32
    %dma_wait3A_339 = tpu.memref_slice %arg6[%dma_wait3A_332, %dma_wait3A_338] : memref<4x64xi32, #tpu.memory_space<vmem>> -> memref<1x32xi32, #tpu.memory_space<vmem>>
    %dma_wait3A_340 = tpu.memref_squeeze %dma_wait3A_339 : memref<1x32xi32, #tpu.memory_space<vmem>> -> memref<32xi32, #tpu.memory_space<vmem>>
    %dma_wait3A_341 = arith.constant 0 : i32
    %dma_wait3A_342 = arith.constant 0 : i32
    %dma_wait3A_343 = tpu.memref_slice %arg3[%dma_wait3A_341, %dma_wait3A_342] : memref<100000x128xf32, #tpu.memory_space<hbm>> -> memref<100000x128xf32, #tpu.memory_space<hbm>>
    tpu.wait_indirect_dma semaphore(%arg15 : memref<!tpu.dma_semaphore, #tpu.memory_space<semaphore_mem>>) src(%dma_wait3A_343 : memref<100000x128xf32, #tpu.memory_space<hbm>>) dst(%dma_wait3A_337 : memref<32x128xf32, #tpu.memory_space<vmem>>)
    %dma_wait3A_344 = arith.constant 3 : i32
    %dma_wait3A_345 = arith.constant 3 : i32
    %dma_wait3A_346 = arith.constant 0 : i32
    %dma_wait3A_347 = arith.constant 0 : i32
    %dma_wait3A_348 = tpu.memref_slice %arg7[%dma_wait3A_345, %dma_wait3A_346, %dma_wait3A_347] : memref<4x64x128xf32, #tpu.memory_space<vmem>> -> memref<1x32x128xf32, #tpu.memory_space<vmem>>
    %dma_wait3A_349 = tpu.memref_squeeze %dma_wait3A_348 : memref<1x32x128xf32, #tpu.memory_space<vmem>> -> memref<32x128xf32, #tpu.memory_space<vmem>>
    %dma_wait3A_350 = arith.constant 0 : i32
    %dma_wait3A_351 = tpu.memref_slice %arg6[%dma_wait3A_344, %dma_wait3A_350] : memref<4x64xi32, #tpu.memory_space<vmem>> -> memref<1x32xi32, #tpu.memory_space<vmem>>
    %dma_wait3A_352 = tpu.memref_squeeze %dma_wait3A_351 : memref<1x32xi32, #tpu.memory_space<vmem>> -> memref<32xi32, #tpu.memory_space<vmem>>
    %dma_wait3A_353 = arith.constant 0 : i32
    %dma_wait3A_354 = arith.constant 0 : i32
    %dma_wait3A_355 = tpu.memref_slice %arg3[%dma_wait3A_353, %dma_wait3A_354] : memref<100000x128xf32, #tpu.memory_space<hbm>> -> memref<100000x128xf32, #tpu.memory_space<hbm>>
    tpu.wait_indirect_dma semaphore(%arg17 : memref<!tpu.dma_semaphore, #tpu.memory_space<semaphore_mem>>) src(%dma_wait3A_355 : memref<100000x128xf32, #tpu.memory_space<hbm>>) dst(%dma_wait3A_349 : memref<32x128xf32, #tpu.memory_space<vmem>>)
    %scan3A_356 = arith.constant 0 : i32
    %scan3A_357 = arith.constant 0 : i32
    %scan3A_358 = arith.constant 32 : i32
    %scan3A_359 = arith.addi %scan3A_357, %scan3A_358 : i32
    %scan3A_360 = arith.constant 1 : i32
    scf.for %scan3A_592 = %scan3A_357 to %scan3A_359 step %scan3A_360  : i32 {
      %get3A = arith.index_cast %scan3A_592 : i32 to index
      %get3A_593 = arith.constant 0 : index
      %get3A_594 = tpu.vector_load %arg8[%get3A, %get3A_593] {strides = array<i32>} : memref<64x128xf32, #tpu.memory_space<vmem>>, vector<1x16xf32>,
      %get3A_595 = vector.shape_cast %get3A_594 : vector<1x16xf32> to vector<16xf32>
      %get3A_596 = arith.index_cast %scan3A_592 : i32 to index
      %get3A_597 = arith.constant 16 : index
      %get3A_598 = tpu.vector_load %arg8[%get3A_596, %get3A_597] {strides = array<i32>} : memref<64x128xf32, #tpu.memory_space<vmem>>, vector<1x16xf32>,
      %get3A_599 = vector.shape_cast %get3A_598 : vector<1x16xf32> to vector<16xf32>
      %get3A_600 = arith.index_cast %scan3A_592 : i32 to index
      %get3A_601 = arith.constant 32 : index
      %get3A_602 = tpu.vector_load %arg8[%get3A_600, %get3A_601] {strides = array<i32>} : memref<64x128xf32, #tpu.memory_space<vmem>>, vector<1x16xf32>,
      %get3A_603 = vector.shape_cast %get3A_602 : vector<1x16xf32> to vector<16xf32>
      %get3A_604 = arith.index_cast %scan3A_592 : i32 to index
      %get3A_605 = arith.constant 48 : index
      %get3A_606 = tpu.vector_load %arg8[%get3A_604, %get3A_605] {strides = array<i32>} : memref<64x128xf32, #tpu.memory_space<vmem>>, vector<1x16xf32>,
      %get3A_607 = vector.shape_cast %get3A_606 : vector<1x16xf32> to vector<16xf32>
      %get3A_608 = arith.index_cast %scan3A_592 : i32 to index
      %get3A_609 = arith.constant 64 : index
      %get3A_610 = tpu.vector_load %arg8[%get3A_608, %get3A_609] {strides = array<i32>} : memref<64x128xf32, #tpu.memory_space<vmem>>, vector<1x16xf32>,
      %get3A_611 = vector.shape_cast %get3A_610 : vector<1x16xf32> to vector<16xf32>
      %get3A_612 = arith.index_cast %scan3A_592 : i32 to index
      %get3A_613 = arith.constant 80 : index
      %get3A_614 = tpu.vector_load %arg8[%get3A_612, %get3A_613] {strides = array<i32>} : memref<64x128xf32, #tpu.memory_space<vmem>>, vector<1x16xf32>,
      %get3A_615 = vector.shape_cast %get3A_614 : vector<1x16xf32> to vector<16xf32>
      %get3A_616 = arith.index_cast %scan3A_592 : i32 to index
      %get3A_617 = arith.constant 96 : index
      %get3A_618 = tpu.vector_load %arg8[%get3A_616, %get3A_617] {strides = array<i32>} : memref<64x128xf32, #tpu.memory_space<vmem>>, vector<1x16xf32>,
      %get3A_619 = vector.shape_cast %get3A_618 : vector<1x16xf32> to vector<16xf32>
      %get3A_620 = arith.index_cast %scan3A_592 : i32 to index
      %get3A_621 = arith.constant 112 : index
      %get3A_622 = tpu.vector_load %arg8[%get3A_620, %get3A_621] {strides = array<i32>} : memref<64x128xf32, #tpu.memory_space<vmem>>, vector<1x16xf32>,
      %get3A_623 = vector.shape_cast %get3A_622 : vector<1x16xf32> to vector<16xf32>
      %get3A_624 = arith.constant 2 : i32
      %get3A_625 = arith.index_cast %get3A_624 : i32 to index
      %get3A_626 = arith.index_cast %scan3A_592 : i32 to index
      %get3A_627 = arith.constant 0 : index
      %get3A_628 = tpu.vector_load %arg7[%get3A_625, %get3A_626, %get3A_627] {strides = array<i32>} : memref<4x64x128xf32, #tpu.memory_space<vmem>>, vector<1x1x16xf32>,
      %get3A_629 = vector.shape_cast %get3A_628 : vector<1x1x16xf32> to vector<16xf32>
      %mul3A_630 = arith.constant 11.3137083 : f32
      %mul3A_631 = vector.broadcast %mul3A_630 : f32 to vector<16xf32>
      %mul3A_632 = arith.mulf %get3A_629, %mul3A_631 : vector<16xf32>
      %add3A_633 = arith.addf %mul3A_632, %get3A_595 : vector<16xf32>
      %swap3A = arith.constant 2 : i32
      %swap3A_634 = arith.index_cast %swap3A : i32 to index
      %swap3A_635 = arith.index_cast %scan3A_592 : i32 to index
      %swap3A_636 = arith.constant 0 : index
      %swap3A_637 = tpu.vector_load %arg7[%swap3A_634, %swap3A_635, %swap3A_636] {strides = array<i32>} : memref<4x64x128xf32, #tpu.memory_space<vmem>>, vector<1x1x16xf32>,
      %swap3A_638 = vector.shape_cast %swap3A_637 : vector<1x1x16xf32> to vector<16xf32>
      %swap3A_639 = vector.shape_cast %add3A_633 : vector<16xf32> to vector<1x1x16xf32>
      tpu.vector_store %arg7[%swap3A_634, %swap3A_635, %swap3A_636], %swap3A_639 {strides = array<i32>} : memref<4x64x128xf32, #tpu.memory_space<vmem>>, vector<1x1x16xf32>,
      %get3A_640 = arith.constant 2 : i32
      %get3A_641 = arith.index_cast %get3A_640 : i32 to index
      %get3A_642 = arith.index_cast %scan3A_592 : i32 to index
      %get3A_643 = arith.constant 16 : index
      %get3A_644 = tpu.vector_load %arg7[%get3A_641, %get3A_642, %get3A_643] {strides = array<i32>} : memref<4x64x128xf32, #tpu.memory_space<vmem>>, vector<1x1x16xf32>,
      %get3A_645 = vector.shape_cast %get3A_644 : vector<1x1x16xf32> to vector<16xf32>
      %mul3A_646 = arith.constant 11.3137083 : f32
      %mul3A_647 = vector.broadcast %mul3A_646 : f32 to vector<16xf32>
      %mul3A_648 = arith.mulf %get3A_645, %mul3A_647 : vector<16xf32>
      %add3A_649 = arith.addf %mul3A_648, %get3A_599 : vector<16xf32>
      %swap3A_650 = arith.constant 2 : i32
      %swap3A_651 = arith.index_cast %swap3A_650 : i32 to index
      %swap3A_652 = arith.index_cast %scan3A_592 : i32 to index
      %swap3A_653 = arith.constant 16 : index
      %swap3A_654 = tpu.vector_load %arg7[%swap3A_651, %swap3A_652, %swap3A_653] {strides = array<i32>} : memref<4x64x128xf32, #tpu.memory_space<vmem>>, vector<1x1x16xf32>,
      %swap3A_655 = vector.shape_cast %swap3A_654 : vector<1x1x16xf32> to vector<16xf32>
      %swap3A_656 = vector.shape_cast %add3A_649 : vector<16xf32> to vector<1x1x16xf32>
      tpu.vector_store %arg7[%swap3A_651, %swap3A_652, %swap3A_653], %swap3A_656 {strides = array<i32>} : memref<4x64x128xf32, #tpu.memory_space<vmem>>, vector<1x1x16xf32>,
      %get3A_657 = arith.constant 2 : i32
      %get3A_658 = arith.index_cast %get3A_657 : i32 to index
      %get3A_659 = arith.index_cast %scan3A_592 : i32 to index
      %get3A_660 = arith.constant 32 : index
      %get3A_661 = tpu.vector_load %arg7[%get3A_658, %get3A_659, %get3A_660] {strides = array<i32>} : memref<4x64x128xf32, #tpu.memory_space<vmem>>, vector<1x1x16xf32>,
      %get3A_662 = vector.shape_cast %get3A_661 : vector<1x1x16xf32> to vector<16xf32>
      %mul3A_663 = arith.constant 11.3137083 : f32
      %mul3A_664 = vector.broadcast %mul3A_663 : f32 to vector<16xf32>
      %mul3A_665 = arith.mulf %get3A_662, %mul3A_664 : vector<16xf32>
      %add3A_666 = arith.addf %mul3A_665, %get3A_603 : vector<16xf32>
      %swap3A_667 = arith.constant 2 : i32
      %swap3A_668 = arith.index_cast %swap3A_667 : i32 to index
      %swap3A_669 = arith.index_cast %scan3A_592 : i32 to index
      %swap3A_670 = arith.constant 32 : index
      %swap3A_671 = tpu.vector_load %arg7[%swap3A_668, %swap3A_669, %swap3A_670] {strides = array<i32>} : memref<4x64x128xf32, #tpu.memory_space<vmem>>, vector<1x1x16xf32>,
      %swap3A_672 = vector.shape_cast %swap3A_671 : vector<1x1x16xf32> to vector<16xf32>
      %swap3A_673 = vector.shape_cast %add3A_666 : vector<16xf32> to vector<1x1x16xf32>
      tpu.vector_store %arg7[%swap3A_668, %swap3A_669, %swap3A_670], %swap3A_673 {strides = array<i32>} : memref<4x64x128xf32, #tpu.memory_space<vmem>>, vector<1x1x16xf32>,
      %get3A_674 = arith.constant 2 : i32
      %get3A_675 = arith.index_cast %get3A_674 : i32 to index
      %get3A_676 = arith.index_cast %scan3A_592 : i32 to index
      %get3A_677 = arith.constant 48 : index
      %get3A_678 = tpu.vector_load %arg7[%get3A_675, %get3A_676, %get3A_677] {strides = array<i32>} : memref<4x64x128xf32, #tpu.memory_space<vmem>>, vector<1x1x16xf32>,
      %get3A_679 = vector.shape_cast %get3A_678 : vector<1x1x16xf32> to vector<16xf32>
      %mul3A_680 = arith.constant 11.3137083 : f32
      %mul3A_681 = vector.broadcast %mul3A_680 : f32 to vector<16xf32>
      %mul3A_682 = arith.mulf %get3A_679, %mul3A_681 : vector<16xf32>
      %add3A_683 = arith.addf %mul3A_682, %get3A_607 : vector<16xf32>
      %swap3A_684 = arith.constant 2 : i32
      %swap3A_685 = arith.index_cast %swap3A_684 : i32 to index
      %swap3A_686 = arith.index_cast %scan3A_592 : i32 to index
      %swap3A_687 = arith.constant 48 : index
      %swap3A_688 = tpu.vector_load %arg7[%swap3A_685, %swap3A_686, %swap3A_687] {strides = array<i32>} : memref<4x64x128xf32, #tpu.memory_space<vmem>>, vector<1x1x16xf32>,
      %swap3A_689 = vector.shape_cast %swap3A_688 : vector<1x1x16xf32> to vector<16xf32>
      %swap3A_690 = vector.shape_cast %add3A_683 : vector<16xf32> to vector<1x1x16xf32>
      tpu.vector_store %arg7[%swap3A_685, %swap3A_686, %swap3A_687], %swap3A_690 {strides = array<i32>} : memref<4x64x128xf32, #tpu.memory_space<vmem>>, vector<1x1x16xf32>,
      %get3A_691 = arith.constant 2 : i32
      %get3A_692 = arith.index_cast %get3A_691 : i32 to index
      %get3A_693 = arith.index_cast %scan3A_592 : i32 to index
      %get3A_694 = arith.constant 64 : index
      %get3A_695 = tpu.vector_load %arg7[%get3A_692, %get3A_693, %get3A_694] {strides = array<i32>} : memref<4x64x128xf32, #tpu.memory_space<vmem>>, vector<1x1x16xf32>,
      %get3A_696 = vector.shape_cast %get3A_695 : vector<1x1x16xf32> to vector<16xf32>
      %mul3A_697 = arith.constant 11.3137083 : f32
      %mul3A_698 = vector.broadcast %mul3A_697 : f32 to vector<16xf32>
      %mul3A_699 = arith.mulf %get3A_696, %mul3A_698 : vector<16xf32>
      %add3A_700 = arith.addf %mul3A_699, %get3A_611 : vector<16xf32>
      %swap3A_701 = arith.constant 2 : i32
      %swap3A_702 = arith.index_cast %swap3A_701 : i32 to index
      %swap3A_703 = arith.index_cast %scan3A_592 : i32 to index
      %swap3A_704 = arith.constant 64 : index
      %swap3A_705 = tpu.vector_load %arg7[%swap3A_702, %swap3A_703, %swap3A_704] {strides = array<i32>} : memref<4x64x128xf32, #tpu.memory_space<vmem>>, vector<1x1x16xf32>,
      %swap3A_706 = vector.shape_cast %swap3A_705 : vector<1x1x16xf32> to vector<16xf32>
      %swap3A_707 = vector.shape_cast %add3A_700 : vector<16xf32> to vector<1x1x16xf32>
      tpu.vector_store %arg7[%swap3A_702, %swap3A_703, %swap3A_704], %swap3A_707 {strides = array<i32>} : memref<4x64x128xf32, #tpu.memory_space<vmem>>, vector<1x1x16xf32>,
      %get3A_708 = arith.constant 2 : i32
      %get3A_709 = arith.index_cast %get3A_708 : i32 to index
      %get3A_710 = arith.index_cast %scan3A_592 : i32 to index
      %get3A_711 = arith.constant 80 : index
      %get3A_712 = tpu.vector_load %arg7[%get3A_709, %get3A_710, %get3A_711] {strides = array<i32>} : memref<4x64x128xf32, #tpu.memory_space<vmem>>, vector<1x1x16xf32>,
      %get3A_713 = vector.shape_cast %get3A_712 : vector<1x1x16xf32> to vector<16xf32>
      %mul3A_714 = arith.constant 11.3137083 : f32
      %mul3A_715 = vector.broadcast %mul3A_714 : f32 to vector<16xf32>
      %mul3A_716 = arith.mulf %get3A_713, %mul3A_715 : vector<16xf32>
      %add3A_717 = arith.addf %mul3A_716, %get3A_615 : vector<16xf32>
      %swap3A_718 = arith.constant 2 : i32
      %swap3A_719 = arith.index_cast %swap3A_718 : i32 to index
      %swap3A_720 = arith.index_cast %scan3A_592 : i32 to index
      %swap3A_721 = arith.constant 80 : index
      %swap3A_722 = tpu.vector_load %arg7[%swap3A_719, %swap3A_720, %swap3A_721] {strides = array<i32>} : memref<4x64x128xf32, #tpu.memory_space<vmem>>, vector<1x1x16xf32>,
      %swap3A_723 = vector.shape_cast %swap3A_722 : vector<1x1x16xf32> to vector<16xf32>
      %swap3A_724 = vector.shape_cast %add3A_717 : vector<16xf32> to vector<1x1x16xf32>
      tpu.vector_store %arg7[%swap3A_719, %swap3A_720, %swap3A_721], %swap3A_724 {strides = array<i32>} : memref<4x64x128xf32, #tpu.memory_space<vmem>>, vector<1x1x16xf32>,
      %get3A_725 = arith.constant 2 : i32
      %get3A_726 = arith.index_cast %get3A_725 : i32 to index
      %get3A_727 = arith.index_cast %scan3A_592 : i32 to index
      %get3A_728 = arith.constant 96 : index
      %get3A_729 = tpu.vector_load %arg7[%get3A_726, %get3A_727, %get3A_728] {strides = array<i32>} : memref<4x64x128xf32, #tpu.memory_space<vmem>>, vector<1x1x16xf32>,
      %get3A_730 = vector.shape_cast %get3A_729 : vector<1x1x16xf32> to vector<16xf32>
      %mul3A_731 = arith.constant 11.3137083 : f32
      %mul3A_732 = vector.broadcast %mul3A_731 : f32 to vector<16xf32>
      %mul3A_733 = arith.mulf %get3A_730, %mul3A_732 : vector<16xf32>
      %add3A_734 = arith.addf %mul3A_733, %get3A_619 : vector<16xf32>
      %swap3A_735 = arith.constant 2 : i32
      %swap3A_736 = arith.index_cast %swap3A_735 : i32 to index
      %swap3A_737 = arith.index_cast %scan3A_592 : i32 to index
      %swap3A_738 = arith.constant 96 : index
      %swap3A_739 = tpu.vector_load %arg7[%swap3A_736, %swap3A_737, %swap3A_738] {strides = array<i32>} : memref<4x64x128xf32, #tpu.memory_space<vmem>>, vector<1x1x16xf32>,
      %swap3A_740 = vector.shape_cast %swap3A_739 : vector<1x1x16xf32> to vector<16xf32>
      %swap3A_741 = vector.shape_cast %add3A_734 : vector<16xf32> to vector<1x1x16xf32>
      tpu.vector_store %arg7[%swap3A_736, %swap3A_737, %swap3A_738], %swap3A_741 {strides = array<i32>} : memref<4x64x128xf32, #tpu.memory_space<vmem>>, vector<1x1x16xf32>,
      %get3A_742 = arith.constant 2 : i32
      %get3A_743 = arith.index_cast %get3A_742 : i32 to index
      %get3A_744 = arith.index_cast %scan3A_592 : i32 to index
      %get3A_745 = arith.constant 112 : index
      %get3A_746 = tpu.vector_load %arg7[%get3A_743, %get3A_744, %get3A_745] {strides = array<i32>} : memref<4x64x128xf32, #tpu.memory_space<vmem>>, vector<1x1x16xf32>,
      %get3A_747 = vector.shape_cast %get3A_746 : vector<1x1x16xf32> to vector<16xf32>
      %mul3A_748 = arith.constant 11.3137083 : f32
      %mul3A_749 = vector.broadcast %mul3A_748 : f32 to vector<16xf32>
      %mul3A_750 = arith.mulf %get3A_747, %mul3A_749 : vector<16xf32>
      %add3A_751 = arith.addf %mul3A_750, %get3A_623 : vector<16xf32>
      %swap3A_752 = arith.constant 2 : i32
      %swap3A_753 = arith.index_cast %swap3A_752 : i32 to index
      %swap3A_754 = arith.index_cast %scan3A_592 : i32 to index
      %swap3A_755 = arith.constant 112 : index
      %swap3A_756 = tpu.vector_load %arg7[%swap3A_753, %swap3A_754, %swap3A_755] {strides = array<i32>} : memref<4x64x128xf32, #tpu.memory_space<vmem>>, vector<1x1x16xf32>,
      %swap3A_757 = vector.shape_cast %swap3A_756 : vector<1x1x16xf32> to vector<16xf32>
      %swap3A_758 = vector.shape_cast %add3A_751 : vector<16xf32> to vector<1x1x16xf32>
      tpu.vector_store %arg7[%swap3A_753, %swap3A_754, %swap3A_755], %swap3A_758 {strides = array<i32>} : memref<4x64x128xf32, #tpu.memory_space<vmem>>, vector<1x1x16xf32>,
      %get3A_759 = arith.constant 3 : i32
      %get3A_760 = arith.index_cast %get3A_759 : i32 to index
      %get3A_761 = arith.index_cast %scan3A_592 : i32 to index
      %get3A_762 = arith.constant 0 : index
      %get3A_763 = tpu.vector_load %arg7[%get3A_760, %get3A_761, %get3A_762] {strides = array<i32>} : memref<4x64x128xf32, #tpu.memory_space<vmem>>, vector<1x1x16xf32>,
      %get3A_764 = vector.shape_cast %get3A_763 : vector<1x1x16xf32> to vector<16xf32>
      %mul3A_765 = arith.constant 11.3137083 : f32
      %mul3A_766 = vector.broadcast %mul3A_765 : f32 to vector<16xf32>
      %mul3A_767 = arith.mulf %get3A_764, %mul3A_766 : vector<16xf32>
      %add3A_768 = arith.addf %mul3A_767, %get3A_595 : vector<16xf32>
      %swap3A_769 = arith.constant 3 : i32
      %swap3A_770 = arith.index_cast %swap3A_769 : i32 to index
      %swap3A_771 = arith.index_cast %scan3A_592 : i32 to index
      %swap3A_772 = arith.constant 0 : index
      %swap3A_773 = tpu.vector_load %arg7[%swap3A_770, %swap3A_771, %swap3A_772] {strides = array<i32>} : memref<4x64x128xf32, #tpu.memory_space<vmem>>, vector<1x1x16xf32>,
      %swap3A_774 = vector.shape_cast %swap3A_773 : vector<1x1x16xf32> to vector<16xf32>
      %swap3A_775 = vector.shape_cast %add3A_768 : vector<16xf32> to vector<1x1x16xf32>
      tpu.vector_store %arg7[%swap3A_770, %swap3A_771, %swap3A_772], %swap3A_775 {strides = array<i32>} : memref<4x64x128xf32, #tpu.memory_space<vmem>>, vector<1x1x16xf32>,
      %get3A_776 = arith.constant 3 : i32
      %get3A_777 = arith.index_cast %get3A_776 : i32 to index
      %get3A_778 = arith.index_cast %scan3A_592 : i32 to index
      %get3A_779 = arith.constant 16 : index
      %get3A_780 = tpu.vector_load %arg7[%get3A_777, %get3A_778, %get3A_779] {strides = array<i32>} : memref<4x64x128xf32, #tpu.memory_space<vmem>>, vector<1x1x16xf32>,
      %get3A_781 = vector.shape_cast %get3A_780 : vector<1x1x16xf32> to vector<16xf32>
      %mul3A_782 = arith.constant 11.3137083 : f32
      %mul3A_783 = vector.broadcast %mul3A_782 : f32 to vector<16xf32>
      %mul3A_784 = arith.mulf %get3A_781, %mul3A_783 : vector<16xf32>
      %add3A_785 = arith.addf %mul3A_784, %get3A_599 : vector<16xf32>
      %swap3A_786 = arith.constant 3 : i32
      %swap3A_787 = arith.index_cast %swap3A_786 : i32 to index
      %swap3A_788 = arith.index_cast %scan3A_592 : i32 to index
      %swap3A_789 = arith.constant 16 : index
      %swap3A_790 = tpu.vector_load %arg7[%swap3A_787, %swap3A_788, %swap3A_789] {strides = array<i32>} : memref<4x64x128xf32, #tpu.memory_space<vmem>>, vector<1x1x16xf32>,
      %swap3A_791 = vector.shape_cast %swap3A_790 : vector<1x1x16xf32> to vector<16xf32>
      %swap3A_792 = vector.shape_cast %add3A_785 : vector<16xf32> to vector<1x1x16xf32>
      tpu.vector_store %arg7[%swap3A_787, %swap3A_788, %swap3A_789], %swap3A_792 {strides = array<i32>} : memref<4x64x128xf32, #tpu.memory_space<vmem>>, vector<1x1x16xf32>,
      %get3A_793 = arith.constant 3 : i32
      %get3A_794 = arith.index_cast %get3A_793 : i32 to index
      %get3A_795 = arith.index_cast %scan3A_592 : i32 to index
      %get3A_796 = arith.constant 32 : index
      %get3A_797 = tpu.vector_load %arg7[%get3A_794, %get3A_795, %get3A_796] {strides = array<i32>} : memref<4x64x128xf32, #tpu.memory_space<vmem>>, vector<1x1x16xf32>,
      %get3A_798 = vector.shape_cast %get3A_797 : vector<1x1x16xf32> to vector<16xf32>
      %mul3A_799 = arith.constant 11.3137083 : f32
      %mul3A_800 = vector.broadcast %mul3A_799 : f32 to vector<16xf32>
      %mul3A_801 = arith.mulf %get3A_798, %mul3A_800 : vector<16xf32>
      %add3A_802 = arith.addf %mul3A_801, %get3A_603 : vector<16xf32>
      %swap3A_803 = arith.constant 3 : i32
      %swap3A_804 = arith.index_cast %swap3A_803 : i32 to index
      %swap3A_805 = arith.index_cast %scan3A_592 : i32 to index
      %swap3A_806 = arith.constant 32 : index
      %swap3A_807 = tpu.vector_load %arg7[%swap3A_804, %swap3A_805, %swap3A_806] {strides = array<i32>} : memref<4x64x128xf32, #tpu.memory_space<vmem>>, vector<1x1x16xf32>,
      %swap3A_808 = vector.shape_cast %swap3A_807 : vector<1x1x16xf32> to vector<16xf32>
      %swap3A_809 = vector.shape_cast %add3A_802 : vector<16xf32> to vector<1x1x16xf32>
      tpu.vector_store %arg7[%swap3A_804, %swap3A_805, %swap3A_806], %swap3A_809 {strides = array<i32>} : memref<4x64x128xf32, #tpu.memory_space<vmem>>, vector<1x1x16xf32>,
      %get3A_810 = arith.constant 3 : i32
      %get3A_811 = arith.index_cast %get3A_810 : i32 to index
      %get3A_812 = arith.index_cast %scan3A_592 : i32 to index
      %get3A_813 = arith.constant 48 : index
      %get3A_814 = tpu.vector_load %arg7[%get3A_811, %get3A_812, %get3A_813] {strides = array<i32>} : memref<4x64x128xf32, #tpu.memory_space<vmem>>, vector<1x1x16xf32>,
      %get3A_815 = vector.shape_cast %get3A_814 : vector<1x1x16xf32> to vector<16xf32>
      %mul3A_816 = arith.constant 11.3137083 : f32
      %mul3A_817 = vector.broadcast %mul3A_816 : f32 to vector<16xf32>
      %mul3A_818 = arith.mulf %get3A_815, %mul3A_817 : vector<16xf32>
      %add3A_819 = arith.addf %mul3A_818, %get3A_607 : vector<16xf32>
      %swap3A_820 = arith.constant 3 : i32
      %swap3A_821 = arith.index_cast %swap3A_820 : i32 to index
      %swap3A_822 = arith.index_cast %scan3A_592 : i32 to index
      %swap3A_823 = arith.constant 48 : index
      %swap3A_824 = tpu.vector_load %arg7[%swap3A_821, %swap3A_822, %swap3A_823] {strides = array<i32>} : memref<4x64x128xf32, #tpu.memory_space<vmem>>, vector<1x1x16xf32>,
      %swap3A_825 = vector.shape_cast %swap3A_824 : vector<1x1x16xf32> to vector<16xf32>
      %swap3A_826 = vector.shape_cast %add3A_819 : vector<16xf32> to vector<1x1x16xf32>
      tpu.vector_store %arg7[%swap3A_821, %swap3A_822, %swap3A_823], %swap3A_826 {strides = array<i32>} : memref<4x64x128xf32, #tpu.memory_space<vmem>>, vector<1x1x16xf32>,
      %get3A_827 = arith.constant 3 : i32
      %get3A_828 = arith.index_cast %get3A_827 : i32 to index
      %get3A_829 = arith.index_cast %scan3A_592 : i32 to index
      %get3A_830 = arith.constant 64 : index
      %get3A_831 = tpu.vector_load %arg7[%get3A_828, %get3A_829, %get3A_830] {strides = array<i32>} : memref<4x64x128xf32, #tpu.memory_space<vmem>>, vector<1x1x16xf32>,
      %get3A_832 = vector.shape_cast %get3A_831 : vector<1x1x16xf32> to vector<16xf32>
      %mul3A_833 = arith.constant 11.3137083 : f32
      %mul3A_834 = vector.broadcast %mul3A_833 : f32 to vector<16xf32>
      %mul3A_835 = arith.mulf %get3A_832, %mul3A_834 : vector<16xf32>
      %add3A_836 = arith.addf %mul3A_835, %get3A_611 : vector<16xf32>
      %swap3A_837 = arith.constant 3 : i32
      %swap3A_838 = arith.index_cast %swap3A_837 : i32 to index
      %swap3A_839 = arith.index_cast %scan3A_592 : i32 to index
      %swap3A_840 = arith.constant 64 : index
      %swap3A_841 = tpu.vector_load %arg7[%swap3A_838, %swap3A_839, %swap3A_840] {strides = array<i32>} : memref<4x64x128xf32, #tpu.memory_space<vmem>>, vector<1x1x16xf32>,
      %swap3A_842 = vector.shape_cast %swap3A_841 : vector<1x1x16xf32> to vector<16xf32>
      %swap3A_843 = vector.shape_cast %add3A_836 : vector<16xf32> to vector<1x1x16xf32>
      tpu.vector_store %arg7[%swap3A_838, %swap3A_839, %swap3A_840], %swap3A_843 {strides = array<i32>} : memref<4x64x128xf32, #tpu.memory_space<vmem>>, vector<1x1x16xf32>,
      %get3A_844 = arith.constant 3 : i32
      %get3A_845 = arith.index_cast %get3A_844 : i32 to index
      %get3A_846 = arith.index_cast %scan3A_592 : i32 to index
      %get3A_847 = arith.constant 80 : index
      %get3A_848 = tpu.vector_load %arg7[%get3A_845, %get3A_846, %get3A_847] {strides = array<i32>} : memref<4x64x128xf32, #tpu.memory_space<vmem>>, vector<1x1x16xf32>,
      %get3A_849 = vector.shape_cast %get3A_848 : vector<1x1x16xf32> to vector<16xf32>
      %mul3A_850 = arith.constant 11.3137083 : f32
      %mul3A_851 = vector.broadcast %mul3A_850 : f32 to vector<16xf32>
      %mul3A_852 = arith.mulf %get3A_849, %mul3A_851 : vector<16xf32>
      %add3A_853 = arith.addf %mul3A_852, %get3A_615 : vector<16xf32>
      %swap3A_854 = arith.constant 3 : i32
      %swap3A_855 = arith.index_cast %swap3A_854 : i32 to index
      %swap3A_856 = arith.index_cast %scan3A_592 : i32 to index
      %swap3A_857 = arith.constant 80 : index
      %swap3A_858 = tpu.vector_load %arg7[%swap3A_855, %swap3A_856, %swap3A_857] {strides = array<i32>} : memref<4x64x128xf32, #tpu.memory_space<vmem>>, vector<1x1x16xf32>,
      %swap3A_859 = vector.shape_cast %swap3A_858 : vector<1x1x16xf32> to vector<16xf32>
      %swap3A_860 = vector.shape_cast %add3A_853 : vector<16xf32> to vector<1x1x16xf32>
      tpu.vector_store %arg7[%swap3A_855, %swap3A_856, %swap3A_857], %swap3A_860 {strides = array<i32>} : memref<4x64x128xf32, #tpu.memory_space<vmem>>, vector<1x1x16xf32>,
      %get3A_861 = arith.constant 3 : i32
      %get3A_862 = arith.index_cast %get3A_861 : i32 to index
      %get3A_863 = arith.index_cast %scan3A_592 : i32 to index
      %get3A_864 = arith.constant 96 : index
      %get3A_865 = tpu.vector_load %arg7[%get3A_862, %get3A_863, %get3A_864] {strides = array<i32>} : memref<4x64x128xf32, #tpu.memory_space<vmem>>, vector<1x1x16xf32>,
      %get3A_866 = vector.shape_cast %get3A_865 : vector<1x1x16xf32> to vector<16xf32>
      %mul3A_867 = arith.constant 11.3137083 : f32
      %mul3A_868 = vector.broadcast %mul3A_867 : f32 to vector<16xf32>
      %mul3A_869 = arith.mulf %get3A_866, %mul3A_868 : vector<16xf32>
      %add3A_870 = arith.addf %mul3A_869, %get3A_619 : vector<16xf32>
      %swap3A_871 = arith.constant 3 : i32
      %swap3A_872 = arith.index_cast %swap3A_871 : i32 to index
      %swap3A_873 = arith.index_cast %scan3A_592 : i32 to index
      %swap3A_874 = arith.constant 96 : index
      %swap3A_875 = tpu.vector_load %arg7[%swap3A_872, %swap3A_873, %swap3A_874] {strides = array<i32>} : memref<4x64x128xf32, #tpu.memory_space<vmem>>, vector<1x1x16xf32>,
      %swap3A_876 = vector.shape_cast %swap3A_875 : vector<1x1x16xf32> to vector<16xf32>
      %swap3A_877 = vector.shape_cast %add3A_870 : vector<16xf32> to vector<1x1x16xf32>
      tpu.vector_store %arg7[%swap3A_872, %swap3A_873, %swap3A_874], %swap3A_877 {strides = array<i32>} : memref<4x64x128xf32, #tpu.memory_space<vmem>>, vector<1x1x16xf32>,
      %get3A_878 = arith.constant 3 : i32
      %get3A_879 = arith.index_cast %get3A_878 : i32 to index
      %get3A_880 = arith.index_cast %scan3A_592 : i32 to index
      %get3A_881 = arith.constant 112 : index
      %get3A_882 = tpu.vector_load %arg7[%get3A_879, %get3A_880, %get3A_881] {strides = array<i32>} : memref<4x64x128xf32, #tpu.memory_space<vmem>>, vector<1x1x16xf32>,
      %get3A_883 = vector.shape_cast %get3A_882 : vector<1x1x16xf32> to vector<16xf32>
      %mul3A_884 = arith.constant 11.3137083 : f32
      %mul3A_885 = vector.broadcast %mul3A_884 : f32 to vector<16xf32>
      %mul3A_886 = arith.mulf %get3A_883, %mul3A_885 : vector<16xf32>
      %add3A_887 = arith.addf %mul3A_886, %get3A_623 : vector<16xf32>
      %swap3A_888 = arith.constant 3 : i32
      %swap3A_889 = arith.index_cast %swap3A_888 : i32 to index
      %swap3A_890 = arith.index_cast %scan3A_592 : i32 to index
      %swap3A_891 = arith.constant 112 : index
      %swap3A_892 = tpu.vector_load %arg7[%swap3A_889, %swap3A_890, %swap3A_891] {strides = array<i32>} : memref<4x64x128xf32, #tpu.memory_space<vmem>>, vector<1x1x16xf32>,
      %swap3A_893 = vector.shape_cast %swap3A_892 : vector<1x1x16xf32> to vector<16xf32>
      %swap3A_894 = vector.shape_cast %add3A_887 : vector<16xf32> to vector<1x1x16xf32>
      tpu.vector_store %arg7[%swap3A_889, %swap3A_890, %swap3A_891], %swap3A_894 {strides = array<i32>} : memref<4x64x128xf32, #tpu.memory_space<vmem>>, vector<1x1x16xf32>,
    }
    %scan3A_361 = arith.constant 32 : i32
    %add3A_362 = arith.constant 0 : i32
    %add3A_363 = arith.addi %mul3A_2, %add3A_362 : i32
    %dma_start3A_364 = arith.constant 2 : i32
    %dma_start3A_365 = arith.constant 2 : i32
    %dma_start3A_366 = arith.constant 0 : i32
    %dma_start3A_367 = arith.constant 0 : i32
    %dma_start3A_368 = tpu.memref_slice %arg7[%dma_start3A_364, %dma_start3A_366, %dma_start3A_367] : memref<4x64x128xf32, #tpu.memory_space<vmem>> -> memref<1x32x128xf32, #tpu.memory_space<vmem>>
    %dma_start3A_369 = tpu.memref_squeeze %dma_start3A_368 : memref<1x32x128xf32, #tpu.memory_space<vmem>> -> memref<32x128xf32, #tpu.memory_space<vmem>>
    %dma_start3A_370 = arith.constant 0 : i32
    %dma_start3A_371 = tpu.memref_slice %arg5[%dma_start3A_365, %add3A_363, %dma_start3A_370] : memref<4x2048x128xf32, #tpu.memory_space<hbm>> -> memref<1x32x128xf32, #tpu.memory_space<hbm>>
    %dma_start3A_372 = tpu.memref_squeeze %dma_start3A_371 : memref<1x32x128xf32, #tpu.memory_space<hbm>> -> memref<32x128xf32, #tpu.memory_space<hbm>>
    %dma_start3A_373 = arith.constant 0 : i32
    %dma_start3A_374 = tpu.memref_slice %arg5[%dma_start3A_365, %add3A_363, %dma_start3A_373] : memref<4x2048x128xf32, #tpu.memory_space<hbm>> -> memref<1x32x128xf32, #tpu.memory_space<hbm>>
    %dma_start3A_375 = tpu.memref_squeeze %dma_start3A_374 : memref<1x32x128xf32, #tpu.memory_space<hbm>> -> memref<32x128xf32, #tpu.memory_space<hbm>>
    %dma_start3A_376 = arith.constant 0 : i32
    %dma_start3A_377 = arith.constant 0 : i32
    %dma_start3A_378 = tpu.memref_slice %arg7[%dma_start3A_364, %dma_start3A_376, %dma_start3A_377] : memref<4x64x128xf32, #tpu.memory_space<vmem>> -> memref<1x32x128xf32, #tpu.memory_space<vmem>>
    %dma_start3A_379 = tpu.memref_squeeze %dma_start3A_378 : memref<1x32x128xf32, #tpu.memory_space<vmem>> -> memref<32x128xf32, #tpu.memory_space<vmem>>
    tpu.enqueue_dma source(%dma_start3A_379 : memref<32x128xf32, #tpu.memory_space<vmem>>) target(%dma_start3A_375 : memref<32x128xf32, #tpu.memory_space<hbm>>) target_semaphore(%arg19 : memref<!tpu.dma_semaphore, #tpu.memory_space<semaphore_mem>>)
    %add3A_380 = arith.constant 0 : i32
    %add3A_381 = arith.addi %mul3A_2, %add3A_380 : i32
    %dma_start3A_382 = arith.constant 3 : i32
    %dma_start3A_383 = arith.constant 3 : i32
    %dma_start3A_384 = arith.constant 0 : i32
    %dma_start3A_385 = arith.constant 0 : i32
    %dma_start3A_386 = tpu.memref_slice %arg7[%dma_start3A_382, %dma_start3A_384, %dma_start3A_385] : memref<4x64x128xf32, #tpu.memory_space<vmem>> -> memref<1x32x128xf32, #tpu.memory_space<vmem>>
    %dma_start3A_387 = tpu.memref_squeeze %dma_start3A_386 : memref<1x32x128xf32, #tpu.memory_space<vmem>> -> memref<32x128xf32, #tpu.memory_space<vmem>>
    %dma_start3A_388 = arith.constant 0 : i32
    %dma_start3A_389 = tpu.memref_slice %arg5[%dma_start3A_383, %add3A_381, %dma_start3A_388] : memref<4x2048x128xf32, #tpu.memory_space<hbm>> -> memref<1x32x128xf32, #tpu.memory_space<hbm>>
    %dma_start3A_390 = tpu.memref_squeeze %dma_start3A_389 : memref<1x32x128xf32, #tpu.memory_space<hbm>> -> memref<32x128xf32, #tpu.memory_space<hbm>>
    %dma_start3A_391 = arith.constant 0 : i32
    %dma_start3A_392 = tpu.memref_slice %arg5[%dma_start3A_383, %add3A_381, %dma_start3A_391] : memref<4x2048x128xf32, #tpu.memory_space<hbm>> -> memref<1x32x128xf32, #tpu.memory_space<hbm>>
    %dma_start3A_393 = tpu.memref_squeeze %dma_start3A_392 : memref<1x32x128xf32, #tpu.memory_space<hbm>> -> memref<32x128xf32, #tpu.memory_space<hbm>>
    %dma_start3A_394 = arith.constant 0 : i32
    %dma_start3A_395 = arith.constant 0 : i32
    %dma_start3A_396 = tpu.memref_slice %arg7[%dma_start3A_382, %dma_start3A_394, %dma_start3A_395] : memref<4x64x128xf32, #tpu.memory_space<vmem>> -> memref<1x32x128xf32, #tpu.memory_space<vmem>>
    %dma_start3A_397 = tpu.memref_squeeze %dma_start3A_396 : memref<1x32x128xf32, #tpu.memory_space<vmem>> -> memref<32x128xf32, #tpu.memory_space<vmem>>
    tpu.enqueue_dma source(%dma_start3A_397 : memref<32x128xf32, #tpu.memory_space<vmem>>) target(%dma_start3A_393 : memref<32x128xf32, #tpu.memory_space<hbm>>) target_semaphore(%arg19 : memref<!tpu.dma_semaphore, #tpu.memory_space<semaphore_mem>>)
    %dma_wait3A_398 = arith.constant 2 : i32
    %dma_wait3A_399 = arith.constant 2 : i32
    %dma_wait3A_400 = arith.constant 32 : i32
    %dma_wait3A_401 = arith.constant 0 : i32
    %dma_wait3A_402 = tpu.memref_slice %arg7[%dma_wait3A_399, %dma_wait3A_400, %dma_wait3A_401] : memref<4x64x128xf32, #tpu.memory_space<vmem>> -> memref<1x32x128xf32, #tpu.memory_space<vmem>>
    %dma_wait3A_403 = tpu.memref_squeeze %dma_wait3A_402 : memref<1x32x128xf32, #tpu.memory_space<vmem>> -> memref<32x128xf32, #tpu.memory_space<vmem>>
    %dma_wait3A_404 = arith.constant 32 : i32
    %dma_wait3A_405 = tpu.memref_slice %arg6[%dma_wait3A_398, %dma_wait3A_404] : memref<4x64xi32, #tpu.memory_space<vmem>> -> memref<1x32xi32, #tpu.memory_space<vmem>>
    %dma_wait3A_406 = tpu.memref_squeeze %dma_wait3A_405 : memref<1x32xi32, #tpu.memory_space<vmem>> -> memref<32xi32, #tpu.memory_space<vmem>>
    %dma_wait3A_407 = arith.constant 0 : i32
    %dma_wait3A_408 = arith.constant 0 : i32
    %dma_wait3A_409 = tpu.memref_slice %arg3[%dma_wait3A_407, %dma_wait3A_408] : memref<100000x128xf32, #tpu.memory_space<hbm>> -> memref<100000x128xf32, #tpu.memory_space<hbm>>
    tpu.wait_indirect_dma semaphore(%arg16 : memref<!tpu.dma_semaphore, #tpu.memory_space<semaphore_mem>>) src(%dma_wait3A_409 : memref<100000x128xf32, #tpu.memory_space<hbm>>) dst(%dma_wait3A_403 : memref<32x128xf32, #tpu.memory_space<vmem>>)
    %dma_wait3A_410 = arith.constant 3 : i32
    %dma_wait3A_411 = arith.constant 3 : i32
    %dma_wait3A_412 = arith.constant 32 : i32
    %dma_wait3A_413 = arith.constant 0 : i32
    %dma_wait3A_414 = tpu.memref_slice %arg7[%dma_wait3A_411, %dma_wait3A_412, %dma_wait3A_413] : memref<4x64x128xf32, #tpu.memory_space<vmem>> -> memref<1x32x128xf32, #tpu.memory_space<vmem>>
    %dma_wait3A_415 = tpu.memref_squeeze %dma_wait3A_414 : memref<1x32x128xf32, #tpu.memory_space<vmem>> -> memref<32x128xf32, #tpu.memory_space<vmem>>
    %dma_wait3A_416 = arith.constant 32 : i32
    %dma_wait3A_417 = tpu.memref_slice %arg6[%dma_wait3A_410, %dma_wait3A_416] : memref<4x64xi32, #tpu.memory_space<vmem>> -> memref<1x32xi32, #tpu.memory_space<vmem>>
    %dma_wait3A_418 = tpu.memref_squeeze %dma_wait3A_417 : memref<1x32xi32, #tpu.memory_space<vmem>> -> memref<32xi32, #tpu.memory_space<vmem>>
    %dma_wait3A_419 = arith.constant 0 : i32
    %dma_wait3A_420 = arith.constant 0 : i32
    %dma_wait3A_421 = tpu.memref_slice %arg3[%dma_wait3A_419, %dma_wait3A_420] : memref<100000x128xf32, #tpu.memory_space<hbm>> -> memref<100000x128xf32, #tpu.memory_space<hbm>>
    tpu.wait_indirect_dma semaphore(%arg18 : memref<!tpu.dma_semaphore, #tpu.memory_space<semaphore_mem>>) src(%dma_wait3A_421 : memref<100000x128xf32, #tpu.memory_space<hbm>>) dst(%dma_wait3A_415 : memref<32x128xf32, #tpu.memory_space<vmem>>)
    %scan3A_422 = arith.constant 0 : i32
    %scan3A_423 = arith.constant 32 : i32
    %scan3A_424 = arith.constant 32 : i32
    %scan3A_425 = arith.addi %scan3A_423, %scan3A_424 : i32
    %scan3A_426 = arith.constant 1 : i32
    scf.for %scan3A_592 = %scan3A_423 to %scan3A_425 step %scan3A_426  : i32 {
      %get3A = arith.index_cast %scan3A_592 : i32 to index
      %get3A_593 = arith.constant 0 : index
      %get3A_594 = tpu.vector_load %arg8[%get3A, %get3A_593] {strides = array<i32>} : memref<64x128xf32, #tpu.memory_space<vmem>>, vector<1x16xf32>,
      %get3A_595 = vector.shape_cast %get3A_594 : vector<1x16xf32> to vector<16xf32>
      %get3A_596 = arith.index_cast %scan3A_592 : i32 to index
      %get3A_597 = arith.constant 16 : index
      %get3A_598 = tpu.vector_load %arg8[%get3A_596, %get3A_597] {strides = array<i32>} : memref<64x128xf32, #tpu.memory_space<vmem>>, vector<1x16xf32>,
      %get3A_599 = vector.shape_cast %get3A_598 : vector<1x16xf32> to vector<16xf32>
      %get3A_600 = arith.index_cast %scan3A_592 : i32 to index
      %get3A_601 = arith.constant 32 : index
      %get3A_602 = tpu.vector_load %arg8[%get3A_600, %get3A_601] {strides = array<i32>} : memref<64x128xf32, #tpu.memory_space<vmem>>, vector<1x16xf32>,
      %get3A_603 = vector.shape_cast %get3A_602 : vector<1x16xf32> to vector<16xf32>
      %get3A_604 = arith.index_cast %scan3A_592 : i32 to index
      %get3A_605 = arith.constant 48 : index
      %get3A_606 = tpu.vector_load %arg8[%get3A_604, %get3A_605] {strides = array<i32>} : memref<64x128xf32, #tpu.memory_space<vmem>>, vector<1x16xf32>,
      %get3A_607 = vector.shape_cast %get3A_606 : vector<1x16xf32> to vector<16xf32>
      %get3A_608 = arith.index_cast %scan3A_592 : i32 to index
      %get3A_609 = arith.constant 64 : index
      %get3A_610 = tpu.vector_load %arg8[%get3A_608, %get3A_609] {strides = array<i32>} : memref<64x128xf32, #tpu.memory_space<vmem>>, vector<1x16xf32>,
      %get3A_611 = vector.shape_cast %get3A_610 : vector<1x16xf32> to vector<16xf32>
      %get3A_612 = arith.index_cast %scan3A_592 : i32 to index
      %get3A_613 = arith.constant 80 : index
      %get3A_614 = tpu.vector_load %arg8[%get3A_612, %get3A_613] {strides = array<i32>} : memref<64x128xf32, #tpu.memory_space<vmem>>, vector<1x16xf32>,
      %get3A_615 = vector.shape_cast %get3A_614 : vector<1x16xf32> to vector<16xf32>
      %get3A_616 = arith.index_cast %scan3A_592 : i32 to index
      %get3A_617 = arith.constant 96 : index
      %get3A_618 = tpu.vector_load %arg8[%get3A_616, %get3A_617] {strides = array<i32>} : memref<64x128xf32, #tpu.memory_space<vmem>>, vector<1x16xf32>,
      %get3A_619 = vector.shape_cast %get3A_618 : vector<1x16xf32> to vector<16xf32>
      %get3A_620 = arith.index_cast %scan3A_592 : i32 to index
      %get3A_621 = arith.constant 112 : index
      %get3A_622 = tpu.vector_load %arg8[%get3A_620, %get3A_621] {strides = array<i32>} : memref<64x128xf32, #tpu.memory_space<vmem>>, vector<1x16xf32>,
      %get3A_623 = vector.shape_cast %get3A_622 : vector<1x16xf32> to vector<16xf32>
      %get3A_624 = arith.constant 2 : i32
      %get3A_625 = arith.index_cast %get3A_624 : i32 to index
      %get3A_626 = arith.index_cast %scan3A_592 : i32 to index
      %get3A_627 = arith.constant 0 : index
      %get3A_628 = tpu.vector_load %arg7[%get3A_625, %get3A_626, %get3A_627] {strides = array<i32>} : memref<4x64x128xf32, #tpu.memory_space<vmem>>, vector<1x1x16xf32>,
      %get3A_629 = vector.shape_cast %get3A_628 : vector<1x1x16xf32> to vector<16xf32>
      %mul3A_630 = arith.constant 11.3137083 : f32
      %mul3A_631 = vector.broadcast %mul3A_630 : f32 to vector<16xf32>
      %mul3A_632 = arith.mulf %get3A_629, %mul3A_631 : vector<16xf32>
      %add3A_633 = arith.addf %mul3A_632, %get3A_595 : vector<16xf32>
      %swap3A = arith.constant 2 : i32
      %swap3A_634 = arith.index_cast %swap3A : i32 to index
      %swap3A_635 = arith.index_cast %scan3A_592 : i32 to index
      %swap3A_636 = arith.constant 0 : index
      %swap3A_637 = tpu.vector_load %arg7[%swap3A_634, %swap3A_635, %swap3A_636] {strides = array<i32>} : memref<4x64x128xf32, #tpu.memory_space<vmem>>, vector<1x1x16xf32>,
      %swap3A_638 = vector.shape_cast %swap3A_637 : vector<1x1x16xf32> to vector<16xf32>
      %swap3A_639 = vector.shape_cast %add3A_633 : vector<16xf32> to vector<1x1x16xf32>
      tpu.vector_store %arg7[%swap3A_634, %swap3A_635, %swap3A_636], %swap3A_639 {strides = array<i32>} : memref<4x64x128xf32, #tpu.memory_space<vmem>>, vector<1x1x16xf32>,
      %get3A_640 = arith.constant 2 : i32
      %get3A_641 = arith.index_cast %get3A_640 : i32 to index
      %get3A_642 = arith.index_cast %scan3A_592 : i32 to index
      %get3A_643 = arith.constant 16 : index
      %get3A_644 = tpu.vector_load %arg7[%get3A_641, %get3A_642, %get3A_643] {strides = array<i32>} : memref<4x64x128xf32, #tpu.memory_space<vmem>>, vector<1x1x16xf32>,
      %get3A_645 = vector.shape_cast %get3A_644 : vector<1x1x16xf32> to vector<16xf32>
      %mul3A_646 = arith.constant 11.3137083 : f32
      %mul3A_647 = vector.broadcast %mul3A_646 : f32 to vector<16xf32>
      %mul3A_648 = arith.mulf %get3A_645, %mul3A_647 : vector<16xf32>
      %add3A_649 = arith.addf %mul3A_648, %get3A_599 : vector<16xf32>
      %swap3A_650 = arith.constant 2 : i32
      %swap3A_651 = arith.index_cast %swap3A_650 : i32 to index
      %swap3A_652 = arith.index_cast %scan3A_592 : i32 to index
      %swap3A_653 = arith.constant 16 : index
      %swap3A_654 = tpu.vector_load %arg7[%swap3A_651, %swap3A_652, %swap3A_653] {strides = array<i32>} : memref<4x64x128xf32, #tpu.memory_space<vmem>>, vector<1x1x16xf32>,
      %swap3A_655 = vector.shape_cast %swap3A_654 : vector<1x1x16xf32> to vector<16xf32>
      %swap3A_656 = vector.shape_cast %add3A_649 : vector<16xf32> to vector<1x1x16xf32>
      tpu.vector_store %arg7[%swap3A_651, %swap3A_652, %swap3A_653], %swap3A_656 {strides = array<i32>} : memref<4x64x128xf32, #tpu.memory_space<vmem>>, vector<1x1x16xf32>,
      %get3A_657 = arith.constant 2 : i32
      %get3A_658 = arith.index_cast %get3A_657 : i32 to index
      %get3A_659 = arith.index_cast %scan3A_592 : i32 to index
      %get3A_660 = arith.constant 32 : index
      %get3A_661 = tpu.vector_load %arg7[%get3A_658, %get3A_659, %get3A_660] {strides = array<i32>} : memref<4x64x128xf32, #tpu.memory_space<vmem>>, vector<1x1x16xf32>,
      %get3A_662 = vector.shape_cast %get3A_661 : vector<1x1x16xf32> to vector<16xf32>
      %mul3A_663 = arith.constant 11.3137083 : f32
      %mul3A_664 = vector.broadcast %mul3A_663 : f32 to vector<16xf32>
      %mul3A_665 = arith.mulf %get3A_662, %mul3A_664 : vector<16xf32>
      %add3A_666 = arith.addf %mul3A_665, %get3A_603 : vector<16xf32>
      %swap3A_667 = arith.constant 2 : i32
      %swap3A_668 = arith.index_cast %swap3A_667 : i32 to index
      %swap3A_669 = arith.index_cast %scan3A_592 : i32 to index
      %swap3A_670 = arith.constant 32 : index
      %swap3A_671 = tpu.vector_load %arg7[%swap3A_668, %swap3A_669, %swap3A_670] {strides = array<i32>} : memref<4x64x128xf32, #tpu.memory_space<vmem>>, vector<1x1x16xf32>,
      %swap3A_672 = vector.shape_cast %swap3A_671 : vector<1x1x16xf32> to vector<16xf32>
      %swap3A_673 = vector.shape_cast %add3A_666 : vector<16xf32> to vector<1x1x16xf32>
      tpu.vector_store %arg7[%swap3A_668, %swap3A_669, %swap3A_670], %swap3A_673 {strides = array<i32>} : memref<4x64x128xf32, #tpu.memory_space<vmem>>, vector<1x1x16xf32>,
      %get3A_674 = arith.constant 2 : i32
      %get3A_675 = arith.index_cast %get3A_674 : i32 to index
      %get3A_676 = arith.index_cast %scan3A_592 : i32 to index
      %get3A_677 = arith.constant 48 : index
      %get3A_678 = tpu.vector_load %arg7[%get3A_675, %get3A_676, %get3A_677] {strides = array<i32>} : memref<4x64x128xf32, #tpu.memory_space<vmem>>, vector<1x1x16xf32>,
      %get3A_679 = vector.shape_cast %get3A_678 : vector<1x1x16xf32> to vector<16xf32>
      %mul3A_680 = arith.constant 11.3137083 : f32
      %mul3A_681 = vector.broadcast %mul3A_680 : f32 to vector<16xf32>
      %mul3A_682 = arith.mulf %get3A_679, %mul3A_681 : vector<16xf32>
      %add3A_683 = arith.addf %mul3A_682, %get3A_607 : vector<16xf32>
      %swap3A_684 = arith.constant 2 : i32
      %swap3A_685 = arith.index_cast %swap3A_684 : i32 to index
      %swap3A_686 = arith.index_cast %scan3A_592 : i32 to index
      %swap3A_687 = arith.constant 48 : index
      %swap3A_688 = tpu.vector_load %arg7[%swap3A_685, %swap3A_686, %swap3A_687] {strides = array<i32>} : memref<4x64x128xf32, #tpu.memory_space<vmem>>, vector<1x1x16xf32>,
      %swap3A_689 = vector.shape_cast %swap3A_688 : vector<1x1x16xf32> to vector<16xf32>
      %swap3A_690 = vector.shape_cast %add3A_683 : vector<16xf32> to vector<1x1x16xf32>
      tpu.vector_store %arg7[%swap3A_685, %swap3A_686, %swap3A_687], %swap3A_690 {strides = array<i32>} : memref<4x64x128xf32, #tpu.memory_space<vmem>>, vector<1x1x16xf32>,
      %get3A_691 = arith.constant 2 : i32
      %get3A_692 = arith.index_cast %get3A_691 : i32 to index
      %get3A_693 = arith.index_cast %scan3A_592 : i32 to index
      %get3A_694 = arith.constant 64 : index
      %get3A_695 = tpu.vector_load %arg7[%get3A_692, %get3A_693, %get3A_694] {strides = array<i32>} : memref<4x64x128xf32, #tpu.memory_space<vmem>>, vector<1x1x16xf32>,
      %get3A_696 = vector.shape_cast %get3A_695 : vector<1x1x16xf32> to vector<16xf32>
      %mul3A_697 = arith.constant 11.3137083 : f32
      %mul3A_698 = vector.broadcast %mul3A_697 : f32 to vector<16xf32>
      %mul3A_699 = arith.mulf %get3A_696, %mul3A_698 : vector<16xf32>
      %add3A_700 = arith.addf %mul3A_699, %get3A_611 : vector<16xf32>
      %swap3A_701 = arith.constant 2 : i32
      %swap3A_702 = arith.index_cast %swap3A_701 : i32 to index
      %swap3A_703 = arith.index_cast %scan3A_592 : i32 to index
      %swap3A_704 = arith.constant 64 : index
      %swap3A_705 = tpu.vector_load %arg7[%swap3A_702, %swap3A_703, %swap3A_704] {strides = array<i32>} : memref<4x64x128xf32, #tpu.memory_space<vmem>>, vector<1x1x16xf32>,
      %swap3A_706 = vector.shape_cast %swap3A_705 : vector<1x1x16xf32> to vector<16xf32>
      %swap3A_707 = vector.shape_cast %add3A_700 : vector<16xf32> to vector<1x1x16xf32>
      tpu.vector_store %arg7[%swap3A_702, %swap3A_703, %swap3A_704], %swap3A_707 {strides = array<i32>} : memref<4x64x128xf32, #tpu.memory_space<vmem>>, vector<1x1x16xf32>,
      %get3A_708 = arith.constant 2 : i32
      %get3A_709 = arith.index_cast %get3A_708 : i32 to index
      %get3A_710 = arith.index_cast %scan3A_592 : i32 to index
      %get3A_711 = arith.constant 80 : index
      %get3A_712 = tpu.vector_load %arg7[%get3A_709, %get3A_710, %get3A_711] {strides = array<i32>} : memref<4x64x128xf32, #tpu.memory_space<vmem>>, vector<1x1x16xf32>,
      %get3A_713 = vector.shape_cast %get3A_712 : vector<1x1x16xf32> to vector<16xf32>
      %mul3A_714 = arith.constant 11.3137083 : f32
      %mul3A_715 = vector.broadcast %mul3A_714 : f32 to vector<16xf32>
      %mul3A_716 = arith.mulf %get3A_713, %mul3A_715 : vector<16xf32>
      %add3A_717 = arith.addf %mul3A_716, %get3A_615 : vector<16xf32>
      %swap3A_718 = arith.constant 2 : i32
      %swap3A_719 = arith.index_cast %swap3A_718 : i32 to index
      %swap3A_720 = arith.index_cast %scan3A_592 : i32 to index
      %swap3A_721 = arith.constant 80 : index
      %swap3A_722 = tpu.vector_load %arg7[%swap3A_719, %swap3A_720, %swap3A_721] {strides = array<i32>} : memref<4x64x128xf32, #tpu.memory_space<vmem>>, vector<1x1x16xf32>,
      %swap3A_723 = vector.shape_cast %swap3A_722 : vector<1x1x16xf32> to vector<16xf32>
      %swap3A_724 = vector.shape_cast %add3A_717 : vector<16xf32> to vector<1x1x16xf32>
      tpu.vector_store %arg7[%swap3A_719, %swap3A_720, %swap3A_721], %swap3A_724 {strides = array<i32>} : memref<4x64x128xf32, #tpu.memory_space<vmem>>, vector<1x1x16xf32>,
      %get3A_725 = arith.constant 2 : i32
      %get3A_726 = arith.index_cast %get3A_725 : i32 to index
      %get3A_727 = arith.index_cast %scan3A_592 : i32 to index
      %get3A_728 = arith.constant 96 : index
      %get3A_729 = tpu.vector_load %arg7[%get3A_726, %get3A_727, %get3A_728] {strides = array<i32>} : memref<4x64x128xf32, #tpu.memory_space<vmem>>, vector<1x1x16xf32>,
      %get3A_730 = vector.shape_cast %get3A_729 : vector<1x1x16xf32> to vector<16xf32>
      %mul3A_731 = arith.constant 11.3137083 : f32
      %mul3A_732 = vector.broadcast %mul3A_731 : f32 to vector<16xf32>
      %mul3A_733 = arith.mulf %get3A_730, %mul3A_732 : vector<16xf32>
      %add3A_734 = arith.addf %mul3A_733, %get3A_619 : vector<16xf32>
      %swap3A_735 = arith.constant 2 : i32
      %swap3A_736 = arith.index_cast %swap3A_735 : i32 to index
      %swap3A_737 = arith.index_cast %scan3A_592 : i32 to index
      %swap3A_738 = arith.constant 96 : index
      %swap3A_739 = tpu.vector_load %arg7[%swap3A_736, %swap3A_737, %swap3A_738] {strides = array<i32>} : memref<4x64x128xf32, #tpu.memory_space<vmem>>, vector<1x1x16xf32>,
      %swap3A_740 = vector.shape_cast %swap3A_739 : vector<1x1x16xf32> to vector<16xf32>
      %swap3A_741 = vector.shape_cast %add3A_734 : vector<16xf32> to vector<1x1x16xf32>
      tpu.vector_store %arg7[%swap3A_736, %swap3A_737, %swap3A_738], %swap3A_741 {strides = array<i32>} : memref<4x64x128xf32, #tpu.memory_space<vmem>>, vector<1x1x16xf32>,
      %get3A_742 = arith.constant 2 : i32
      %get3A_743 = arith.index_cast %get3A_742 : i32 to index
      %get3A_744 = arith.index_cast %scan3A_592 : i32 to index
      %get3A_745 = arith.constant 112 : index
      %get3A_746 = tpu.vector_load %arg7[%get3A_743, %get3A_744, %get3A_745] {strides = array<i32>} : memref<4x64x128xf32, #tpu.memory_space<vmem>>, vector<1x1x16xf32>,
      %get3A_747 = vector.shape_cast %get3A_746 : vector<1x1x16xf32> to vector<16xf32>
      %mul3A_748 = arith.constant 11.3137083 : f32
      %mul3A_749 = vector.broadcast %mul3A_748 : f32 to vector<16xf32>
      %mul3A_750 = arith.mulf %get3A_747, %mul3A_749 : vector<16xf32>
      %add3A_751 = arith.addf %mul3A_750, %get3A_623 : vector<16xf32>
      %swap3A_752 = arith.constant 2 : i32
      %swap3A_753 = arith.index_cast %swap3A_752 : i32 to index
      %swap3A_754 = arith.index_cast %scan3A_592 : i32 to index
      %swap3A_755 = arith.constant 112 : index
      %swap3A_756 = tpu.vector_load %arg7[%swap3A_753, %swap3A_754, %swap3A_755] {strides = array<i32>} : memref<4x64x128xf32, #tpu.memory_space<vmem>>, vector<1x1x16xf32>,
      %swap3A_757 = vector.shape_cast %swap3A_756 : vector<1x1x16xf32> to vector<16xf32>
      %swap3A_758 = vector.shape_cast %add3A_751 : vector<16xf32> to vector<1x1x16xf32>
      tpu.vector_store %arg7[%swap3A_753, %swap3A_754, %swap3A_755], %swap3A_758 {strides = array<i32>} : memref<4x64x128xf32, #tpu.memory_space<vmem>>, vector<1x1x16xf32>,
      %get3A_759 = arith.constant 3 : i32
      %get3A_760 = arith.index_cast %get3A_759 : i32 to index
      %get3A_761 = arith.index_cast %scan3A_592 : i32 to index
      %get3A_762 = arith.constant 0 : index
      %get3A_763 = tpu.vector_load %arg7[%get3A_760, %get3A_761, %get3A_762] {strides = array<i32>} : memref<4x64x128xf32, #tpu.memory_space<vmem>>, vector<1x1x16xf32>,
      %get3A_764 = vector.shape_cast %get3A_763 : vector<1x1x16xf32> to vector<16xf32>
      %mul3A_765 = arith.constant 11.3137083 : f32
      %mul3A_766 = vector.broadcast %mul3A_765 : f32 to vector<16xf32>
      %mul3A_767 = arith.mulf %get3A_764, %mul3A_766 : vector<16xf32>
      %add3A_768 = arith.addf %mul3A_767, %get3A_595 : vector<16xf32>
      %swap3A_769 = arith.constant 3 : i32
      %swap3A_770 = arith.index_cast %swap3A_769 : i32 to index
      %swap3A_771 = arith.index_cast %scan3A_592 : i32 to index
      %swap3A_772 = arith.constant 0 : index
      %swap3A_773 = tpu.vector_load %arg7[%swap3A_770, %swap3A_771, %swap3A_772] {strides = array<i32>} : memref<4x64x128xf32, #tpu.memory_space<vmem>>, vector<1x1x16xf32>,
      %swap3A_774 = vector.shape_cast %swap3A_773 : vector<1x1x16xf32> to vector<16xf32>
      %swap3A_775 = vector.shape_cast %add3A_768 : vector<16xf32> to vector<1x1x16xf32>
      tpu.vector_store %arg7[%swap3A_770, %swap3A_771, %swap3A_772], %swap3A_775 {strides = array<i32>} : memref<4x64x128xf32, #tpu.memory_space<vmem>>, vector<1x1x16xf32>,
      %get3A_776 = arith.constant 3 : i32
      %get3A_777 = arith.index_cast %get3A_776 : i32 to index
      %get3A_778 = arith.index_cast %scan3A_592 : i32 to index
      %get3A_779 = arith.constant 16 : index
      %get3A_780 = tpu.vector_load %arg7[%get3A_777, %get3A_778, %get3A_779] {strides = array<i32>} : memref<4x64x128xf32, #tpu.memory_space<vmem>>, vector<1x1x16xf32>,
      %get3A_781 = vector.shape_cast %get3A_780 : vector<1x1x16xf32> to vector<16xf32>
      %mul3A_782 = arith.constant 11.3137083 : f32
      %mul3A_783 = vector.broadcast %mul3A_782 : f32 to vector<16xf32>
      %mul3A_784 = arith.mulf %get3A_781, %mul3A_783 : vector<16xf32>
      %add3A_785 = arith.addf %mul3A_784, %get3A_599 : vector<16xf32>
      %swap3A_786 = arith.constant 3 : i32
      %swap3A_787 = arith.index_cast %swap3A_786 : i32 to index
      %swap3A_788 = arith.index_cast %scan3A_592 : i32 to index
      %swap3A_789 = arith.constant 16 : index
      %swap3A_790 = tpu.vector_load %arg7[%swap3A_787, %swap3A_788, %swap3A_789] {strides = array<i32>} : memref<4x64x128xf32, #tpu.memory_space<vmem>>, vector<1x1x16xf32>,
      %swap3A_791 = vector.shape_cast %swap3A_790 : vector<1x1x16xf32> to vector<16xf32>
      %swap3A_792 = vector.shape_cast %add3A_785 : vector<16xf32> to vector<1x1x16xf32>
      tpu.vector_store %arg7[%swap3A_787, %swap3A_788, %swap3A_789], %swap3A_792 {strides = array<i32>} : memref<4x64x128xf32, #tpu.memory_space<vmem>>, vector<1x1x16xf32>,
      %get3A_793 = arith.constant 3 : i32
      %get3A_794 = arith.index_cast %get3A_793 : i32 to index
      %get3A_795 = arith.index_cast %scan3A_592 : i32 to index
      %get3A_796 = arith.constant 32 : index
      %get3A_797 = tpu.vector_load %arg7[%get3A_794, %get3A_795, %get3A_796] {strides = array<i32>} : memref<4x64x128xf32, #tpu.memory_space<vmem>>, vector<1x1x16xf32>,
      %get3A_798 = vector.shape_cast %get3A_797 : vector<1x1x16xf32> to vector<16xf32>
      %mul3A_799 = arith.constant 11.3137083 : f32
      %mul3A_800 = vector.broadcast %mul3A_799 : f32 to vector<16xf32>
      %mul3A_801 = arith.mulf %get3A_798, %mul3A_800 : vector<16xf32>
      %add3A_802 = arith.addf %mul3A_801, %get3A_603 : vector<16xf32>
      %swap3A_803 = arith.constant 3 : i32
      %swap3A_804 = arith.index_cast %swap3A_803 : i32 to index
      %swap3A_805 = arith.index_cast %scan3A_592 : i32 to index
      %swap3A_806 = arith.constant 32 : index
      %swap3A_807 = tpu.vector_load %arg7[%swap3A_804, %swap3A_805, %swap3A_806] {strides = array<i32>} : memref<4x64x128xf32, #tpu.memory_space<vmem>>, vector<1x1x16xf32>,
      %swap3A_808 = vector.shape_cast %swap3A_807 : vector<1x1x16xf32> to vector<16xf32>
      %swap3A_809 = vector.shape_cast %add3A_802 : vector<16xf32> to vector<1x1x16xf32>
      tpu.vector_store %arg7[%swap3A_804, %swap3A_805, %swap3A_806], %swap3A_809 {strides = array<i32>} : memref<4x64x128xf32, #tpu.memory_space<vmem>>, vector<1x1x16xf32>,
      %get3A_810 = arith.constant 3 : i32
      %get3A_811 = arith.index_cast %get3A_810 : i32 to index
      %get3A_812 = arith.index_cast %scan3A_592 : i32 to index
      %get3A_813 = arith.constant 48 : index
      %get3A_814 = tpu.vector_load %arg7[%get3A_811, %get3A_812, %get3A_813] {strides = array<i32>} : memref<4x64x128xf32, #tpu.memory_space<vmem>>, vector<1x1x16xf32>,
      %get3A_815 = vector.shape_cast %get3A_814 : vector<1x1x16xf32> to vector<16xf32>
      %mul3A_816 = arith.constant 11.3137083 : f32
      %mul3A_817 = vector.broadcast %mul3A_816 : f32 to vector<16xf32>
      %mul3A_818 = arith.mulf %get3A_815, %mul3A_817 : vector<16xf32>
      %add3A_819 = arith.addf %mul3A_818, %get3A_607 : vector<16xf32>
      %swap3A_820 = arith.constant 3 : i32
      %swap3A_821 = arith.index_cast %swap3A_820 : i32 to index
      %swap3A_822 = arith.index_cast %scan3A_592 : i32 to index
      %swap3A_823 = arith.constant 48 : index
      %swap3A_824 = tpu.vector_load %arg7[%swap3A_821, %swap3A_822, %swap3A_823] {strides = array<i32>} : memref<4x64x128xf32, #tpu.memory_space<vmem>>, vector<1x1x16xf32>,
      %swap3A_825 = vector.shape_cast %swap3A_824 : vector<1x1x16xf32> to vector<16xf32>
      %swap3A_826 = vector.shape_cast %add3A_819 : vector<16xf32> to vector<1x1x16xf32>
      tpu.vector_store %arg7[%swap3A_821, %swap3A_822, %swap3A_823], %swap3A_826 {strides = array<i32>} : memref<4x64x128xf32, #tpu.memory_space<vmem>>, vector<1x1x16xf32>,
      %get3A_827 = arith.constant 3 : i32
      %get3A_828 = arith.index_cast %get3A_827 : i32 to index
      %get3A_829 = arith.index_cast %scan3A_592 : i32 to index
      %get3A_830 = arith.constant 64 : index
      %get3A_831 = tpu.vector_load %arg7[%get3A_828, %get3A_829, %get3A_830] {strides = array<i32>} : memref<4x64x128xf32, #tpu.memory_space<vmem>>, vector<1x1x16xf32>,
      %get3A_832 = vector.shape_cast %get3A_831 : vector<1x1x16xf32> to vector<16xf32>
      %mul3A_833 = arith.constant 11.3137083 : f32
      %mul3A_834 = vector.broadcast %mul3A_833 : f32 to vector<16xf32>
      %mul3A_835 = arith.mulf %get3A_832, %mul3A_834 : vector<16xf32>
      %add3A_836 = arith.addf %mul3A_835, %get3A_611 : vector<16xf32>
      %swap3A_837 = arith.constant 3 : i32
      %swap3A_838 = arith.index_cast %swap3A_837 : i32 to index
      %swap3A_839 = arith.index_cast %scan3A_592 : i32 to index
      %swap3A_840 = arith.constant 64 : index
      %swap3A_841 = tpu.vector_load %arg7[%swap3A_838, %swap3A_839, %swap3A_840] {strides = array<i32>} : memref<4x64x128xf32, #tpu.memory_space<vmem>>, vector<1x1x16xf32>,
      %swap3A_842 = vector.shape_cast %swap3A_841 : vector<1x1x16xf32> to vector<16xf32>
      %swap3A_843 = vector.shape_cast %add3A_836 : vector<16xf32> to vector<1x1x16xf32>
      tpu.vector_store %arg7[%swap3A_838, %swap3A_839, %swap3A_840], %swap3A_843 {strides = array<i32>} : memref<4x64x128xf32, #tpu.memory_space<vmem>>, vector<1x1x16xf32>,
      %get3A_844 = arith.constant 3 : i32
      %get3A_845 = arith.index_cast %get3A_844 : i32 to index
      %get3A_846 = arith.index_cast %scan3A_592 : i32 to index
      %get3A_847 = arith.constant 80 : index
      %get3A_848 = tpu.vector_load %arg7[%get3A_845, %get3A_846, %get3A_847] {strides = array<i32>} : memref<4x64x128xf32, #tpu.memory_space<vmem>>, vector<1x1x16xf32>,
      %get3A_849 = vector.shape_cast %get3A_848 : vector<1x1x16xf32> to vector<16xf32>
      %mul3A_850 = arith.constant 11.3137083 : f32
      %mul3A_851 = vector.broadcast %mul3A_850 : f32 to vector<16xf32>
      %mul3A_852 = arith.mulf %get3A_849, %mul3A_851 : vector<16xf32>
      %add3A_853 = arith.addf %mul3A_852, %get3A_615 : vector<16xf32>
      %swap3A_854 = arith.constant 3 : i32
      %swap3A_855 = arith.index_cast %swap3A_854 : i32 to index
      %swap3A_856 = arith.index_cast %scan3A_592 : i32 to index
      %swap3A_857 = arith.constant 80 : index
      %swap3A_858 = tpu.vector_load %arg7[%swap3A_855, %swap3A_856, %swap3A_857] {strides = array<i32>} : memref<4x64x128xf32, #tpu.memory_space<vmem>>, vector<1x1x16xf32>,
      %swap3A_859 = vector.shape_cast %swap3A_858 : vector<1x1x16xf32> to vector<16xf32>
      %swap3A_860 = vector.shape_cast %add3A_853 : vector<16xf32> to vector<1x1x16xf32>
      tpu.vector_store %arg7[%swap3A_855, %swap3A_856, %swap3A_857], %swap3A_860 {strides = array<i32>} : memref<4x64x128xf32, #tpu.memory_space<vmem>>, vector<1x1x16xf32>,
      %get3A_861 = arith.constant 3 : i32
      %get3A_862 = arith.index_cast %get3A_861 : i32 to index
      %get3A_863 = arith.index_cast %scan3A_592 : i32 to index
      %get3A_864 = arith.constant 96 : index
      %get3A_865 = tpu.vector_load %arg7[%get3A_862, %get3A_863, %get3A_864] {strides = array<i32>} : memref<4x64x128xf32, #tpu.memory_space<vmem>>, vector<1x1x16xf32>,
      %get3A_866 = vector.shape_cast %get3A_865 : vector<1x1x16xf32> to vector<16xf32>
      %mul3A_867 = arith.constant 11.3137083 : f32
      %mul3A_868 = vector.broadcast %mul3A_867 : f32 to vector<16xf32>
      %mul3A_869 = arith.mulf %get3A_866, %mul3A_868 : vector<16xf32>
      %add3A_870 = arith.addf %mul3A_869, %get3A_619 : vector<16xf32>
      %swap3A_871 = arith.constant 3 : i32
      %swap3A_872 = arith.index_cast %swap3A_871 : i32 to index
      %swap3A_873 = arith.index_cast %scan3A_592 : i32 to index
      %swap3A_874 = arith.constant 96 : index
      %swap3A_875 = tpu.vector_load %arg7[%swap3A_872, %swap3A_873, %swap3A_874] {strides = array<i32>} : memref<4x64x128xf32, #tpu.memory_space<vmem>>, vector<1x1x16xf32>,
      %swap3A_876 = vector.shape_cast %swap3A_875 : vector<1x1x16xf32> to vector<16xf32>
      %swap3A_877 = vector.shape_cast %add3A_870 : vector<16xf32> to vector<1x1x16xf32>
      tpu.vector_store %arg7[%swap3A_872, %swap3A_873, %swap3A_874], %swap3A_877 {strides = array<i32>} : memref<4x64x128xf32, #tpu.memory_space<vmem>>, vector<1x1x16xf32>,
      %get3A_878 = arith.constant 3 : i32
      %get3A_879 = arith.index_cast %get3A_878 : i32 to index
      %get3A_880 = arith.index_cast %scan3A_592 : i32 to index
      %get3A_881 = arith.constant 112 : index
      %get3A_882 = tpu.vector_load %arg7[%get3A_879, %get3A_880, %get3A_881] {strides = array<i32>} : memref<4x64x128xf32, #tpu.memory_space<vmem>>, vector<1x1x16xf32>,
      %get3A_883 = vector.shape_cast %get3A_882 : vector<1x1x16xf32> to vector<16xf32>
      %mul3A_884 = arith.constant 11.3137083 : f32
      %mul3A_885 = vector.broadcast %mul3A_884 : f32 to vector<16xf32>
      %mul3A_886 = arith.mulf %get3A_883, %mul3A_885 : vector<16xf32>
      %add3A_887 = arith.addf %mul3A_886, %get3A_623 : vector<16xf32>
      %swap3A_888 = arith.constant 3 : i32
      %swap3A_889 = arith.index_cast %swap3A_888 : i32 to index
      %swap3A_890 = arith.index_cast %scan3A_592 : i32 to index
      %swap3A_891 = arith.constant 112 : index
      %swap3A_892 = tpu.vector_load %arg7[%swap3A_889, %swap3A_890, %swap3A_891] {strides = array<i32>} : memref<4x64x128xf32, #tpu.memory_space<vmem>>, vector<1x1x16xf32>,
      %swap3A_893 = vector.shape_cast %swap3A_892 : vector<1x1x16xf32> to vector<16xf32>
      %swap3A_894 = vector.shape_cast %add3A_887 : vector<16xf32> to vector<1x1x16xf32>
      tpu.vector_store %arg7[%swap3A_889, %swap3A_890, %swap3A_891], %swap3A_894 {strides = array<i32>} : memref<4x64x128xf32, #tpu.memory_space<vmem>>, vector<1x1x16xf32>,
    }
    %scan3A_427 = arith.constant 32 : i32
    %add3A_428 = arith.constant 32 : i32
    %add3A_429 = arith.addi %mul3A_2, %add3A_428 : i32
    %dma_start3A_430 = arith.constant 2 : i32
    %dma_start3A_431 = arith.constant 2 : i32
    %dma_start3A_432 = arith.constant 32 : i32
    %dma_start3A_433 = arith.constant 0 : i32
    %dma_start3A_434 = tpu.memref_slice %arg7[%dma_start3A_430, %dma_start3A_432, %dma_start3A_433] : memref<4x64x128xf32, #tpu.memory_space<vmem>> -> memref<1x32x128xf32, #tpu.memory_space<vmem>>
    %dma_start3A_435 = tpu.memref_squeeze %dma_start3A_434 : memref<1x32x128xf32, #tpu.memory_space<vmem>> -> memref<32x128xf32, #tpu.memory_space<vmem>>
    %dma_start3A_436 = arith.constant 0 : i32
    %dma_start3A_437 = tpu.memref_slice %arg5[%dma_start3A_431, %add3A_429, %dma_start3A_436] : memref<4x2048x128xf32, #tpu.memory_space<hbm>> -> memref<1x32x128xf32, #tpu.memory_space<hbm>>
    %dma_start3A_438 = tpu.memref_squeeze %dma_start3A_437 : memref<1x32x128xf32, #tpu.memory_space<hbm>> -> memref<32x128xf32, #tpu.memory_space<hbm>>
    %dma_start3A_439 = arith.constant 0 : i32
    %dma_start3A_440 = tpu.memref_slice %arg5[%dma_start3A_431, %add3A_429, %dma_start3A_439] : memref<4x2048x128xf32, #tpu.memory_space<hbm>> -> memref<1x32x128xf32, #tpu.memory_space<hbm>>
    %dma_start3A_441 = tpu.memref_squeeze %dma_start3A_440 : memref<1x32x128xf32, #tpu.memory_space<hbm>> -> memref<32x128xf32, #tpu.memory_space<hbm>>
    %dma_start3A_442 = arith.constant 32 : i32
    %dma_start3A_443 = arith.constant 0 : i32
    %dma_start3A_444 = tpu.memref_slice %arg7[%dma_start3A_430, %dma_start3A_442, %dma_start3A_443] : memref<4x64x128xf32, #tpu.memory_space<vmem>> -> memref<1x32x128xf32, #tpu.memory_space<vmem>>
    %dma_start3A_445 = tpu.memref_squeeze %dma_start3A_444 : memref<1x32x128xf32, #tpu.memory_space<vmem>> -> memref<32x128xf32, #tpu.memory_space<vmem>>
    tpu.enqueue_dma source(%dma_start3A_445 : memref<32x128xf32, #tpu.memory_space<vmem>>) target(%dma_start3A_441 : memref<32x128xf32, #tpu.memory_space<hbm>>) target_semaphore(%arg19 : memref<!tpu.dma_semaphore, #tpu.memory_space<semaphore_mem>>)
    %add3A_446 = arith.constant 32 : i32
    %add3A_447 = arith.addi %mul3A_2, %add3A_446 : i32
    %dma_start3A_448 = arith.constant 3 : i32
    %dma_start3A_449 = arith.constant 3 : i32
    %dma_start3A_450 = arith.constant 32 : i32
    %dma_start3A_451 = arith.constant 0 : i32
    %dma_start3A_452 = tpu.memref_slice %arg7[%dma_start3A_448, %dma_start3A_450, %dma_start3A_451] : memref<4x64x128xf32, #tpu.memory_space<vmem>> -> memref<1x32x128xf32, #tpu.memory_space<vmem>>
    %dma_start3A_453 = tpu.memref_squeeze %dma_start3A_452 : memref<1x32x128xf32, #tpu.memory_space<vmem>> -> memref<32x128xf32, #tpu.memory_space<vmem>>
    %dma_start3A_454 = arith.constant 0 : i32
    %dma_start3A_455 = tpu.memref_slice %arg5[%dma_start3A_449, %add3A_447, %dma_start3A_454] : memref<4x2048x128xf32, #tpu.memory_space<hbm>> -> memref<1x32x128xf32, #tpu.memory_space<hbm>>
    %dma_start3A_456 = tpu.memref_squeeze %dma_start3A_455 : memref<1x32x128xf32, #tpu.memory_space<hbm>> -> memref<32x128xf32, #tpu.memory_space<hbm>>
    %dma_start3A_457 = arith.constant 0 : i32
    %dma_start3A_458 = tpu.memref_slice %arg5[%dma_start3A_449, %add3A_447, %dma_start3A_457] : memref<4x2048x128xf32, #tpu.memory_space<hbm>> -> memref<1x32x128xf32, #tpu.memory_space<hbm>>
    %dma_start3A_459 = tpu.memref_squeeze %dma_start3A_458 : memref<1x32x128xf32, #tpu.memory_space<hbm>> -> memref<32x128xf32, #tpu.memory_space<hbm>>
    %dma_start3A_460 = arith.constant 32 : i32
    %dma_start3A_461 = arith.constant 0 : i32
    %dma_start3A_462 = tpu.memref_slice %arg7[%dma_start3A_448, %dma_start3A_460, %dma_start3A_461] : memref<4x64x128xf32, #tpu.memory_space<vmem>> -> memref<1x32x128xf32, #tpu.memory_space<vmem>>
    %dma_start3A_463 = tpu.memref_squeeze %dma_start3A_462 : memref<1x32x128xf32, #tpu.memory_space<vmem>> -> memref<32x128xf32, #tpu.memory_space<vmem>>
    tpu.enqueue_dma source(%dma_start3A_463 : memref<32x128xf32, #tpu.memory_space<vmem>>) target(%dma_start3A_459 : memref<32x128xf32, #tpu.memory_space<hbm>>) target_semaphore(%arg19 : memref<!tpu.dma_semaphore, #tpu.memory_space<semaphore_mem>>)
    %dma_wait3A_464 = arith.constant 0 : i32
    %dma_wait3A_465 = arith.constant 0 : i32
    %dma_wait3A_466 = arith.constant 0 : i32
    %dma_wait3A_467 = arith.constant 0 : i32
    %dma_wait3A_468 = tpu.memref_slice %arg7[%dma_wait3A_464, %dma_wait3A_466, %dma_wait3A_467] : memref<4x64x128xf32, #tpu.memory_space<vmem>> -> memref<1x32x128xf32, #tpu.memory_space<vmem>>
    %dma_wait3A_469 = tpu.memref_squeeze %dma_wait3A_468 : memref<1x32x128xf32, #tpu.memory_space<vmem>> -> memref<32x128xf32, #tpu.memory_space<vmem>>
    %dma_wait3A_470 = arith.constant 0 : i32
    %dma_wait3A_471 = tpu.memref_slice %arg5[%dma_wait3A_465, %add3A_231, %dma_wait3A_470] : memref<4x2048x128xf32, #tpu.memory_space<hbm>> -> memref<1x32x128xf32, #tpu.memory_space<hbm>>
    %dma_wait3A_472 = tpu.memref_squeeze %dma_wait3A_471 : memref<1x32x128xf32, #tpu.memory_space<hbm>> -> memref<32x128xf32, #tpu.memory_space<hbm>>
    %dma_wait3A_473 = arith.constant 0 : i32
    %dma_wait3A_474 = tpu.memref_slice %arg5[%dma_wait3A_465, %add3A_231, %dma_wait3A_473] : memref<4x2048x128xf32, #tpu.memory_space<hbm>> -> memref<1x32x128xf32, #tpu.memory_space<hbm>>
    %dma_wait3A_475 = tpu.memref_squeeze %dma_wait3A_474 : memref<1x32x128xf32, #tpu.memory_space<hbm>> -> memref<32x128xf32, #tpu.memory_space<hbm>>
    %dma_wait3A_476 = arith.constant 0 : i32
    %dma_wait3A_477 = arith.constant 0 : i32
    %dma_wait3A_478 = tpu.memref_slice %arg7[%dma_wait3A_464, %dma_wait3A_476, %dma_wait3A_477] : memref<4x64x128xf32, #tpu.memory_space<vmem>> -> memref<1x32x128xf32, #tpu.memory_space<vmem>>
    %dma_wait3A_479 = tpu.memref_squeeze %dma_wait3A_478 : memref<1x32x128xf32, #tpu.memory_space<vmem>> -> memref<32x128xf32, #tpu.memory_space<vmem>>
    tpu.wait_dma2 semaphore(%arg19 : memref<!tpu.dma_semaphore, #tpu.memory_space<semaphore_mem>>) src(%dma_wait3A_479 : memref<32x128xf32, #tpu.memory_space<vmem>>) dst(%dma_wait3A_475 : memref<32x128xf32, #tpu.memory_space<hbm>>)
    %dma_wait3A_480 = arith.constant 1 : i32
    %dma_wait3A_481 = arith.constant 1 : i32
    %dma_wait3A_482 = arith.constant 0 : i32
    %dma_wait3A_483 = arith.constant 0 : i32
    %dma_wait3A_484 = tpu.memref_slice %arg7[%dma_wait3A_480, %dma_wait3A_482, %dma_wait3A_483] : memref<4x64x128xf32, #tpu.memory_space<vmem>> -> memref<1x32x128xf32, #tpu.memory_space<vmem>>
    %dma_wait3A_485 = tpu.memref_squeeze %dma_wait3A_484 : memref<1x32x128xf32, #tpu.memory_space<vmem>> -> memref<32x128xf32, #tpu.memory_space<vmem>>
    %dma_wait3A_486 = arith.constant 0 : i32
    %dma_wait3A_487 = tpu.memref_slice %arg5[%dma_wait3A_481, %add3A_249, %dma_wait3A_486] : memref<4x2048x128xf32, #tpu.memory_space<hbm>> -> memref<1x32x128xf32, #tpu.memory_space<hbm>>
    %dma_wait3A_488 = tpu.memref_squeeze %dma_wait3A_487 : memref<1x32x128xf32, #tpu.memory_space<hbm>> -> memref<32x128xf32, #tpu.memory_space<hbm>>
    %dma_wait3A_489 = arith.constant 0 : i32
    %dma_wait3A_490 = tpu.memref_slice %arg5[%dma_wait3A_481, %add3A_249, %dma_wait3A_489] : memref<4x2048x128xf32, #tpu.memory_space<hbm>> -> memref<1x32x128xf32, #tpu.memory_space<hbm>>
    %dma_wait3A_491 = tpu.memref_squeeze %dma_wait3A_490 : memref<1x32x128xf32, #tpu.memory_space<hbm>> -> memref<32x128xf32, #tpu.memory_space<hbm>>
    %dma_wait3A_492 = arith.constant 0 : i32
    %dma_wait3A_493 = arith.constant 0 : i32
    %dma_wait3A_494 = tpu.memref_slice %arg7[%dma_wait3A_480, %dma_wait3A_492, %dma_wait3A_493] : memref<4x64x128xf32, #tpu.memory_space<vmem>> -> memref<1x32x128xf32, #tpu.memory_space<vmem>>
    %dma_wait3A_495 = tpu.memref_squeeze %dma_wait3A_494 : memref<1x32x128xf32, #tpu.memory_space<vmem>> -> memref<32x128xf32, #tpu.memory_space<vmem>>
    tpu.wait_dma2 semaphore(%arg19 : memref<!tpu.dma_semaphore, #tpu.memory_space<semaphore_mem>>) src(%dma_wait3A_495 : memref<32x128xf32, #tpu.memory_space<vmem>>) dst(%dma_wait3A_491 : memref<32x128xf32, #tpu.memory_space<hbm>>)
    %dma_wait3A_496 = arith.constant 0 : i32
    %dma_wait3A_497 = arith.constant 0 : i32
    %dma_wait3A_498 = arith.constant 32 : i32
    %dma_wait3A_499 = arith.constant 0 : i32
    %dma_wait3A_500 = tpu.memref_slice %arg7[%dma_wait3A_496, %dma_wait3A_498, %dma_wait3A_499] : memref<4x64x128xf32, #tpu.memory_space<vmem>> -> memref<1x32x128xf32, #tpu.memory_space<vmem>>
    %dma_wait3A_501 = tpu.memref_squeeze %dma_wait3A_500 : memref<1x32x128xf32, #tpu.memory_space<vmem>> -> memref<32x128xf32, #tpu.memory_space<vmem>>
    %dma_wait3A_502 = arith.constant 0 : i32
    %dma_wait3A_503 = tpu.memref_slice %arg5[%dma_wait3A_497, %add3A_297, %dma_wait3A_502] : memref<4x2048x128xf32, #tpu.memory_space<hbm>> -> memref<1x32x128xf32, #tpu.memory_space<hbm>>
    %dma_wait3A_504 = tpu.memref_squeeze %dma_wait3A_503 : memref<1x32x128xf32, #tpu.memory_space<hbm>> -> memref<32x128xf32, #tpu.memory_space<hbm>>
    %dma_wait3A_505 = arith.constant 0 : i32
    %dma_wait3A_506 = tpu.memref_slice %arg5[%dma_wait3A_497, %add3A_297, %dma_wait3A_505] : memref<4x2048x128xf32, #tpu.memory_space<hbm>> -> memref<1x32x128xf32, #tpu.memory_space<hbm>>
    %dma_wait3A_507 = tpu.memref_squeeze %dma_wait3A_506 : memref<1x32x128xf32, #tpu.memory_space<hbm>> -> memref<32x128xf32, #tpu.memory_space<hbm>>
    %dma_wait3A_508 = arith.constant 32 : i32
    %dma_wait3A_509 = arith.constant 0 : i32
    %dma_wait3A_510 = tpu.memref_slice %arg7[%dma_wait3A_496, %dma_wait3A_508, %dma_wait3A_509] : memref<4x64x128xf32, #tpu.memory_space<vmem>> -> memref<1x32x128xf32, #tpu.memory_space<vmem>>
    %dma_wait3A_511 = tpu.memref_squeeze %dma_wait3A_510 : memref<1x32x128xf32, #tpu.memory_space<vmem>> -> memref<32x128xf32, #tpu.memory_space<vmem>>
    tpu.wait_dma2 semaphore(%arg19 : memref<!tpu.dma_semaphore, #tpu.memory_space<semaphore_mem>>) src(%dma_wait3A_511 : memref<32x128xf32, #tpu.memory_space<vmem>>) dst(%dma_wait3A_507 : memref<32x128xf32, #tpu.memory_space<hbm>>)
    %dma_wait3A_512 = arith.constant 1 : i32
    %dma_wait3A_513 = arith.constant 1 : i32
    %dma_wait3A_514 = arith.constant 32 : i32
    %dma_wait3A_515 = arith.constant 0 : i32
    %dma_wait3A_516 = tpu.memref_slice %arg7[%dma_wait3A_512, %dma_wait3A_514, %dma_wait3A_515] : memref<4x64x128xf32, #tpu.memory_space<vmem>> -> memref<1x32x128xf32, #tpu.memory_space<vmem>>
    %dma_wait3A_517 = tpu.memref_squeeze %dma_wait3A_516 : memref<1x32x128xf32, #tpu.memory_space<vmem>> -> memref<32x128xf32, #tpu.memory_space<vmem>>
    %dma_wait3A_518 = arith.constant 0 : i32
    %dma_wait3A_519 = tpu.memref_slice %arg5[%dma_wait3A_513, %add3A_315, %dma_wait3A_518] : memref<4x2048x128xf32, #tpu.memory_space<hbm>> -> memref<1x32x128xf32, #tpu.memory_space<hbm>>
    %dma_wait3A_520 = tpu.memref_squeeze %dma_wait3A_519 : memref<1x32x128xf32, #tpu.memory_space<hbm>> -> memref<32x128xf32, #tpu.memory_space<hbm>>
    %dma_wait3A_521 = arith.constant 0 : i32
    %dma_wait3A_522 = tpu.memref_slice %arg5[%dma_wait3A_513, %add3A_315, %dma_wait3A_521] : memref<4x2048x128xf32, #tpu.memory_space<hbm>> -> memref<1x32x128xf32, #tpu.memory_space<hbm>>
    %dma_wait3A_523 = tpu.memref_squeeze %dma_wait3A_522 : memref<1x32x128xf32, #tpu.memory_space<hbm>> -> memref<32x128xf32, #tpu.memory_space<hbm>>
    %dma_wait3A_524 = arith.constant 32 : i32
    %dma_wait3A_525 = arith.constant 0 : i32
    %dma_wait3A_526 = tpu.memref_slice %arg7[%dma_wait3A_512, %dma_wait3A_524, %dma_wait3A_525] : memref<4x64x128xf32, #tpu.memory_space<vmem>> -> memref<1x32x128xf32, #tpu.memory_space<vmem>>
    %dma_wait3A_527 = tpu.memref_squeeze %dma_wait3A_526 : memref<1x32x128xf32, #tpu.memory_space<vmem>> -> memref<32x128xf32, #tpu.memory_space<vmem>>
    tpu.wait_dma2 semaphore(%arg19 : memref<!tpu.dma_semaphore, #tpu.memory_space<semaphore_mem>>) src(%dma_wait3A_527 : memref<32x128xf32, #tpu.memory_space<vmem>>) dst(%dma_wait3A_523 : memref<32x128xf32, #tpu.memory_space<hbm>>)
    %dma_wait3A_528 = arith.constant 2 : i32
    %dma_wait3A_529 = arith.constant 2 : i32
    %dma_wait3A_530 = arith.constant 0 : i32
    %dma_wait3A_531 = arith.constant 0 : i32
    %dma_wait3A_532 = tpu.memref_slice %arg7[%dma_wait3A_528, %dma_wait3A_530, %dma_wait3A_531] : memref<4x64x128xf32, #tpu.memory_space<vmem>> -> memref<1x32x128xf32, #tpu.memory_space<vmem>>
    %dma_wait3A_533 = tpu.memref_squeeze %dma_wait3A_532 : memref<1x32x128xf32, #tpu.memory_space<vmem>> -> memref<32x128xf32, #tpu.memory_space<vmem>>
    %dma_wait3A_534 = arith.constant 0 : i32
    %dma_wait3A_535 = tpu.memref_slice %arg5[%dma_wait3A_529, %add3A_363, %dma_wait3A_534] : memref<4x2048x128xf32, #tpu.memory_space<hbm>> -> memref<1x32x128xf32, #tpu.memory_space<hbm>>
    %dma_wait3A_536 = tpu.memref_squeeze %dma_wait3A_535 : memref<1x32x128xf32, #tpu.memory_space<hbm>> -> memref<32x128xf32, #tpu.memory_space<hbm>>
    %dma_wait3A_537 = arith.constant 0 : i32
    %dma_wait3A_538 = tpu.memref_slice %arg5[%dma_wait3A_529, %add3A_363, %dma_wait3A_537] : memref<4x2048x128xf32, #tpu.memory_space<hbm>> -> memref<1x32x128xf32, #tpu.memory_space<hbm>>
    %dma_wait3A_539 = tpu.memref_squeeze %dma_wait3A_538 : memref<1x32x128xf32, #tpu.memory_space<hbm>> -> memref<32x128xf32, #tpu.memory_space<hbm>>
    %dma_wait3A_540 = arith.constant 0 : i32
    %dma_wait3A_541 = arith.constant 0 : i32
    %dma_wait3A_542 = tpu.memref_slice %arg7[%dma_wait3A_528, %dma_wait3A_540, %dma_wait3A_541] : memref<4x64x128xf32, #tpu.memory_space<vmem>> -> memref<1x32x128xf32, #tpu.memory_space<vmem>>
    %dma_wait3A_543 = tpu.memref_squeeze %dma_wait3A_542 : memref<1x32x128xf32, #tpu.memory_space<vmem>> -> memref<32x128xf32, #tpu.memory_space<vmem>>
    tpu.wait_dma2 semaphore(%arg19 : memref<!tpu.dma_semaphore, #tpu.memory_space<semaphore_mem>>) src(%dma_wait3A_543 : memref<32x128xf32, #tpu.memory_space<vmem>>) dst(%dma_wait3A_539 : memref<32x128xf32, #tpu.memory_space<hbm>>)
    %dma_wait3A_544 = arith.constant 3 : i32
    %dma_wait3A_545 = arith.constant 3 : i32
    %dma_wait3A_546 = arith.constant 0 : i32
    %dma_wait3A_547 = arith.constant 0 : i32
    %dma_wait3A_548 = tpu.memref_slice %arg7[%dma_wait3A_544, %dma_wait3A_546, %dma_wait3A_547] : memref<4x64x128xf32, #tpu.memory_space<vmem>> -> memref<1x32x128xf32, #tpu.memory_space<vmem>>
    %dma_wait3A_549 = tpu.memref_squeeze %dma_wait3A_548 : memref<1x32x128xf32, #tpu.memory_space<vmem>> -> memref<32x128xf32, #tpu.memory_space<vmem>>
    %dma_wait3A_550 = arith.constant 0 : i32
    %dma_wait3A_551 = tpu.memref_slice %arg5[%dma_wait3A_545, %add3A_381, %dma_wait3A_550] : memref<4x2048x128xf32, #tpu.memory_space<hbm>> -> memref<1x32x128xf32, #tpu.memory_space<hbm>>
    %dma_wait3A_552 = tpu.memref_squeeze %dma_wait3A_551 : memref<1x32x128xf32, #tpu.memory_space<hbm>> -> memref<32x128xf32, #tpu.memory_space<hbm>>
    %dma_wait3A_553 = arith.constant 0 : i32
    %dma_wait3A_554 = tpu.memref_slice %arg5[%dma_wait3A_545, %add3A_381, %dma_wait3A_553] : memref<4x2048x128xf32, #tpu.memory_space<hbm>> -> memref<1x32x128xf32, #tpu.memory_space<hbm>>
    %dma_wait3A_555 = tpu.memref_squeeze %dma_wait3A_554 : memref<1x32x128xf32, #tpu.memory_space<hbm>> -> memref<32x128xf32, #tpu.memory_space<hbm>>
    %dma_wait3A_556 = arith.constant 0 : i32
    %dma_wait3A_557 = arith.constant 0 : i32
    %dma_wait3A_558 = tpu.memref_slice %arg7[%dma_wait3A_544, %dma_wait3A_556, %dma_wait3A_557] : memref<4x64x128xf32, #tpu.memory_space<vmem>> -> memref<1x32x128xf32, #tpu.memory_space<vmem>>
    %dma_wait3A_559 = tpu.memref_squeeze %dma_wait3A_558 : memref<1x32x128xf32, #tpu.memory_space<vmem>> -> memref<32x128xf32, #tpu.memory_space<vmem>>
    tpu.wait_dma2 semaphore(%arg19 : memref<!tpu.dma_semaphore, #tpu.memory_space<semaphore_mem>>) src(%dma_wait3A_559 : memref<32x128xf32, #tpu.memory_space<vmem>>) dst(%dma_wait3A_555 : memref<32x128xf32, #tpu.memory_space<hbm>>)
    %dma_wait3A_560 = arith.constant 2 : i32
    %dma_wait3A_561 = arith.constant 2 : i32
    %dma_wait3A_562 = arith.constant 32 : i32
    %dma_wait3A_563 = arith.constant 0 : i32
    %dma_wait3A_564 = tpu.memref_slice %arg7[%dma_wait3A_560, %dma_wait3A_562, %dma_wait3A_563] : memref<4x64x128xf32, #tpu.memory_space<vmem>> -> memref<1x32x128xf32, #tpu.memory_space<vmem>>
    %dma_wait3A_565 = tpu.memref_squeeze %dma_wait3A_564 : memref<1x32x128xf32, #tpu.memory_space<vmem>> -> memref<32x128xf32, #tpu.memory_space<vmem>>
    %dma_wait3A_566 = arith.constant 0 : i32
    %dma_wait3A_567 = tpu.memref_slice %arg5[%dma_wait3A_561, %add3A_429, %dma_wait3A_566] : memref<4x2048x128xf32, #tpu.memory_space<hbm>> -> memref<1x32x128xf32, #tpu.memory_space<hbm>>
    %dma_wait3A_568 = tpu.memref_squeeze %dma_wait3A_567 : memref<1x32x128xf32, #tpu.memory_space<hbm>> -> memref<32x128xf32, #tpu.memory_space<hbm>>
    %dma_wait3A_569 = arith.constant 0 : i32
    %dma_wait3A_570 = tpu.memref_slice %arg5[%dma_wait3A_561, %add3A_429, %dma_wait3A_569] : memref<4x2048x128xf32, #tpu.memory_space<hbm>> -> memref<1x32x128xf32, #tpu.memory_space<hbm>>
    %dma_wait3A_571 = tpu.memref_squeeze %dma_wait3A_570 : memref<1x32x128xf32, #tpu.memory_space<hbm>> -> memref<32x128xf32, #tpu.memory_space<hbm>>
    %dma_wait3A_572 = arith.constant 32 : i32
    %dma_wait3A_573 = arith.constant 0 : i32
    %dma_wait3A_574 = tpu.memref_slice %arg7[%dma_wait3A_560, %dma_wait3A_572, %dma_wait3A_573] : memref<4x64x128xf32, #tpu.memory_space<vmem>> -> memref<1x32x128xf32, #tpu.memory_space<vmem>>
    %dma_wait3A_575 = tpu.memref_squeeze %dma_wait3A_574 : memref<1x32x128xf32, #tpu.memory_space<vmem>> -> memref<32x128xf32, #tpu.memory_space<vmem>>
    tpu.wait_dma2 semaphore(%arg19 : memref<!tpu.dma_semaphore, #tpu.memory_space<semaphore_mem>>) src(%dma_wait3A_575 : memref<32x128xf32, #tpu.memory_space<vmem>>) dst(%dma_wait3A_571 : memref<32x128xf32, #tpu.memory_space<hbm>>)
    %dma_wait3A_576 = arith.constant 3 : i32
    %dma_wait3A_577 = arith.constant 3 : i32
    %dma_wait3A_578 = arith.constant 32 : i32
    %dma_wait3A_579 = arith.constant 0 : i32
    %dma_wait3A_580 = tpu.memref_slice %arg7[%dma_wait3A_576, %dma_wait3A_578, %dma_wait3A_579] : memref<4x64x128xf32, #tpu.memory_space<vmem>> -> memref<1x32x128xf32, #tpu.memory_space<vmem>>
    %dma_wait3A_581 = tpu.memref_squeeze %dma_wait3A_580 : memref<1x32x128xf32, #tpu.memory_space<vmem>> -> memref<32x128xf32, #tpu.memory_space<vmem>>
    %dma_wait3A_582 = arith.constant 0 : i32
    %dma_wait3A_583 = tpu.memref_slice %arg5[%dma_wait3A_577, %add3A_447, %dma_wait3A_582] : memref<4x2048x128xf32, #tpu.memory_space<hbm>> -> memref<1x32x128xf32, #tpu.memory_space<hbm>>
    %dma_wait3A_584 = tpu.memref_squeeze %dma_wait3A_583 : memref<1x32x128xf32, #tpu.memory_space<hbm>> -> memref<32x128xf32, #tpu.memory_space<hbm>>
    %dma_wait3A_585 = arith.constant 0 : i32
    %dma_wait3A_586 = tpu.memref_slice %arg5[%dma_wait3A_577, %add3A_447, %dma_wait3A_585] : memref<4x2048x128xf32, #tpu.memory_space<hbm>> -> memref<1x32x128xf32, #tpu.memory_space<hbm>>
    %dma_wait3A_587 = tpu.memref_squeeze %dma_wait3A_586 : memref<1x32x128xf32, #tpu.memory_space<hbm>> -> memref<32x128xf32, #tpu.memory_space<hbm>>
    %dma_wait3A_588 = arith.constant 32 : i32
    %dma_wait3A_589 = arith.constant 0 : i32
    %dma_wait3A_590 = tpu.memref_slice %arg7[%dma_wait3A_576, %dma_wait3A_588, %dma_wait3A_589] : memref<4x64x128xf32, #tpu.memory_space<vmem>> -> memref<1x32x128xf32, #tpu.memory_space<vmem>>
    %dma_wait3A_591 = tpu.memref_squeeze %dma_wait3A_590 : memref<1x32x128xf32, #tpu.memory_space<vmem>> -> memref<32x128xf32, #tpu.memory_space<vmem>>
    tpu.wait_dma2 semaphore(%arg19 : memref<!tpu.dma_semaphore, #tpu.memory_space<semaphore_mem>>) src(%dma_wait3A_591 : memref<32x128xf32, #tpu.memory_space<vmem>>) dst(%dma_wait3A_587 : memref<32x128xf32, #tpu.memory_space<hbm>>)
    return
  }
}

</mosaic_0001>

<sc_bundles>
// kernel: kernel.3.cloned.1.call-start
scs
__scs_entry_jumppad:
0x0: {  	(pc) =	sbr.rel $0x88, $3  }
0x1: {  	(tag) =	ssettag $0x0;
	lr =	simm.s32 $0x1  }
0x2: {  	[smem:$0x3F9E] =	sst lr;
	_ =	strace $0xD0000000  }
0x3: {  	_ = 	snop  }
0x4: {  	_ = 	snop  }
0x5: {  	_ = 	snop  }
0x6: {  	_ = 	snop  }
0x7: {  	_ = 	snop  }
__scs_overlays_trampoline_lowered:
0x8: {  	[smem:$0x3FAD] =	sst s0  }
0x9: {  	[smem:$0x3FAE] =	sst s1  }
0xa: {  	[smem:$0x3FAF] =	sst s2  }
0xb: {  	[smem:$0x3FB0] =	sst s3  }
0xc: {  	[smem:$0x3FB1] =	sst s4  }
0xd: {  	[smem:$0x3FB2] =	sst s5  }
0xe: {  	[smem:$0x3FB3] =	sst s6  }
0xf: {  	[smem:$0x3FB4] =	sst s7  }
0x10: {  	[smem:$0x3FB5] =	sst s8  }
0x11: {  	[smem:$0x3FB6] =	sst s9;
	s0 =	simm.s32 @!p0 $0x0  }
0x12: {  	s1 =	sld [smem:$0x3F9C];
	s0 =	simm.s32 @p0 $0x1  }
0x13: {  	[smem:$0x3FB7] =	sst s0;
	s0 =	simm.s32 @!p1 $0x0  }
0x14: {  	s2 =	sld [smem:$0x3F9B];
	s0 =	simm.s32 @p1 $0x1  }
0x15: {  	[smem:$0x3FB8] =	sst s0;
	s0 =	simm.s32 @!p2 $0x0  }
0x16: {  	s3 =	sld [smem:$0x3FDB];
	s0 =	simm.s32 @p2 $0x1  }
0x17: {  	s4 =	simm.s32 $0x1BF5;
	[smem:$0x3FBA] =	sst s0  }
0x18: {  	s0 =	sld [smem:$0x3F9D];
	_ =	swait.ge [sflag:s4], $0x0  }
0x19: {  	s7 =	sld [smem:$0x3F9E]  }
0x1a: {  	s8 =	sadd.s32 $0xFFFFE003, lr  }
0x1b: {  	s9 =	sadd.s32 $0xFFFFFEF7, lr;
	s5 =	simm.s32 $0xFFFFFFFF;
	p2 =	slt.u32 s8, $0xFFFFF086  }
0x1c: {  	p1 =	slt.u32 s9, $0xF7A;
	s5 =	simm.s32 @!p2 $0x0  }
0x1d: {  	s5 =	simm.s32 @p1 $0x1;
	p0 =	seq.s32 s7, s2  }
0x1e: {  	s7 =	smul.u32 @!p0 $0xF7A, s2;
	p2 =	seq.s32 @!p0 s5, $0x0  }
0x1f: {  	s9 =	smul.u32 $0xF7A, s1;
	s8 =	simm.s32 @!p0 $0x1BF5;
	p2 =	por !p2, p0  }
0x20: {  	[sflag:s8] =	ssyncset.s32 @!p0 $0xFFFFF086;
	s6 =	sadd.s32 @!p0 s3, s7;
	s7 =	simm.s32 @!p0 $0x108  }
0x21: {  	s3 =	sadd.s32 s3, s9;
	s6 =	sadd.s32 @!p0 $0x88, s6;
	s7 =	simm.s32 @p2 $0x1082  }
0x22: {  	[simem:s7], [sflag:s8] =	dma.local @!p0 [hbm:s6], $0xF7A  }
0x23: {  	s9 =	sor.u32 $0xD0000000, s2;
	s6 =	simm.s32 $0x108;
	_ =	swait.ge @!p0 [sflag:s8], $0x0  }
0x24: {  	s3 =	sadd.s32 $0x88, s3;
	s6 =	simm.s32 @!p1 $0x1082;
	[sflag:s4] =	ssyncset.s32 $0xFFFFF086  }
0x25: {  	[simem:s6], [sflag:s4] =	dma.local [hbm:s3], $0xF7A  }
0x26: {  	[smem:$0x3F9E] =	sst s1;
	(tag) =	ssettag s2;
	_ =	strace s9  }
0x27: {  	s1 =	sld [smem:$0x3FAE]  }
0x28: {  	s2 =	sld [smem:$0x3FAF]  }
0x29: {  	s4 =	sld [smem:$0x3FB1]  }
0x2a: {  	p0 =	seq.s32 s5, $0x0;
	s5 =	sld [smem:$0x3FB2]  }
0x2b: {  	s6 =	sld [smem:$0x3FB3]  }
0x2c: {  	s7 =	sld [smem:$0x3FB4]  }
0x2d: {  	s3 =	simm.s32 $0x108;
	s8 =	sld [smem:$0x3FB5]  }
0x2e: {  	s3 =	simm.s32 @!p0 $0x1082;
	s9 =	sld [smem:$0x3FB6]  }
0x2f: {  	lr =	sadd.s32 s0, s3;
	s0 =	sld [smem:$0x3FAD]  }
0x30: {  	s3 =	sld [smem:$0x3FB0]  }
0x31: {  	[smem:$0x3FB9] =	sst s10  }
0x32: {  	s10 =	sld [smem:$0x3FB7];
	_ =	sdelay $0x3  }
0x33: {  	p0 =	seq.s32 s10, $0x1;
	s10 =	sld [smem:$0x3FB9];
	_ =	sdelay $0x3  }
0x34: {  	[smem:$0x3FB9] =	sst s10  }
0x35: {  	s10 =	sld [smem:$0x3FB8];
	_ =	sdelay $0x3  }
0x36: {  	p1 =	seq.s32 s10, $0x1;
	s10 =	sld [smem:$0x3FB9];
	_ =	sdelay $0x3  }
0x37: {  	[smem:$0x3FB9] =	sst s10  }
0x38: {  	s10 =	sld [smem:$0x3FBA]  }
0x39: {  	_ = 	snop;
	(pc) =	sbr.ind lr, $3  }
0x3a: {  	_ = 	snop  }
0x3b: {  	_ = 	snop  }
0x3c: {  	p2 =	seq.s32 s10, $0x1;
	s10 =	sld [smem:$0x3FB9]  }
0x3d: {  	_ =	shalt  }
0x3e: {  	_ =	shalt  }
0x3f: {  	_ =	shalt  }
0x40: {  	_ =	shalt  }
0x41: {  	_ =	shalt  }
0x42: {  	_ =	shalt  }
0x43: {  	_ =	shalt  }
0x44: {  	_ =	shalt  }
0x45: {  	_ =	shalt  }
0x46: {  	_ =	shalt  }
0x47: {  	_ =	shalt  }
0x48: {  	_ =	shalt  }
0x49: {  	_ =	shalt  }
0x4a: {  	_ =	shalt  }
0x4b: {  	_ =	shalt  }
0x4c: {  	_ =	shalt  }
0x4d: {  	_ =	shalt  }
0x4e: {  	_ =	shalt  }
0x4f: {  	_ =	shalt  }
0x50: {  	_ =	shalt  }
0x51: {  	_ =	shalt  }
0x52: {  	_ =	shalt  }
0x53: {  	_ =	shalt  }
0x54: {  	_ =	shalt  }
0x55: {  	_ =	shalt  }
0x56: {  	_ =	shalt  }
0x57: {  	_ =	shalt  }
0x58: {  	_ =	shalt  }
0x59: {  	_ =	shalt  }
0x5a: {  	_ =	shalt  }
0x5b: {  	_ =	shalt  }
0x5c: {  	_ =	shalt  }
0x5d: {  	_ =	shalt  }
0x5e: {  	_ =	shalt  }
0x5f: {  	_ =	shalt  }
0x60: {  	_ =	shalt  }
0x61: {  	_ =	shalt  }
0x62: {  	_ =	shalt  }
0x63: {  	_ =	shalt  }
0x64: {  	_ =	shalt  }
0x65: {  	_ =	shalt  }
0x66: {  	_ =	shalt  }
0x67: {  	_ =	shalt  }
0x68: {  	_ =	shalt  }
0x69: {  	_ =	shalt  }
0x6a: {  	_ =	shalt  }
0x6b: {  	_ =	shalt  }
0x6c: {  	_ =	shalt  }
0x6d: {  	_ =	shalt  }
0x6e: {  	_ =	shalt  }
0x6f: {  	_ =	shalt  }
0x70: {  	_ =	shalt  }
0x71: {  	_ =	shalt  }
0x72: {  	_ =	shalt  }
0x73: {  	_ =	shalt  }
0x74: {  	_ =	shalt  }
0x75: {  	_ =	shalt  }
0x76: {  	_ =	shalt  }
0x77: {  	_ =	shalt  }
0x78: {  	_ =	shalt  }
0x79: {  	_ =	shalt  }
0x7a: {  	_ =	shalt  }
0x7b: {  	_ =	shalt  }
0x7c: {  	_ =	shalt  }
0x7d: {  	_ =	shalt  }
0x7e: {  	_ =	shalt  }
0x7f: {  	_ =	shalt  }
0x80: {  	_ =	shalt  }
0x81: {  	_ =	shalt  }
0x82: {  	_ =	shalt  }
0x83: {  	_ =	shalt  }
0x84: {  	_ =	shalt  }
0x85: {  	_ =	shalt  }
0x86: {  	_ =	shalt  }
0x87: {  	_ =	shalt  }
.Lfunc_end0:
.L_simem_size_0:
called_computation_lowered:
.L_overlay_start_0:
0x88: {  	s2 =	sld [smem:$0x3FD9]  }
0x89: {  	s3 =	sld [smem:$0x3FFE];
	_ =	sdelay $0x1  }
0x8a: {  	s1 =	srdreg.scid  }
0x8b: {  	s0 =	sand.u32 $0x1, s1  }
0x8c: {  	s18 =	sshll.u32 s0, $0xA;
	s2 =	sadd.s32 s3, s2  }
0x8d: {  	s2 =	sadd.s32 s2, s18  }
0x8e: {  	[smem:$0x3FC5] =	sst s2  }
0x8f: {  	_ = 	snop  }
0x90: {  	s2 =	sld [smem:$0x3FC9]  }
0x91: {  	s19 =	sld [smem:$0x3FC8]  }
0x92: {  	s4 =	sld [smem:$0x3FC7]  }
0x93: {  	s5 =	sld [smem:$0x3FD0];
	(tm) =	ssettm $0x1  }
0x94: {  	s6 =	sld [smem:$0x3FFB];
	_ =	sdelay $0x3  }
0x95: {  	_ =	strace s6  }
0x96: {  	s6 =	sld [smem:$0x3FFC];
	_ =	sdelay $0x3  }
0x97: {  	_ =	strace s6  }
0x98: {  	s6 =	sld [smem:$0x3FFD];
	_ =	sdelay $0x3  }
0x99: {  	_ =	strace s6  }
0x9a: {  	_ =	strace $0x8FFFFFFF  }
0x9b: {  	s20 =	sld [smem:$0x3FDB];
	_ =	sdelay $0x1  }
0x9c: {  	s7 =	simm.s32 $_scs_section_size  }
0x9d: {  	s8 =	simm.s32 $_size__tile_overlayer_lowered;
	s9 =	simm.s32 $_tile_overlayer_lowered  }
0x9e: {  	s23 =	simm.s32 $0x1BFF;
	s22 =	sshll.u32 s9, $0x1;
	s6 =	sadd.s32 s7, s20  }
0x9f: {  	s10 =	simm.s32 $0x0;
	s21 =	sshll.u32 s8, $0x1;
	s8 =	sadd.s32 s22, s6  }
0xa0: {  	[timem:s10], [sflag:s23] =	dma.local [hbm:s8], s21  }
0xa1: {  	_ =	swait.ge [sflag:s23], s21  }
0xa2: {  	s7 =	ssub.s32 $0x0, s21;
	[sflag:s23] =	ssyncset.done $0x0  }
0xa3: {  	[sflag:s23] =	ssyncadd.s32 s7;
	_ =	sdelay $0x1  }
0xa4: {  	s24 =	simm.s32 $0x1B8B  }
0xa5: {  	_ =	swait.ge [sflag:s24], $0x1  }
0xa6: {  	[sflag:s24] =	ssyncset.done $0x0  }
0xa7: {  	s25 =	simm.s32 $0x1B8E;
	[sflag:s24] =	ssyncadd.s32 $0xFFFFFFFF  }
0xa8: {  	s26 =	simm.s32 $execute0_lowered;
	[smem:$0x3FD2] =	sst s25  }
0xa9: {  	s7 =	sshll.u32 s26, $0x1;
	_ =	strace $0x80000046;
	[dreg:$0x1] =	wrdreg $0xFFFFFFFF  }
0xaa: {  	s28 =	simm.s32 $_size_execute0_lowered;
	s6 =	sadd.s32 s6, s7;
	[dreg:$0x0] =	wrdreg $0x0  }
0xab: {  	s7 =	sshll.u32 s28, $0x1;
	[dreg:$0x2] =	wrdreg s6  }
0xac: {  	[dreg:$0x3] =	wrdreg s7  }
0xad: {  	[dreg:$0x4] =	wrdreg $0xC0  }
0xae: {  	_ =	task [dreg:s10], $0x5FFFF  }
0xaf: {  	[dreg:$0x1] =	wrdreg $0xFFFFFFFF  }
0xb0: {  	[dreg:$0x0] =	wrdreg $0x60  }
0xb1: {  	[dreg:$0x2] =	wrdreg s2  }
0xb2: {  	[dreg:$0x3] =	wrdreg s19  }
0xb3: {  	[dreg:$0x4] =	wrdreg s4  }
0xb4: {  	[dreg:$0x5] =	wrdreg s5  }
0xb5: {  	[dreg:$0x6] =	wrdreg $0x9  }
0xb6: {  	_ =	task.clear_ibuf [dreg:s10], $0x7FFFF;
	_ =	strace $0x90000046  }
0xb7: {  	s29 =	simm.s32 $0x9;
	_ =	strace $0x80000048  }
0xb8: {  	_ =	swait.ge [sflag:s29], $0x1  }
0xb9: {  	[sflag:s29] =	ssyncadd.s32 $0xFFFFFFFF  }
0xba: {  	_ =	strace $0x90000048  }
0xbb: {  	_ =	sfence  }
0xbc: {  	s30 =	sld [smem:$0x0];
	_ =	sdelay $0x2  }
0xbd: {  	s31 =	sshll.u32 s1, $0xD;
	s1 =	sshrl.u32 s1, $0x2  }
0xbe: {  	s3 =	sand.u32 $0x4000, s31;
	s1 =	sadd.s32 s1, s30  }
0xbf: {  	s0 =	sor.u32 s3, s0;
	s1 =	sshll.u32 s1, $0x11  }
0xc0: {  	s0 =	sor.u32 s1, s0  }
0xc1: {  	s0 =	sadd.s32 $0x8F2B, s0  }
0xc2: {  	[sflag:s0] =	ssyncadd.remote.s32 $0x1  }
0xc3: {  	_ =	sfence.sel $0xFFFF  }
0xc4: {  	[dreg:$0x0] =	wrdreg $0xFFFFFFFF;
	(pc) =	sbr.abs _section_cstart, $3  }
0xc5: {  	[dreg:$0x1] =	wrdreg $0xFFFFFFFF  }
0xc6: {  	_ =	task.clear_ibuf [dreg:s10], $0x2FFFF;
	_ =	strace $0x9FFFFFFF  }
0xc7: {  	(tm) =	ssettm $0x7FFFFFFF  }
tec
execute0_lowered:
.L_overlay_start_1:
0x0: {  	(tag) =	ssettag $0x1  }
0x1: {  	s0 =	rddreg [dreg:$0x0]  }
0x2: {  	s2 =	srdreg.scid;
	s1 =	rddreg [dreg:$0x1]  }
0x3: {  	s3 =	stileid.u32;
	s5 =	rddreg [dreg:$0x2]  }
0x4: {  	s6 =	rddreg [dreg:$0x3];
	s21 =	simm.s32 $0x1;
	s29 =	simm.s32 $0x3200  }
0x5: {  	s30 =	simm.s32 $0x4200;
	s31 =	simm.s32 $0x6200;
	s28 =	simm.s32 $0x7200  }
0x6: {  	s18 =	simm.s32 $0x6;
	s19 =	simm.s32 $0x7;
	s2 =	sand.u32 $0x1, s2  }
0x7: {  	s20 =	simm.s32 $0x9;
	s3 =	sshll.u32 s3, $0x7;
	s4 =	sshll.u32 s2, $0x6  }
0x8: {  	s2 =	ssub.s32 $0x2, s2;
	s7 =	sor.u32 s4, s3;
	s3 =	simm.s32 $0x0  }
0x9: {  	s10 =	sshrl.u32 s2, $0x1;
	s8 =	sshll.u32 s7, $0x2;
	[smem:$0x7FF] =	sst s3  }
0xa: {  	s2 =	ssub.s32 s2, s10;
	s7 =	sshll.u32 s7, $0x4;
	s10 =	simm.s32 $0x0  }
0xb: {  	s9 =	sand.u32 $0x1E00, s8;
	_ =	strace $0x80000047;
	s8 =	sor.u32 s4, s8  }
0xc: {  	s23 =	sadd.s32 s5, s7;
	s17 =	smax.u32 s2, $0x1;
	s9 =	sor.u32 s4, s9  }
0xd: {  	s2 =	simm.s32 $0x2;
	s5 =	simm.s32 $0x5;
	s9 =	sshrl.u32 s9, $0x3  }
0xe: {  	s8 =	sshrl.u32 s8, $0x3;
	[dreg:$0x8] =	wrdreg s23;
	s4 =	sadd.s32 s0, s9  }
0xf: {  	s23 =	simm.s32 $0xB;
	s22 =	sor.u32 $0x20, s8;
	s9 =	sadd.s32 $0x10, s4  }
0x10: {  	s8 =	sor.u32 $0x30, s8;
	[dreg:$0x5] =	wrdreg s9;
	s9 =	sadd.s32 s0, s22  }
0x11: {  	s0 =	sadd.s32 s0, s8;
	s22 =	simm.s32 $0x20;
	[dreg:$0x6] =	wrdreg s9  }
0x12: {  	s8 =	simm.s32 $0xA;
	[dreg:$0x7] =	wrdreg s0;
	s9 =	sadd.s32 s6, s7  }
0x13: {  	s0 =	simm.s32 $0x5200;
	s6 =	simm.s32 $0x4;
	s7 =	simm.s32 $0x8  }
0x14: {  	s24 =	sadd.s32 $0x8000, s9;
	s25 =	sadd.s32 $0x200, s9;
	s26 =	sadd.s32 $0x8200, s9  }
0x15: {  	s13 =	sadd.s32 $0x10000, s9;
	s14 =	sadd.s32 $0x18000, s9;
	[dreg:$0x9] =	wrdreg s24  }
0x16: {  	s15 =	sadd.s32 $0x10200, s9;
	s16 =	sadd.s32 $0x18200, s9;
	[dreg:$0xa] =	wrdreg s25  }
0x17: {  	[dreg:$0xb] =	wrdreg s26;
	s25 =	simm.s32 $0x3;
	s26 =	simm.s32 $0x180  }
.LBB2_1:
0x18: {  	[tilespmem:s3], [sflag:$0x1] =	stream.linear.gather [hbm4b:s4+s3], $0x40, $0x38;
	[tilespmem:$0xA200] =	vst v63  }
0x19: {  	s11 =	rddreg [dreg:$0x5];
	s12 =	simm.s32 $0x80  }
0x1a: {  	[tilespmem:s12], [sflag:$0x1] =	stream.linear.gather [hbm4b:s11+s3], $0x40, $0x38;
	[tilespmem:$0xA200] =	vst v63  }
0x1b: {  	s24 =	simm.s32 $0x100;
	s11 =	rddreg [dreg:$0x6]  }
0x1c: {  	[tilespmem:s24], [sflag:$0x1] =	stream.linear.gather [hbm4b:s11+s3], $0x40, $0x38;
	[tilespmem:$0xA200] =	vst v63  }
0x1d: {  	s11 =	rddreg [dreg:$0x7]  }
0x1e: {  	[tilespmem:s26], [sflag:$0x1] =	stream.linear.gather [hbm4b:s11+s3], $0x40, $0x38;
	[tilespmem:$0xA200] =	vst v63  }
0x1f: {  	_ =	swait.ge [sflag:s21], $0x40  }
0x20: {  	[sflag:s21] =	ssyncset.done $0x0  }
0x21: {  	[sflag:s21] =	ssyncadd.s32 $0xFFFFFFC0  }
0x22: {  	_ =	swait.ge [sflag:s21], $0x40  }
0x23: {  	[sflag:s21] =	ssyncset.done $0x0  }
0x24: {  	[sflag:s21] =	ssyncadd.s32 $0xFFFFFFC0  }
0x25: {  	_ =	swait.ge [sflag:s21], $0x40  }
0x26: {  	[sflag:s21] =	ssyncset.done $0x0  }
0x27: {  	[sflag:s21] =	ssyncadd.s32 $0xFFFFFFC0  }
0x28: {  	_ =	swait.ge [sflag:s21], $0x40  }
0x29: {  	[sflag:s21] =	ssyncset.done $0x0  }
0x2a: {  	s11 =	simm.s32 $0x200;
	[sflag:s21] =	ssyncadd.s32 $0xFFFFFFC0  }
0x2b: {  	[tilespmem:s11], [sflag:$0x3] =	stream.indirect.gather [hbm4b:s1+s22], $0x80, s3, s22, $0xb8;
	[tilespmem:$0xA200] =	vst v63  }
0x2c: {  	s11 =	simm.s32 $0x2200  }
0x2d: {  	[tilespmem:s11], [sflag:$0x5] =	stream.indirect.gather [hbm4b:s1+s22], $0x80, s12, s22, $0xb8;
	[tilespmem:$0xA200] =	vst v63  }
0x2e: {  	s11 =	rddreg [dreg:$0x8];
	s12 =	simm.s32 $0x8200  }
0x2f: {  	[tilespmem:s12], [sflag:$0x2] =	stream.linear.gather [hbm4b:s11+s3], $0x2000, $0x38;
	[tilespmem:$0xA200] =	vst v63  }
0x30: {  	s12 =	simm.s32 $0x1200  }
0x31: {  	[tilespmem:s12], [sflag:$0x4] =	stream.indirect.gather [hbm4b:s1+s22], $0x80, s22, s22, $0xb8;
	[tilespmem:$0xA200] =	vst v63  }
0x32: {  	s12 =	simm.s32 $0xA0  }
0x33: {  	[tilespmem:s29], [sflag:$0x6] =	stream.indirect.gather [hbm4b:s1+s22], $0x80, s12, s22, $0xb8;
	[tilespmem:$0xA200] =	vst v63  }
0x34: {  	_ = 	snop  }
0x35: {  	[tilespmem:s30], [sflag:$0x7] =	stream.indirect.gather [hbm4b:s1+s22], $0x80, s24, s22, $0xb8;
	[tilespmem:$0xA200] =	vst v63  }
0x36: {  	_ = 	snop  }
0x37: {  	[tilespmem:s31], [sflag:$0x9] =	stream.indirect.gather [hbm4b:s1+s22], $0x80, s26, s22, $0xb8;
	[tilespmem:$0xA200] =	vst v63  }
0x38: {  	s12 =	simm.s32 $0x120  }
0x39: {  	[tilespmem:s0], [sflag:$0x8] =	stream.indirect.gather [hbm4b:s1+s22], $0x80, s12, s22, $0xb8;
	[tilespmem:$0xA200] =	vst v63  }
0x3a: {  	s24 =	simm.s32 $0x1A0  }
0x3b: {  	[tilespmem:s28], [sflag:$0xA] =	stream.indirect.gather [hbm4b:s1+s22], $0x80, s24, s22, $0xb8;
	[tilespmem:$0xA200] =	vst v63  }
0x3c: {  	_ =	swait.ge [sflag:s2], $0x2000  }
0x3d: {  	[sflag:s2] =	ssyncset.done $0x0  }
0x3e: {  	[sflag:s2] =	ssyncadd.s32 $0xFFFFE000  }
0x3f: {  	_ =	swait.ge [sflag:s25], $0x1000  }
0x40: {  	[sflag:s25] =	ssyncset.done $0x0  }
0x41: {  	[sflag:s25] =	ssyncadd.s32 $0xFFFFF000  }
0x42: {  	_ =	swait.ge [sflag:s5], $0x1000  }
0x43: {  	[sflag:s5] =	ssyncset.done $0x0  }
0x44: {  	s24 =	simm.s32 $0x0;
	[sflag:s5] =	ssyncadd.s32 $0xFFFFF000  }
0x45: {  	v7 =	vld [tilespmem:s24+$0x8200]  }
0x46: {  	v6 =	vld [tilespmem:s24+$0x8210]  }
0x47: {  	v5 =	vld [tilespmem:s24+$0x8220]  }
0x48: {  	v4 =	vld [tilespmem:s24+$0x8230]  }
0x49: {  	v3 =	vld [tilespmem:s24+$0x8240]  }
0x4a: {  	v2 =	vld [tilespmem:s24+$0x8250]  }
0x4b: {  	v8 =	vld [tilespmem:s24+$0x200]  }
0x4c: {  	v1 =	vld [tilespmem:s24+$0x8260]  }
0x4d: {  	v0 =	vld [tilespmem:s24+$0x8270]  }
0x4e: {  	v9 =	vld [tilespmem:s24+$0x210]  }
0x4f: {  	v11 =	vld [tilespmem:s24+$0x230]  }
0x50: {  	v10 =	vld [tilespmem:s24+$0x220];
	v8 =	vmul.f32 $1.131370830e+01, v8  }
0x51: {  	v12 =	vld [tilespmem:s24+$0x240]  }
0x52: {  	v13 =	vld [tilespmem:s24+$0x250];
	v8 =	vadd.f32 v8, v7  }
0x53: {  	v14 =	vld [tilespmem:s24+$0x260];
	v9 =	vmul.f32 $1.131370830e+01, v9  }
0x54: {  	v15 =	vld [tilespmem:s24+$0x270];
	[tilespmem:s24+$0x200] =	vst v8;
	v8 =	vmul.f32 $1.131370830e+01, v11  }
0x55: {  	v16 =	vld [tilespmem:s24+$0x2200];
	v10 =	vmul.f32 $1.131370830e+01, v10;
	v9 =	vadd.f32 v9, v6  }
0x56: {  	v17 =	vld [tilespmem:s24+$0x2210];
	v11 =	vmul.f32 $1.131370830e+01, v12;
	v12 =	vadd.f32 v8, v4  }
0x57: {  	v13 =	vmul.f32 $1.131370830e+01, v13;
	v10 =	vadd.f32 v10, v5;
	[tilespmem:s24+$0x210] =	vst v9;
	v9 =	vld [tilespmem:s24+$0x2220]  }
0x58: {  	v8 =	vld [tilespmem:s24+$0x2230];
	v11 =	vadd.f32 v11, v3;
	[tilespmem:s24+$0x230] =	vst v12;
	v12 =	vmul.f32 $1.131370830e+01, v14  }
0x59: {  	v13 =	vadd.f32 v13, v2;
	[tilespmem:s24+$0x220] =	vst v10;
	v10 =	vld [tilespmem:s24+$0x2240];
	v14 =	vmul.f32 $1.131370830e+01, v15  }
0x5a: {  	v16 =	vmul.f32 $1.131370830e+01, v16;
	[tilespmem:s24+$0x240] =	vst v11;
	v11 =	vld [tilespmem:s24+$0x2250];
	v15 =	vadd.f32 v12, v1  }
0x5b: {  	s11 =	simm.s32 $0x200;
	[tilespmem:s24+$0x250] =	vst v13;
	v13 =	vadd.f32 v14, v0;
	v14 =	vmul.f32 $1.131370830e+01, v17;
	v12 =	vld [tilespmem:s24+$0x2260]  }
.LBB2_2:
0x5c: {  	s12 =	sshra.s32 s11, $0x2;
	p0 =	sne.s32 s11, $0x3E00;
	[tilespmem:s24+$0x260] =	vst v15;
	v15 =	vadd.f32 v16, v7;
	v9 =	vmul.f32 $1.131370830e+01, v9;
	v16 =	vld [tilespmem:s24+$0x2270]  }
0x5d: {  	v7 =	vld [tilespmem:s12+$0x8200];
	[tilespmem:s24+$0x270] =	vst v13;
	v13 =	vadd.f32 v14, v6;
	v8 =	vmul.f32 $1.131370830e+01, v8  }
0x5e: {  	v6 =	vld [tilespmem:s12+$0x8210];
	[tilespmem:s24+$0x2200] =	vst v15;
	v9 =	vadd.f32 v9, v5;
	v10 =	vmul.f32 $1.131370830e+01, v10  }
0x5f: {  	v5 =	vld [tilespmem:s12+$0x8220];
	[tilespmem:s24+$0x2210] =	vst v13;
	v8 =	vadd.f32 v8, v4;
	v11 =	vmul.f32 $1.131370830e+01, v11  }
0x60: {  	v4 =	vld [tilespmem:s12+$0x8230];
	[tilespmem:s24+$0x2220] =	vst v9;
	v9 =	vadd.f32 v10, v3;
	v10 =	vmul.f32 $1.131370830e+01, v12  }
0x61: {  	v3 =	vld [tilespmem:s12+$0x8240];
	[tilespmem:s24+$0x2230] =	vst v8;
	v8 =	vadd.f32 v11, v2;
	v11 =	vmul.f32 $1.131370830e+01, v16  }
0x62: {  	v2 =	vld [tilespmem:s12+$0x8250];
	[tilespmem:s24+$0x2240] =	vst v9;
	v9 =	vadd.f32 v10, v1  }
0x63: {  	v1 =	vld [tilespmem:s12+$0x8260];
	[tilespmem:s24+$0x2250] =	vst v8;
	v8 =	vadd.f32 v11, v0  }
0x64: {  	v0 =	vld [tilespmem:s12+$0x8270];
	[tilespmem:s24+$0x2260] =	vst v9  }
0x65: {  	v9 =	vld [tilespmem:s12+$0x200];
	[tilespmem:s24+$0x2270] =	vst v8;
	s24 =	smov.u32 s12  }
0x66: {  	v8 =	vld [tilespmem:s24+$0x210]  }
0x67: {  	v10 =	vld [tilespmem:s24+$0x220]  }
0x68: {  	v11 =	vld [tilespmem:s24+$0x230]  }
0x69: {  	v12 =	vld [tilespmem:s24+$0x240]  }
0x6a: {  	v9 =	vmul.f32 $1.131370830e+01, v9;
	v13 =	vld [tilespmem:s24+$0x250]  }
0x6b: {  	v8 =	vmul.f32 $1.131370830e+01, v8;
	v14 =	vld [tilespmem:s24+$0x260]  }
0x6c: {  	v9 =	vadd.f32 v9, v7;
	v10 =	vmul.f32 $1.131370830e+01, v10;
	v15 =	vld [tilespmem:s24+$0x270]  }
0x6d: {  	v8 =	vadd.f32 v8, v6;
	v11 =	vmul.f32 $1.131370830e+01, v11;
	v16 =	vld [tilespmem:s24+$0x2200]  }
0x6e: {  	[tilespmem:s24+$0x200] =	vst v9;
	v10 =	vadd.f32 v10, v5;
	v12 =	vmul.f32 $1.131370830e+01, v12;
	v17 =	vld [tilespmem:s24+$0x2210]  }
.Ltmp0:
0x6f: {  	[tilespmem:s24+$0x210] =	vst v8;
	v11 =	vadd.f32 v11, v4;
	v13 =	vmul.f32 $1.131370830e+01, v13;
	v9 =	vld [tilespmem:s24+$0x2220];
	(pc) =	sbr.rel @p0 .LBB2_2-.Ltmp0, $4  }
0x70: {  	[tilespmem:s24+$0x220] =	vst v10;
	v12 =	vadd.f32 v12, v3;
	v14 =	vmul.f32 $1.131370830e+01, v14;
	v8 =	vld [tilespmem:s24+$0x2230]  }
0x71: {  	[tilespmem:s24+$0x230] =	vst v11;
	v13 =	vadd.f32 v13, v2;
	v18 =	vmul.f32 $1.131370830e+01, v15;
	v10 =	vld [tilespmem:s24+$0x2240]  }
0x72: {  	[tilespmem:s24+$0x240] =	vst v12;
	v15 =	vadd.f32 v14, v1;
	v16 =	vmul.f32 $1.131370830e+01, v16;
	v11 =	vld [tilespmem:s24+$0x2250]  }
0x73: {  	s11 =	sadd.s32 $0x200, s11;
	[tilespmem:s24+$0x250] =	vst v13;
	v13 =	vadd.f32 v18, v0;
	v14 =	vmul.f32 $1.131370830e+01, v17;
	v12 =	vld [tilespmem:s24+$0x2260]  }
0x74: {  	[tilespmem:s24+$0x260] =	vst v15;
	v7 =	vadd.f32 v16, v7;
	v9 =	vmul.f32 $1.131370830e+01, v9;
	v15 =	vld [tilespmem:s24+$0x2270]  }
0x75: {  	[tilespmem:s24+$0x270] =	vst v13;
	v6 =	vadd.f32 v14, v6;
	v8 =	vmul.f32 $1.131370830e+01, v8  }
0x76: {  	[tilespmem:s24+$0x2200] =	vst v7;
	v5 =	vadd.f32 v9, v5;
	v7 =	vmul.f32 $1.131370830e+01, v10  }
0x77: {  	[tilespmem:s24+$0x2210] =	vst v6;
	v4 =	vadd.f32 v8, v4;
	v6 =	vmul.f32 $1.131370830e+01, v11  }
0x78: {  	[tilespmem:s24+$0x2220] =	vst v5;
	v3 =	vadd.f32 v7, v3;
	v5 =	vmul.f32 $1.131370830e+01, v12  }
0x79: {  	[tilespmem:s24+$0x2230] =	vst v4;
	v2 =	vadd.f32 v6, v2;
	v4 =	vmul.f32 $1.131370830e+01, v15  }
0x7a: {  	[tilespmem:s24+$0x2240] =	vst v3;
	v1 =	vadd.f32 v5, v1  }
0x7b: {  	[tilespmem:s24+$0x2250] =	vst v2;
	v0 =	vadd.f32 v4, v0  }
0x7c: {  	[tilespmem:s24+$0x2260] =	vst v1  }
0x7d: {  	s11 =	simm.s32 $0x0;
	s12 =	simm.s32 $0x200;
	[tilespmem:s24+$0x2270] =	vst v0  }
0x7e: {  	[hbm4b:s9+s11] =	stream.linear.scatter [tilespmem:s12], [sflag:$0xB], $0x1000, $0x38;
	[tilespmem:$0xA200] =	vst v63  }
0x7f: {  	s24 =	simm.s32 $0x2200;
	s12 =	rddreg [dreg:$0x9]  }
0x80: {  	[hbm4b:s12+s11] =	stream.linear.scatter [tilespmem:s24], [sflag:$0xB], $0x1000, $0x38;
	[tilespmem:$0xA200] =	vst v63  }
0x81: {  	_ =	swait.ge [sflag:s6], $0x1000  }
0x82: {  	[sflag:s6] =	ssyncset.done $0x0  }
0x83: {  	[sflag:s6] =	ssyncadd.s32 $0xFFFFF000  }
0x84: {  	_ =	swait.ge [sflag:s18], $0x1000  }
0x85: {  	[sflag:s18] =	ssyncset.done $0x0  }
0x86: {  	s24 =	simm.s32 $0x0;
	[sflag:s18] =	ssyncadd.s32 $0xFFFFF000  }
0x87: {  	v7 =	vld [tilespmem:s24+$0x9200]  }
0x88: {  	v6 =	vld [tilespmem:s24+$0x9210]  }
0x89: {  	v5 =	vld [tilespmem:s24+$0x9220]  }
0x8a: {  	v4 =	vld [tilespmem:s24+$0x9230]  }
0x8b: {  	v3 =	vld [tilespmem:s24+$0x9240]  }
0x8c: {  	v2 =	vld [tilespmem:s24+$0x9250]  }
0x8d: {  	v8 =	vld [tilespmem:s24+$0x1200]  }
0x8e: {  	v1 =	vld [tilespmem:s24+$0x9260]  }
0x8f: {  	v0 =	vld [tilespmem:s24+$0x9270]  }
0x90: {  	v9 =	vld [tilespmem:s24+$0x1210]  }
0x91: {  	v11 =	vld [tilespmem:s24+$0x1230]  }
0x92: {  	v10 =	vld [tilespmem:s24+$0x1220];
	v8 =	vmul.f32 $1.131370830e+01, v8  }
0x93: {  	v12 =	vld [tilespmem:s24+$0x1240]  }
0x94: {  	v13 =	vld [tilespmem:s24+$0x1250];
	v8 =	vadd.f32 v8, v7  }
0x95: {  	v14 =	vld [tilespmem:s24+$0x1260];
	v9 =	vmul.f32 $1.131370830e+01, v9  }
0x96: {  	v15 =	vld [tilespmem:s24+$0x1270];
	[tilespmem:s24+$0x1200] =	vst v8;
	v8 =	vmul.f32 $1.131370830e+01, v11  }
0x97: {  	v16 =	vld [tilespmem:s24+$0x3200];
	v10 =	vmul.f32 $1.131370830e+01, v10;
	v9 =	vadd.f32 v9, v6  }
0x98: {  	v17 =	vld [tilespmem:s24+$0x3210];
	v11 =	vmul.f32 $1.131370830e+01, v12;
	v12 =	vadd.f32 v8, v4  }
0x99: {  	v13 =	vmul.f32 $1.131370830e+01, v13;
	v10 =	vadd.f32 v10, v5;
	[tilespmem:s24+$0x1210] =	vst v9;
	v9 =	vld [tilespmem:s24+$0x3220]  }
0x9a: {  	v8 =	vld [tilespmem:s24+$0x3230];
	v11 =	vadd.f32 v11, v3;
	[tilespmem:s24+$0x1230] =	vst v12;
	v12 =	vmul.f32 $1.131370830e+01, v14  }
0x9b: {  	v13 =	vadd.f32 v13, v2;
	[tilespmem:s24+$0x1220] =	vst v10;
	v10 =	vld [tilespmem:s24+$0x3240];
	v14 =	vmul.f32 $1.131370830e+01, v15  }
0x9c: {  	v16 =	vmul.f32 $1.131370830e+01, v16;
	[tilespmem:s24+$0x1240] =	vst v11;
	v11 =	vld [tilespmem:s24+$0x3250];
	v15 =	vadd.f32 v12, v1  }
0x9d: {  	s11 =	simm.s32 $0x200;
	[tilespmem:s24+$0x1250] =	vst v13;
	v13 =	vadd.f32 v14, v0;
	v14 =	vmul.f32 $1.131370830e+01, v17;
	v12 =	vld [tilespmem:s24+$0x3260]  }
.LBB2_4:
0x9e: {  	s12 =	sshra.s32 s11, $0x2;
	p0 =	sne.s32 s11, $0x3E00;
	[tilespmem:s24+$0x1260] =	vst v15;
	v15 =	vadd.f32 v16, v7;
	v9 =	vmul.f32 $1.131370830e+01, v9;
	v16 =	vld [tilespmem:s24+$0x3270]  }
0x9f: {  	v7 =	vld [tilespmem:s12+$0x9200];
	[tilespmem:s24+$0x1270] =	vst v13;
	v13 =	vadd.f32 v14, v6;
	v8 =	vmul.f32 $1.131370830e+01, v8  }
0xa0: {  	v6 =	vld [tilespmem:s12+$0x9210];
	[tilespmem:s24+$0x3200] =	vst v15;
	v9 =	vadd.f32 v9, v5;
	v10 =	vmul.f32 $1.131370830e+01, v10  }
0xa1: {  	v5 =	vld [tilespmem:s12+$0x9220];
	[tilespmem:s24+$0x3210] =	vst v13;
	v8 =	vadd.f32 v8, v4;
	v11 =	vmul.f32 $1.131370830e+01, v11  }
0xa2: {  	v4 =	vld [tilespmem:s12+$0x9230];
	[tilespmem:s24+$0x3220] =	vst v9;
	v9 =	vadd.f32 v10, v3;
	v10 =	vmul.f32 $1.131370830e+01, v12  }
0xa3: {  	v3 =	vld [tilespmem:s12+$0x9240];
	[tilespmem:s24+$0x3230] =	vst v8;
	v8 =	vadd.f32 v11, v2;
	v11 =	vmul.f32 $1.131370830e+01, v16  }
0xa4: {  	v2 =	vld [tilespmem:s12+$0x9250];
	[tilespmem:s24+$0x3240] =	vst v9;
	v9 =	vadd.f32 v10, v1  }
0xa5: {  	v1 =	vld [tilespmem:s12+$0x9260];
	[tilespmem:s24+$0x3250] =	vst v8;
	v8 =	vadd.f32 v11, v0  }
0xa6: {  	v0 =	vld [tilespmem:s12+$0x9270];
	[tilespmem:s24+$0x3260] =	vst v9  }
0xa7: {  	v9 =	vld [tilespmem:s12+$0x1200];
	[tilespmem:s24+$0x3270] =	vst v8;
	s24 =	smov.u32 s12  }
0xa8: {  	v8 =	vld [tilespmem:s24+$0x1210]  }
0xa9: {  	v10 =	vld [tilespmem:s24+$0x1220]  }
0xaa: {  	v11 =	vld [tilespmem:s24+$0x1230]  }
0xab: {  	v12 =	vld [tilespmem:s24+$0x1240]  }
0xac: {  	v9 =	vmul.f32 $1.131370830e+01, v9;
	v13 =	vld [tilespmem:s24+$0x1250]  }
0xad: {  	v8 =	vmul.f32 $1.131370830e+01, v8;
	v14 =	vld [tilespmem:s24+$0x1260]  }
0xae: {  	v9 =	vadd.f32 v9, v7;
	v10 =	vmul.f32 $1.131370830e+01, v10;
	v15 =	vld [tilespmem:s24+$0x1270]  }
0xaf: {  	v8 =	vadd.f32 v8, v6;
	v11 =	vmul.f32 $1.131370830e+01, v11;
	v16 =	vld [tilespmem:s24+$0x3200]  }
0xb0: {  	[tilespmem:s24+$0x1200] =	vst v9;
	v10 =	vadd.f32 v10, v5;
	v12 =	vmul.f32 $1.131370830e+01, v12;
	v17 =	vld [tilespmem:s24+$0x3210]  }
.Ltmp1:
0xb1: {  	[tilespmem:s24+$0x1210] =	vst v8;
	v11 =	vadd.f32 v11, v4;
	v13 =	vmul.f32 $1.131370830e+01, v13;
	v9 =	vld [tilespmem:s24+$0x3220];
	(pc) =	sbr.rel @p0 .LBB2_4-.Ltmp1, $4  }
0xb2: {  	[tilespmem:s24+$0x1220] =	vst v10;
	v12 =	vadd.f32 v12, v3;
	v14 =	vmul.f32 $1.131370830e+01, v14;
	v8 =	vld [tilespmem:s24+$0x3230]  }
0xb3: {  	[tilespmem:s24+$0x1230] =	vst v11;
	v13 =	vadd.f32 v13, v2;
	v18 =	vmul.f32 $1.131370830e+01, v15;
	v10 =	vld [tilespmem:s24+$0x3240]  }
0xb4: {  	[tilespmem:s24+$0x1240] =	vst v12;
	v15 =	vadd.f32 v14, v1;
	v16 =	vmul.f32 $1.131370830e+01, v16;
	v11 =	vld [tilespmem:s24+$0x3250]  }
0xb5: {  	s11 =	sadd.s32 $0x200, s11;
	[tilespmem:s24+$0x1250] =	vst v13;
	v13 =	vadd.f32 v18, v0;
	v14 =	vmul.f32 $1.131370830e+01, v17;
	v12 =	vld [tilespmem:s24+$0x3260]  }
0xb6: {  	[tilespmem:s24+$0x1260] =	vst v15;
	v7 =	vadd.f32 v16, v7;
	v9 =	vmul.f32 $1.131370830e+01, v9;
	v15 =	vld [tilespmem:s24+$0x3270]  }
0xb7: {  	[tilespmem:s24+$0x1270] =	vst v13;
	v6 =	vadd.f32 v14, v6;
	v8 =	vmul.f32 $1.131370830e+01, v8  }
0xb8: {  	[tilespmem:s24+$0x3200] =	vst v7;
	v5 =	vadd.f32 v9, v5;
	v7 =	vmul.f32 $1.131370830e+01, v10  }
0xb9: {  	[tilespmem:s24+$0x3210] =	vst v6;
	v4 =	vadd.f32 v8, v4;
	v6 =	vmul.f32 $1.131370830e+01, v11  }
0xba: {  	[tilespmem:s24+$0x3220] =	vst v5;
	v3 =	vadd.f32 v7, v3;
	v5 =	vmul.f32 $1.131370830e+01, v12  }
0xbb: {  	[tilespmem:s24+$0x3230] =	vst v4;
	v2 =	vadd.f32 v6, v2;
	v4 =	vmul.f32 $1.131370830e+01, v15  }
0xbc: {  	[tilespmem:s24+$0x3240] =	vst v3;
	v1 =	vadd.f32 v5, v1  }
0xbd: {  	[tilespmem:s24+$0x3250] =	vst v2;
	v0 =	vadd.f32 v4, v0  }
0xbe: {  	[tilespmem:s24+$0x3260] =	vst v1  }
0xbf: {  	s11 =	simm.s32 $0x0;
	s12 =	rddreg [dreg:$0xa];
	[tilespmem:s24+$0x3270] =	vst v0;
	s24 =	simm.s32 $0x1200  }
0xc0: {  	[hbm4b:s12+s11] =	stream.linear.scatter [tilespmem:s24], [sflag:$0xB], $0x1000, $0x38;
	[tilespmem:$0xA200] =	vst v63  }
0xc1: {  	s24 =	rddreg [dreg:$0xb]  }
0xc2: {  	[hbm4b:s24+s11] =	stream.linear.scatter [tilespmem:s29], [sflag:$0xB], $0x1000, $0x38;
	[tilespmem:$0xA200] =	vst v63  }
0xc3: {  	_ =	swait.ge [sflag:s19], $0x1000  }
0xc4: {  	[sflag:s19] =	ssyncset.done $0x0  }
0xc5: {  	[sflag:s19] =	ssyncadd.s32 $0xFFFFF000  }
0xc6: {  	_ =	swait.ge [sflag:s20], $0x1000  }
0xc7: {  	[sflag:s20] =	ssyncset.done $0x0  }
0xc8: {  	s24 =	simm.s32 $0x0;
	[sflag:s20] =	ssyncadd.s32 $0xFFFFF000  }
0xc9: {  	v7 =	vld [tilespmem:s24+$0x8200]  }
0xca: {  	v6 =	vld [tilespmem:s24+$0x8210]  }
0xcb: {  	v5 =	vld [tilespmem:s24+$0x8220]  }
0xcc: {  	v4 =	vld [tilespmem:s24+$0x8230]  }
0xcd: {  	v3 =	vld [tilespmem:s24+$0x8240]  }
0xce: {  	v2 =	vld [tilespmem:s24+$0x8250]  }
0xcf: {  	v8 =	vld [tilespmem:s24+$0x4200]  }
0xd0: {  	v1 =	vld [tilespmem:s24+$0x8260]  }
0xd1: {  	v0 =	vld [tilespmem:s24+$0x8270]  }
0xd2: {  	v9 =	vld [tilespmem:s24+$0x4210]  }
0xd3: {  	v11 =	vld [tilespmem:s24+$0x4230]  }
0xd4: {  	v10 =	vld [tilespmem:s24+$0x4220];
	v8 =	vmul.f32 $1.131370830e+01, v8  }
0xd5: {  	v12 =	vld [tilespmem:s24+$0x4240]  }
0xd6: {  	v13 =	vld [tilespmem:s24+$0x4250];
	v8 =	vadd.f32 v8, v7  }
0xd7: {  	v14 =	vld [tilespmem:s24+$0x4260];
	v9 =	vmul.f32 $1.131370830e+01, v9  }
0xd8: {  	v15 =	vld [tilespmem:s24+$0x4270];
	[tilespmem:s24+$0x4200] =	vst v8;
	v8 =	vmul.f32 $1.131370830e+01, v11  }
0xd9: {  	v16 =	vld [tilespmem:s24+$0x6200];
	v10 =	vmul.f32 $1.131370830e+01, v10;
	v9 =	vadd.f32 v9, v6  }
0xda: {  	v17 =	vld [tilespmem:s24+$0x6210];
	v11 =	vmul.f32 $1.131370830e+01, v12;
	v12 =	vadd.f32 v8, v4  }
0xdb: {  	v13 =	vmul.f32 $1.131370830e+01, v13;
	v10 =	vadd.f32 v10, v5;
	[tilespmem:s24+$0x4210] =	vst v9;
	v9 =	vld [tilespmem:s24+$0x6220]  }
0xdc: {  	v8 =	vld [tilespmem:s24+$0x6230];
	v11 =	vadd.f32 v11, v3;
	[tilespmem:s24+$0x4230] =	vst v12;
	v12 =	vmul.f32 $1.131370830e+01, v14  }
0xdd: {  	v13 =	vadd.f32 v13, v2;
	[tilespmem:s24+$0x4220] =	vst v10;
	v10 =	vld [tilespmem:s24+$0x6240];
	v14 =	vmul.f32 $1.131370830e+01, v15  }
0xde: {  	v16 =	vmul.f32 $1.131370830e+01, v16;
	[tilespmem:s24+$0x4240] =	vst v11;
	v11 =	vld [tilespmem:s24+$0x6250];
	v15 =	vadd.f32 v12, v1  }
0xdf: {  	s11 =	simm.s32 $0x200;
	[tilespmem:s24+$0x4250] =	vst v13;
	v13 =	vadd.f32 v14, v0;
	v14 =	vmul.f32 $1.131370830e+01, v17;
	v12 =	vld [tilespmem:s24+$0x6260]  }
.LBB2_6:
0xe0: {  	s12 =	sshra.s32 s11, $0x2;
	p0 =	sne.s32 s11, $0x3E00;
	[tilespmem:s24+$0x4260] =	vst v15;
	v15 =	vadd.f32 v16, v7;
	v9 =	vmul.f32 $1.131370830e+01, v9;
	v16 =	vld [tilespmem:s24+$0x6270]  }
0xe1: {  	v7 =	vld [tilespmem:s12+$0x8200];
	[tilespmem:s24+$0x4270] =	vst v13;
	v13 =	vadd.f32 v14, v6;
	v8 =	vmul.f32 $1.131370830e+01, v8  }
0xe2: {  	v6 =	vld [tilespmem:s12+$0x8210];
	[tilespmem:s24+$0x6200] =	vst v15;
	v9 =	vadd.f32 v9, v5;
	v10 =	vmul.f32 $1.131370830e+01, v10  }
0xe3: {  	v5 =	vld [tilespmem:s12+$0x8220];
	[tilespmem:s24+$0x6210] =	vst v13;
	v8 =	vadd.f32 v8, v4;
	v11 =	vmul.f32 $1.131370830e+01, v11  }
0xe4: {  	v4 =	vld [tilespmem:s12+$0x8230];
	[tilespmem:s24+$0x6220] =	vst v9;
	v9 =	vadd.f32 v10, v3;
	v10 =	vmul.f32 $1.131370830e+01, v12  }
0xe5: {  	v3 =	vld [tilespmem:s12+$0x8240];
	[tilespmem:s24+$0x6230] =	vst v8;
	v8 =	vadd.f32 v11, v2;
	v11 =	vmul.f32 $1.131370830e+01, v16  }
0xe6: {  	v2 =	vld [tilespmem:s12+$0x8250];
	[tilespmem:s24+$0x6240] =	vst v9;
	v9 =	vadd.f32 v10, v1  }
0xe7: {  	v1 =	vld [tilespmem:s12+$0x8260];
	[tilespmem:s24+$0x6250] =	vst v8;
	v8 =	vadd.f32 v11, v0  }
0xe8: {  	v0 =	vld [tilespmem:s12+$0x8270];
	[tilespmem:s24+$0x6260] =	vst v9  }
0xe9: {  	v9 =	vld [tilespmem:s12+$0x4200];
	[tilespmem:s24+$0x6270] =	vst v8;
	s24 =	smov.u32 s12  }
0xea: {  	v8 =	vld [tilespmem:s24+$0x4210]  }
0xeb: {  	v10 =	vld [tilespmem:s24+$0x4220]  }
0xec: {  	v11 =	vld [tilespmem:s24+$0x4230]  }
0xed: {  	v12 =	vld [tilespmem:s24+$0x4240]  }
0xee: {  	v9 =	vmul.f32 $1.131370830e+01, v9;
	v13 =	vld [tilespmem:s24+$0x4250]  }
0xef: {  	v8 =	vmul.f32 $1.131370830e+01, v8;
	v14 =	vld [tilespmem:s24+$0x4260]  }
0xf0: {  	v9 =	vadd.f32 v9, v7;
	v10 =	vmul.f32 $1.131370830e+01, v10;
	v15 =	vld [tilespmem:s24+$0x4270]  }
0xf1: {  	v8 =	vadd.f32 v8, v6;
	v11 =	vmul.f32 $1.131370830e+01, v11;
	v16 =	vld [tilespmem:s24+$0x6200]  }
0xf2: {  	[tilespmem:s24+$0x4200] =	vst v9;
	v10 =	vadd.f32 v10, v5;
	v12 =	vmul.f32 $1.131370830e+01, v12;
	v17 =	vld [tilespmem:s24+$0x6210]  }
.Ltmp2:
0xf3: {  	[tilespmem:s24+$0x4210] =	vst v8;
	v11 =	vadd.f32 v11, v4;
	v13 =	vmul.f32 $1.131370830e+01, v13;
	v9 =	vld [tilespmem:s24+$0x6220];
	(pc) =	sbr.rel @p0 .LBB2_6-.Ltmp2, $4  }
0xf4: {  	[tilespmem:s24+$0x4220] =	vst v10;
	v12 =	vadd.f32 v12, v3;
	v14 =	vmul.f32 $1.131370830e+01, v14;
	v8 =	vld [tilespmem:s24+$0x6230]  }
0xf5: {  	[tilespmem:s24+$0x4230] =	vst v11;
	v13 =	vadd.f32 v13, v2;
	v18 =	vmul.f32 $1.131370830e+01, v15;
	v10 =	vld [tilespmem:s24+$0x6240]  }
0xf6: {  	[tilespmem:s24+$0x4240] =	vst v12;
	v15 =	vadd.f32 v14, v1;
	v16 =	vmul.f32 $1.131370830e+01, v16;
	v11 =	vld [tilespmem:s24+$0x6250]  }
0xf7: {  	s11 =	sadd.s32 $0x200, s11;
	[tilespmem:s24+$0x4250] =	vst v13;
	v13 =	vadd.f32 v18, v0;
	v14 =	vmul.f32 $1.131370830e+01, v17;
	v12 =	vld [tilespmem:s24+$0x6260]  }
0xf8: {  	[tilespmem:s24+$0x4260] =	vst v15;
	v7 =	vadd.f32 v16, v7;
	v9 =	vmul.f32 $1.131370830e+01, v9;
	v15 =	vld [tilespmem:s24+$0x6270]  }
0xf9: {  	[tilespmem:s24+$0x4270] =	vst v13;
	v6 =	vadd.f32 v14, v6;
	v8 =	vmul.f32 $1.131370830e+01, v8  }
0xfa: {  	[tilespmem:s24+$0x6200] =	vst v7;
	v5 =	vadd.f32 v9, v5;
	v7 =	vmul.f32 $1.131370830e+01, v10  }
0xfb: {  	[tilespmem:s24+$0x6210] =	vst v6;
	v4 =	vadd.f32 v8, v4;
	v6 =	vmul.f32 $1.131370830e+01, v11  }
0xfc: {  	[tilespmem:s24+$0x6220] =	vst v5;
	v3 =	vadd.f32 v7, v3;
	v5 =	vmul.f32 $1.131370830e+01, v12  }
0xfd: {  	[tilespmem:s24+$0x6230] =	vst v4;
	v2 =	vadd.f32 v6, v2;
	v4 =	vmul.f32 $1.131370830e+01, v15  }
0xfe: {  	[tilespmem:s24+$0x6240] =	vst v3;
	v1 =	vadd.f32 v5, v1  }
0xff: {  	[tilespmem:s24+$0x6250] =	vst v2;
	v0 =	vadd.f32 v4, v0  }
0x100: {  	[tilespmem:s24+$0x6260] =	vst v1  }
0x101: {  	s11 =	simm.s32 $0x0;
	[tilespmem:s24+$0x6270] =	vst v0  }
0x102: {  	[hbm4b:s13+s11] =	stream.linear.scatter [tilespmem:s30], [sflag:$0xB], $0x1000, $0x38;
	[tilespmem:$0xA200] =	vst v63  }
0x103: {  	_ = 	snop  }
0x104: {  	[hbm4b:s14+s11] =	stream.linear.scatter [tilespmem:s31], [sflag:$0xB], $0x1000, $0x38;
	[tilespmem:$0xA200] =	vst v63  }
0x105: {  	_ =	swait.ge [sflag:s7], $0x1000  }
0x106: {  	[sflag:s7] =	ssyncset.done $0x0  }
0x107: {  	[sflag:s7] =	ssyncadd.s32 $0xFFFFF000  }
0x108: {  	_ =	swait.ge [sflag:s8], $0x1000  }
0x109: {  	[sflag:s8] =	ssyncset.done $0x0  }
0x10a: {  	s24 =	simm.s32 $0x0;
	[sflag:s8] =	ssyncadd.s32 $0xFFFFF000  }
0x10b: {  	v7 =	vld [tilespmem:s24+$0x9200]  }
0x10c: {  	v6 =	vld [tilespmem:s24+$0x9210]  }
0x10d: {  	v5 =	vld [tilespmem:s24+$0x9220]  }
0x10e: {  	v4 =	vld [tilespmem:s24+$0x9230]  }
0x10f: {  	v3 =	vld [tilespmem:s24+$0x9240]  }
0x110: {  	v2 =	vld [tilespmem:s24+$0x9250]  }
0x111: {  	v8 =	vld [tilespmem:s24+$0x5200]  }
0x112: {  	v1 =	vld [tilespmem:s24+$0x9260]  }
0x113: {  	v0 =	vld [tilespmem:s24+$0x9270]  }
0x114: {  	v9 =	vld [tilespmem:s24+$0x5210]  }
0x115: {  	v11 =	vld [tilespmem:s24+$0x5230]  }
0x116: {  	v10 =	vld [tilespmem:s24+$0x5220];
	v8 =	vmul.f32 $1.131370830e+01, v8  }
0x117: {  	v12 =	vld [tilespmem:s24+$0x5240]  }
0x118: {  	v13 =	vld [tilespmem:s24+$0x5250];
	v8 =	vadd.f32 v8, v7  }
0x119: {  	v14 =	vld [tilespmem:s24+$0x5260];
	v9 =	vmul.f32 $1.131370830e+01, v9  }
0x11a: {  	v15 =	vld [tilespmem:s24+$0x5270];
	[tilespmem:s24+$0x5200] =	vst v8;
	v8 =	vmul.f32 $1.131370830e+01, v11  }
0x11b: {  	v16 =	vld [tilespmem:s24+$0x7200];
	v10 =	vmul.f32 $1.131370830e+01, v10;
	v9 =	vadd.f32 v9, v6  }
0x11c: {  	v17 =	vld [tilespmem:s24+$0x7210];
	v11 =	vmul.f32 $1.131370830e+01, v12;
	v12 =	vadd.f32 v8, v4  }
0x11d: {  	v13 =	vmul.f32 $1.131370830e+01, v13;
	v10 =	vadd.f32 v10, v5;
	[tilespmem:s24+$0x5210] =	vst v9;
	v9 =	vld [tilespmem:s24+$0x7220]  }
0x11e: {  	v8 =	vld [tilespmem:s24+$0x7230];
	v11 =	vadd.f32 v11, v3;
	[tilespmem:s24+$0x5230] =	vst v12;
	v12 =	vmul.f32 $1.131370830e+01, v14  }
0x11f: {  	v13 =	vadd.f32 v13, v2;
	[tilespmem:s24+$0x5220] =	vst v10;
	v10 =	vld [tilespmem:s24+$0x7240];
	v14 =	vmul.f32 $1.131370830e+01, v15  }
0x120: {  	v16 =	vmul.f32 $1.131370830e+01, v16;
	[tilespmem:s24+$0x5240] =	vst v11;
	v11 =	vld [tilespmem:s24+$0x7250];
	v15 =	vadd.f32 v12, v1  }
0x121: {  	s11 =	simm.s32 $0x200;
	[tilespmem:s24+$0x5250] =	vst v13;
	v13 =	vadd.f32 v14, v0;
	v14 =	vmul.f32 $1.131370830e+01, v17;
	v12 =	vld [tilespmem:s24+$0x7260]  }
.LBB2_8:
0x122: {  	s12 =	sshra.s32 s11, $0x2;
	p0 =	sne.s32 s11, $0x3E00;
	[tilespmem:s24+$0x5260] =	vst v15;
	v15 =	vadd.f32 v16, v7;
	v9 =	vmul.f32 $1.131370830e+01, v9;
	v16 =	vld [tilespmem:s24+$0x7270]  }
0x123: {  	v7 =	vld [tilespmem:s12+$0x9200];
	[tilespmem:s24+$0x5270] =	vst v13;
	v13 =	vadd.f32 v14, v6;
	v8 =	vmul.f32 $1.131370830e+01, v8  }
0x124: {  	v6 =	vld [tilespmem:s12+$0x9210];
	[tilespmem:s24+$0x7200] =	vst v15;
	v9 =	vadd.f32 v9, v5;
	v10 =	vmul.f32 $1.131370830e+01, v10  }
0x125: {  	v5 =	vld [tilespmem:s12+$0x9220];
	[tilespmem:s24+$0x7210] =	vst v13;
	v8 =	vadd.f32 v8, v4;
	v11 =	vmul.f32 $1.131370830e+01, v11  }
0x126: {  	v4 =	vld [tilespmem:s12+$0x9230];
	[tilespmem:s24+$0x7220] =	vst v9;
	v9 =	vadd.f32 v10, v3;
	v10 =	vmul.f32 $1.131370830e+01, v12  }
0x127: {  	v3 =	vld [tilespmem:s12+$0x9240];
	[tilespmem:s24+$0x7230] =	vst v8;
	v8 =	vadd.f32 v11, v2;
	v11 =	vmul.f32 $1.131370830e+01, v16  }
0x128: {  	v2 =	vld [tilespmem:s12+$0x9250];
	[tilespmem:s24+$0x7240] =	vst v9;
	v9 =	vadd.f32 v10, v1  }
0x129: {  	v1 =	vld [tilespmem:s12+$0x9260];
	[tilespmem:s24+$0x7250] =	vst v8;
	v8 =	vadd.f32 v11, v0  }
0x12a: {  	v0 =	vld [tilespmem:s12+$0x9270];
	[tilespmem:s24+$0x7260] =	vst v9  }
0x12b: {  	v9 =	vld [tilespmem:s12+$0x5200];
	[tilespmem:s24+$0x7270] =	vst v8;
	s24 =	smov.u32 s12  }
0x12c: {  	v8 =	vld [tilespmem:s24+$0x5210]  }
0x12d: {  	v10 =	vld [tilespmem:s24+$0x5220]  }
0x12e: {  	v11 =	vld [tilespmem:s24+$0x5230]  }
0x12f: {  	v12 =	vld [tilespmem:s24+$0x5240]  }
0x130: {  	v9 =	vmul.f32 $1.131370830e+01, v9;
	v13 =	vld [tilespmem:s24+$0x5250]  }
0x131: {  	v8 =	vmul.f32 $1.131370830e+01, v8;
	v14 =	vld [tilespmem:s24+$0x5260]  }
0x132: {  	v9 =	vadd.f32 v9, v7;
	v10 =	vmul.f32 $1.131370830e+01, v10;
	v15 =	vld [tilespmem:s24+$0x5270]  }
0x133: {  	v8 =	vadd.f32 v8, v6;
	v11 =	vmul.f32 $1.131370830e+01, v11;
	v16 =	vld [tilespmem:s24+$0x7200]  }
0x134: {  	[tilespmem:s24+$0x5200] =	vst v9;
	v10 =	vadd.f32 v10, v5;
	v12 =	vmul.f32 $1.131370830e+01, v12;
	v17 =	vld [tilespmem:s24+$0x7210]  }
.Ltmp3:
0x135: {  	[tilespmem:s24+$0x5210] =	vst v8;
	v11 =	vadd.f32 v11, v4;
	v13 =	vmul.f32 $1.131370830e+01, v13;
	v9 =	vld [tilespmem:s24+$0x7220];
	(pc) =	sbr.rel @p0 .LBB2_8-.Ltmp3, $4  }
0x136: {  	[tilespmem:s24+$0x5220] =	vst v10;
	v12 =	vadd.f32 v12, v3;
	v14 =	vmul.f32 $1.131370830e+01, v14;
	v8 =	vld [tilespmem:s24+$0x7230]  }
0x137: {  	[tilespmem:s24+$0x5230] =	vst v11;
	v13 =	vadd.f32 v13, v2;
	v18 =	vmul.f32 $1.131370830e+01, v15;
	v10 =	vld [tilespmem:s24+$0x7240]  }
0x138: {  	[tilespmem:s24+$0x5240] =	vst v12;
	v15 =	vadd.f32 v14, v1;
	v16 =	vmul.f32 $1.131370830e+01, v16;
	v11 =	vld [tilespmem:s24+$0x7250]  }
0x139: {  	s11 =	sadd.s32 $0x200, s11;
	[tilespmem:s24+$0x5250] =	vst v13;
	v13 =	vadd.f32 v18, v0;
	v14 =	vmul.f32 $1.131370830e+01, v17;
	v12 =	vld [tilespmem:s24+$0x7260]  }
0x13a: {  	[tilespmem:s24+$0x5260] =	vst v15;
	v7 =	vadd.f32 v16, v7;
	v9 =	vmul.f32 $1.131370830e+01, v9;
	v59 =	vld [tilespmem:s24+$0x7270]  }
0x13b: {  	[tilespmem:s24+$0x5270] =	vst v13;
	v6 =	vadd.f32 v14, v6;
	v8 =	vmul.f32 $1.131370830e+01, v8  }
0x13c: {  	[tilespmem:s24+$0x7200] =	vst v7;
	v5 =	vadd.f32 v9, v5;
	v60 =	vmul.f32 $1.131370830e+01, v10  }
0x13d: {  	[tilespmem:s24+$0x7210] =	vst v6;
	v4 =	vadd.f32 v8, v4;
	v61 =	vmul.f32 $1.131370830e+01, v11  }
0x13e: {  	[tilespmem:s24+$0x7220] =	vst v5;
	v3 =	vadd.f32 v60, v3;
	v62 =	vmul.f32 $1.131370830e+01, v12  }
0x13f: {  	[tilespmem:s24+$0x7230] =	vst v4;
	v2 =	vadd.f32 v61, v2;
	v63 =	vmul.f32 $1.131370830e+01, v59  }
0x140: {  	[tilespmem:s24+$0x7240] =	vst v3;
	v1 =	vadd.f32 v62, v1  }
0x141: {  	[tilespmem:s24+$0x7250] =	vst v2;
	v0 =	vadd.f32 v63, v0  }
0x142: {  	[tilespmem:s24+$0x7260] =	vst v1  }
0x143: {  	[tilespmem:s24+$0x7270] =	vst v0  }
0x144: {  	[hbm4b:s15+s3] =	stream.linear.scatter [tilespmem:s0], [sflag:$0xB], $0x1000, $0x38;
	[tilespmem:$0xA200] =	vst v63  }
0x145: {  	_ = 	snop  }
0x146: {  	[hbm4b:s16+s3] =	stream.linear.scatter [tilespmem:s28], [sflag:$0xB], $0x1000, $0x38;
	[tilespmem:$0xA200] =	vst v63  }
0x147: {  	_ =	swait.ge [sflag:s23], $0x1000  }
0x148: {  	[sflag:s23] =	ssyncset.done $0x0  }
0x149: {  	[sflag:s23] =	ssyncadd.s32 $0xFFFFF000  }
0x14a: {  	_ =	swait.ge [sflag:s23], $0x1000  }
0x14b: {  	[sflag:s23] =	ssyncset.done $0x0  }
0x14c: {  	[sflag:s23] =	ssyncadd.s32 $0xFFFFF000  }
0x14d: {  	_ =	swait.ge [sflag:s23], $0x1000  }
0x14e: {  	[sflag:s23] =	ssyncset.done $0x0  }
0x14f: {  	[sflag:s23] =	ssyncadd.s32 $0xFFFFF000  }
0x150: {  	_ =	swait.ge [sflag:s23], $0x1000  }
0x151: {  	[sflag:s23] =	ssyncset.done $0x0  }
0x152: {  	[sflag:s23] =	ssyncadd.s32 $0xFFFFF000  }
0x153: {  	_ =	swait.ge [sflag:s23], $0x1000  }
0x154: {  	[sflag:s23] =	ssyncset.done $0x0  }
0x155: {  	[sflag:s23] =	ssyncadd.s32 $0xFFFFF000  }
0x156: {  	_ =	swait.ge [sflag:s23], $0x1000  }
0x157: {  	[sflag:s23] =	ssyncset.done $0x0  }
0x158: {  	s10 =	sadd.s32 $0x1, s10;
	[sflag:s23] =	ssyncadd.s32 $0xFFFFF000  }
0x159: {  	p0 =	sne.s32 s10, s17;
	_ =	swait.ge [sflag:s23], $0x1000  }
.Ltmp4:
0x15a: {  	[sflag:s23] =	ssyncset.done $0x0;
	(pc) =	sbr.rel @p0 .LBB2_1-.Ltmp4, $4  }
0x15b: {  	[sflag:s23] =	ssyncadd.s32 $0xFFFFF000  }
0x15c: {  	_ =	swait.ge [sflag:s23], $0x1000  }
0x15d: {  	[sflag:s23] =	ssyncset.done $0x0  }
0x15e: {  	[sflag:s23] =	ssyncadd.s32 $0xFFFFF000  }
0x15f: {  	_ =	sfence.sel $0x180000  }
0x160: {  	[bflag:$0x0] =	sbarrier.arrive $0xFFFF  }
0x161: {  	_ =	strace $0x90000047  }
0x162: {  	s0 =	stileid.u32;
	[bflag:$0x2] =	sbarrier.arrive $0xFFFF  }
0x163: {  	p0 =	sne.s32 s0, $0x0;
	s0 =	rddreg [dreg:$0x4]  }
0x164: {  	s0 =	sadd.s32 @!p0 $0x100000, s0  }
0x165: {  	[sflag:s0] =	ssyncadd.tile.s32 @!p0 $0x1;
	_ =	shalt  }
.Lfunc_end2:
_tile_overlayer_lowered:
.L_overlay_start_2:
0x166: {  	(tag) =	ssettag $0x2  }
0x167: {  	s0 =	rddreg [dreg:$0x0];
	s2 =	stileid.u32  }
0x168: {  	s1 =	rddreg [dreg:$0x1];
	p0 =	sne.s32 s2, $0x0  }
0x169: {  	s3 =	rddreg [dreg:$0x2];
	[bflag:$0x3] =	sbarrier.arrive $0xFFFF;
	s2 =	simm.s32 @!p0 $0x1C0C  }
0x16a: {  	[timem:s3], [sflag:s2] =	dma.local @!p0 [hbm:s0], s1  }
0x16b: {  	s0 =	simm.s32 @!p0 $0xC  }
0x16c: {  	_ =	swait.ge @!p0 [sflag:s0], s1  }
0x16d: {  	s1 =	ssub.s32 @!p0 $0x0, s1;
	[sflag:s0] =	ssyncset.done @!p0 $0x0  }
0x16e: {  	[sflag:s0] =	ssyncadd.s32 @!p0 s1  }
0x16f: {  	[bflag:$0x3] =	sbarrier.arrive $0xFFFF  }
0x170: {  	_ =	shalt  }

</sc_bundles>
